<compile_context>
chip_gen: v7x
topology: tpu7x:2x2x1
jax: 0.10.2.dev20260603
libtpu: 0.0.44.dev20260713+nightly
codegen_flags: <defaults>
</compile_context>

<pallas_src>
import functools

import jax
import jax.numpy as jnp
from jax import lax
from jax.experimental import pallas as pl
from jax.experimental.pallas import tpu as pltpu
from jax.experimental.pallas import tpu_sc as plsc

B, N, C = 32, 8192, 128
K = 16
L = 16
NC = 2
NCHUNKS = N // L

NEG = float("-inf")
IBIG = 2**31 - 1



def _scores_body(x_ref, o_ref):
    o_ref[...] = jnp.max(x_ref[...], axis=2)


def _tc_scores(x):
    return pl.pallas_call(
        _scores_body,
        grid=(4, 8),
        in_specs=[pl.BlockSpec((8, 1024, 128), lambda i, j: (i, j, 0))],
        out_specs=pl.BlockSpec((8, 1024), lambda i, j: (i, j)),
        out_shape=jax.ShapeDtypeStruct((B, N), jnp.float32),
    )(x)



def _sc_body(scores_hbm, x_hbm, out_hbm,
             scores_v, cand_v, cand_i, idx_v, rows_v, out_v, sem):
    cid = lax.axis_index("c")
    sid = lax.axis_index("s")
    b = sid * NC + cid
    lanes = lax.iota(jnp.int32, L)

    pltpu.sync_copy(scores_hbm.at[b], scores_v)

    def p1(j, m):
        return jnp.maximum(m, scores_v[pl.ds(j * L, L)])

    m = lax.fori_loop(0, NCHUNKS, p1, jnp.full((L,), NEG, jnp.float32))
    t0 = jnp.min(m)

    def p2(j, off):
        v = scores_v[pl.ds(j * L, L)]
        msk = v >= t0
        pos = off + plsc.cumsum(msk.astype(jnp.int32)) - 1
        idx = lanes + j * L
        plsc.store_scatter(cand_v, [pos], v, mask=msk)
        plsc.store_scatter(cand_i, [pos], idx, mask=msk)
        cnt = jnp.max(plsc.all_reduce_population_count(msk))
        return off + cnt

    c = lax.fori_loop(0, NCHUNKS, p2, jnp.int32(0))

    pad_pos = jnp.full((L,), c, jnp.int32) + lanes
    plsc.store_scatter(cand_v, [pad_pos], jnp.full((L,), NEG, jnp.float32))
    plsc.store_scatter(cand_i, [pad_pos], jnp.full((L,), IBIG, jnp.int32))
    nch = (c + (L - 1)) // L

    lane0 = lanes == 0
    for s in range(K):
        def scan(j, carry):
            bv, bi, bp = carry
            v = cand_v[pl.ds(j * L, L)]
            ii = cand_i[pl.ds(j * L, L)]
            pp = lanes + j * L
            take = v > bv
            return (jnp.where(take, v, bv),
                    jnp.where(take, ii, bi),
                    jnp.where(take, pp, bp))

        bv, bi, bp = lax.fori_loop(
            0, nch, scan,
            (jnp.full((L,), NEG, jnp.float32),
             jnp.full((L,), IBIG, jnp.int32),
             jnp.full((L,), IBIG, jnp.int32)))
        mval = jnp.max(bv)
        eq = bv == mval
        mi = jnp.min(jnp.where(eq, bi, IBIG))
        pos = jnp.min(jnp.where(eq & (bi == mi), bp, IBIG))
        plsc.store_scatter(idx_v, [jnp.full((L,), s, jnp.int32)],
                           jnp.full((L,), mi + b * N, jnp.int32), mask=lane0)
        plsc.store_scatter(cand_v, [jnp.full((L,), pos, jnp.int32)],
                           jnp.full((L,), NEG, jnp.float32), mask=lane0)

    pltpu.async_copy(x_hbm.at[idx_v], rows_v, sem).wait()
    for cc in range(C // L):
        acc = jnp.zeros((L,), jnp.float32)
        for r in range(K):
            acc = acc + rows_v[r, pl.ds(cc * L, L)]
        out_v[pl.ds(cc * L, L)] = acc * jnp.float32(1.0 / K)
    pltpu.sync_copy(out_v, out_hbm.at[b])


_sc_topk_mean = functools.partial(
    pl.kernel,
    mesh=plsc.VectorSubcoreMesh(core_axis_name="c", subcore_axis_name="s"),
    compiler_params=pltpu.CompilerParams(needs_layout_passes=False),
    out_type=jax.ShapeDtypeStruct((B, C), jnp.float32),
    scratch_types=[
        pltpu.VMEM((N,), jnp.float32),
        pltpu.VMEM((N + L,), jnp.float32),
        pltpu.VMEM((N + L,), jnp.int32),
        pltpu.VMEM((K,), jnp.int32),
        pltpu.VMEM((K, C), jnp.float32),
        pltpu.VMEM((C,), jnp.float32),
        pltpu.SemaphoreType.DMA,
    ],
)(_sc_body)


@jax.jit
def kernel(input):
    scores = _tc_scores(input)
    out = _sc_topk_mean(scores, input.reshape(B * N, C))
    return out[:, None, :]

# --- scband reference (transcript-rebuilt; emitter-appended) ---
"""Pipeline reference for scband-consensus-module-3161095929857 (READ-ONLY COPY).

The authoritative reference and input builder live on the scoring server;
editing this copy changes nothing except your own understanding.
"""

import jax, jax.numpy as jnp
import numpy as np

TOP_K = 16

def setup_inputs(seed: int = 0) -> dict:
    key = jax.random.key(seed)
    x = jax.random.normal(key, (32, 8192, 128), dtype=jnp.float32)
    return {"input": x}

def reference(input):
    # scsampler path of ConsensusModule.forward
    # scores computed on detached input (stop_gradient)
    scores = jnp.max(jax.lax.stop_gradient(input), axis=2)  # [B, N]
    _, idx = jax.lax.top_k(scores, TOP_K)                   # [B, k]
    # gather the top-k segments per batch element
    gathered = jnp.take_along_axis(input, idx[:, :, None], axis=1)  # [B, k, C]
    output = jnp.mean(gathered, axis=1, keepdims=True)      # [B, 1, C]
    return output

if __name__ == "__main__":
    import jax
    _d = setup_inputs()
    print(jax.jit(kernel)(*tuple(_d.values())))

</pallas_src>

<mosaic_0001>
#map = affine_map<(d0, d1) -> (0, 0)>
module attributes {stable_mosaic.version = 14 : i64} {
  func.func @_sc_body(%arg0: i32, %arg1: i32, %arg2: memref<32x8192xf32, #tpu.memory_space<hbm>>, %arg3: memref<262144x128xf32, #tpu.memory_space<hbm>>, %arg4: memref<32x128xf32, #tpu.memory_space<hbm>>, %arg5: memref<8192xf32, #tpu.memory_space<vmem>>, %arg6: memref<8208xf32, #tpu.memory_space<vmem>>, %arg7: memref<8208xi32, #tpu.memory_space<vmem>>, %arg8: memref<16xi32, #tpu.memory_space<vmem>>, %arg9: memref<16x128xf32, #tpu.memory_space<vmem>>, %arg10: memref<128xf32, #tpu.memory_space<vmem>>, %arg11: memref<!tpu.dma_semaphore, #tpu.memory_space<semaphore_mem>>) attributes {dimension_semantics = [#tpu.dimension_semantics<core_parallel>, #tpu.dimension_semantics<subcore_parallel>], iteration_bounds = array<i64: 2, 16>, scalar_prefetch = 0 : i64, scratch_operands = 7 : i64, tpu.core_type = #tpu.core_type<sc_vector_subcore>, window_params = [{transform_indices = #map}, {transform_indices = #map}, {transform_indices = #map}]} {
    %mul3A = arith.constant 2 : i32
    %mul3A_0 = arith.muli %arg1, %mul3A : i32
    %add3A = arith.addi %mul3A_0, %arg0 : i32
    %iota3A = tpu.iota {dimensions = array<i32: 0>} : vector<16xi32>
    "tpu.region"() ({
      %run_scoped3A = tpu.sem_alloc : memref<!tpu.dma_semaphore, #tpu.memory_space<semaphore_mem>>
      %dma_start3A_1651 = arith.constant 0 : i32
      %dma_start3A_1652 = tpu.memref_slice %arg2[%add3A, %dma_start3A_1651] : memref<32x8192xf32, #tpu.memory_space<hbm>> -> memref<1x8192xf32, #tpu.memory_space<hbm>>
      %dma_start3A_1653 = tpu.memref_squeeze %dma_start3A_1652 : memref<1x8192xf32, #tpu.memory_space<hbm>> -> memref<8192xf32, #tpu.memory_space<hbm>>
      %dma_start3A_1654 = arith.constant 0 : i32
      %dma_start3A_1655 = tpu.memref_slice %arg2[%add3A, %dma_start3A_1654] : memref<32x8192xf32, #tpu.memory_space<hbm>> -> memref<1x8192xf32, #tpu.memory_space<hbm>>
      %dma_start3A_1656 = tpu.memref_squeeze %dma_start3A_1655 : memref<1x8192xf32, #tpu.memory_space<hbm>> -> memref<8192xf32, #tpu.memory_space<hbm>>
      tpu.enqueue_dma source(%dma_start3A_1656 : memref<8192xf32, #tpu.memory_space<hbm>>) target(%arg5 : memref<8192xf32, #tpu.memory_space<vmem>>) target_semaphore(%run_scoped3A : memref<!tpu.dma_semaphore, #tpu.memory_space<semaphore_mem>>)
      %dma_wait3A_1657 = arith.constant 0 : i32
      %dma_wait3A_1658 = tpu.memref_slice %arg2[%add3A, %dma_wait3A_1657] : memref<32x8192xf32, #tpu.memory_space<hbm>> -> memref<1x8192xf32, #tpu.memory_space<hbm>>
      %dma_wait3A_1659 = tpu.memref_squeeze %dma_wait3A_1658 : memref<1x8192xf32, #tpu.memory_space<hbm>> -> memref<8192xf32, #tpu.memory_space<hbm>>
      %dma_wait3A_1660 = arith.constant 0 : i32
      %dma_wait3A_1661 = tpu.memref_slice %arg2[%add3A, %dma_wait3A_1660] : memref<32x8192xf32, #tpu.memory_space<hbm>> -> memref<1x8192xf32, #tpu.memory_space<hbm>>
      %dma_wait3A_1662 = tpu.memref_squeeze %dma_wait3A_1661 : memref<1x8192xf32, #tpu.memory_space<hbm>> -> memref<8192xf32, #tpu.memory_space<hbm>>
      tpu.wait_dma2 semaphore(%run_scoped3A : memref<!tpu.dma_semaphore, #tpu.memory_space<semaphore_mem>>) src(%dma_wait3A_1662 : memref<8192xf32, #tpu.memory_space<hbm>>) dst(%arg5 : memref<8192xf32, #tpu.memory_space<vmem>>)
      tpu.yield
    }) : () -> ()
    %broadcast_in_dim3A = arith.constant 0xFF800000 : f32
    %broadcast_in_dim3A_1 = vector.broadcast %broadcast_in_dim3A : f32 to vector<16xf32>
    %scan3A = arith.constant 0 : i32
    %scan3A_2 = arith.constant 512 : i32
    %scan3A_3 = arith.addi %scan3A, %scan3A_2 : i32
    %scan3A_4 = arith.constant 1 : i32
    %scan3A_5 = scf.for %scan3A_1651 = %scan3A to %scan3A_3 step %scan3A_4 iter_args(%scan3A_1652 = %broadcast_in_dim3A_1) -> (vector<16xf32>)  : i32 {
      %mul3A_1653 = arith.constant 16 : i32
      %mul3A_1654 = arith.muli %scan3A_1651, %mul3A_1653 : i32
      %get3A_1655 = arith.index_cast %mul3A_1654 : i32 to index
      %get3A_1656 = tpu.vector_load %arg5[%get3A_1655] {strides = array<i32>} : memref<8192xf32, #tpu.memory_space<vmem>>, vector<16xf32>,
      %max3A = arith.maximumf %scan3A_1652, %get3A_1656 : vector<16xf32>
      scf.yield %max3A : vector<16xf32>
    }
    %scan3A_6 = arith.constant 512 : i32
    %reduce_min3A = arith.constant true
    %reduce_min3A_7 = vector.broadcast %reduce_min3A : i1 to vector<16xi1>
    %reduce_min3A_8 = tpu.scan <min>, %scan3A_5 masked %reduce_min3A_7 : vector<16xf32>, vector<16xi1> -> vector<16xf32>
    %reduce_min3A_9 = vector.extract %reduce_min3A_8[15] : f32 from vector<16xf32>
    %scan3A_10 = arith.constant 0 : i32
    %scan3A_11 = arith.constant 0 : i32
    %scan3A_12 = arith.constant 512 : i32
    %scan3A_13 = arith.addi %scan3A_11, %scan3A_12 : i32
    %scan3A_14 = arith.constant 1 : i32
    %scan3A_15 = scf.for %scan3A_1651 = %scan3A_11 to %scan3A_13 step %scan3A_14 iter_args(%scan3A_1652 = %scan3A_10) -> (i32)  : i32 {
      %mul3A_1653 = arith.constant 16 : i32
      %mul3A_1654 = arith.muli %scan3A_1651, %mul3A_1653 : i32
      %get3A_1655 = arith.index_cast %mul3A_1654 : i32 to index
      %get3A_1656 = tpu.vector_load %arg5[%get3A_1655] {strides = array<i32>} : memref<8192xf32, #tpu.memory_space<vmem>>, vector<16xf32>,
      %ge3A = vector.broadcast %reduce_min3A_9 : f32 to vector<16xf32>
      %ge3A_1657 = arith.cmpf oge, %get3A_1656, %ge3A : vector<16xf32>
      %convert_element_type3A = arith.extui %ge3A_1657 : vector<16xi1> to vector<16xi32>
      %broadcast_in_dim3A_1658 = arith.constant true
      %broadcast_in_dim3A_1659 = vector.broadcast %broadcast_in_dim3A_1658 : i1 to vector<16xi1>
      %masked_cumsum3A = tpu.scan <sum>, %convert_element_type3A masked %broadcast_in_dim3A_1659 : vector<16xi32>, vector<16xi1> -> vector<16xi32>
      %add3A_1660 = vector.broadcast %scan3A_1652 : i32 to vector<16xi32>
      %add3A_1661 = arith.addi %add3A_1660, %masked_cumsum3A : vector<16xi32>
      %sub3A_1662 = arith.constant 1 : i32
      %sub3A_1663 = vector.broadcast %sub3A_1662 : i32 to vector<16xi32>
      %sub3A_1664 = arith.subi %add3A_1661, %sub3A_1663 : vector<16xi32>
      %mul3A_1665 = arith.constant 16 : i32
      %mul3A_1666 = arith.muli %scan3A_1651, %mul3A_1665 : i32
      %add3A_1667 = vector.broadcast %mul3A_1666 : i32 to vector<16xi32>
      %add3A_1668 = arith.addi %iota3A, %add3A_1667 : vector<16xi32>
      tpu.vector_store_idx %arg6[%sub3A_1664], %get3A_1656 masked %ge3A_1657 : memref<8208xf32, #tpu.memory_space<vmem>>[vector<16xi32>], vector<16xf32>, vector<16xi1>
      tpu.vector_store_idx %arg7[%sub3A_1664], %add3A_1668 masked %ge3A_1657 : memref<8208xi32, #tpu.memory_space<vmem>>[vector<16xi32>], vector<16xi32>, vector<16xi1>
      %all_reduce_population_count3A = tpu.all_reduce %ge3A_1657 {dim = 0 : i64, kind = #tpu.reduction_kind<sum>} : vector<16xi1> -> vector<16xi32>
      %reduce_max3A_1669 = arith.constant true
      %reduce_max3A_1670 = vector.broadcast %reduce_max3A_1669 : i1 to vector<16xi1>
      %reduce_max3A_1671 = arith.constant -2147483648 : i32
      %reduce_max3A_1672 = vector.broadcast %reduce_max3A_1671 : i32 to vector<16xi32>
      %reduce_max3A_1673 = arith.xori %all_reduce_population_count3A, %reduce_max3A_1672 : vector<16xi32>
      %reduce_max3A_1674 = tpu.scan <max>, %reduce_max3A_1673 masked %reduce_max3A_1670 : vector<16xi32>, vector<16xi1> -> vector<16xi32>
      %reduce_max3A_1675 = arith.xori %reduce_max3A_1674, %reduce_max3A_1672 : vector<16xi32>
      %reduce_max3A_1676 = vector.extract %reduce_max3A_1675[15] : i32 from vector<16xi32>
      %add3A_1677 = arith.addi %scan3A_1652, %reduce_max3A_1676 : i32
      scf.yield %add3A_1677 : i32
    }
    %scan3A_16 = arith.constant 512 : i32
    %broadcast_in_dim3A_17 = vector.broadcast %scan3A_15 : i32 to vector<16xi32>
    %add3A_18 = arith.addi %broadcast_in_dim3A_17, %iota3A : vector<16xi32>
    %broadcast_in_dim3A_19 = arith.constant 0xFF800000 : f32
    %broadcast_in_dim3A_20 = vector.broadcast %broadcast_in_dim3A_19 : f32 to vector<16xf32>
    tpu.vector_store_idx %arg6[%add3A_18], %broadcast_in_dim3A_20 : memref<8208xf32, #tpu.memory_space<vmem>>[vector<16xi32>], vector<16xf32>,
    %broadcast_in_dim3A_21 = arith.constant 2147483647 : i32
    %broadcast_in_dim3A_22 = vector.broadcast %broadcast_in_dim3A_21 : i32 to vector<16xi32>
    tpu.vector_store_idx %arg7[%add3A_18], %broadcast_in_dim3A_22 : memref<8208xi32, #tpu.memory_space<vmem>>[vector<16xi32>], vector<16xi32>,
    %add3A_23 = arith.constant 15 : i32
    %add3A_24 = arith.addi %scan3A_15, %add3A_23 : i32
    %jit3A = arith.constant 16 : i32
    %div3A = arith.divsi %add3A_24, %jit3A : i32
    %sign3A = arith.constant 0 : i32
    %sign3A_25 = arith.cmpi sgt, %add3A_24, %sign3A : i32
    %sign3A_26 = arith.extui %sign3A_25 : i1 to i32
    %sign3A_27 = arith.constant 0 : i32
    %sign3A_28 = arith.cmpi slt, %add3A_24, %sign3A_27 : i32
    %sign3A_29 = arith.extui %sign3A_28 : i1 to i32
    %sign3A_30 = arith.subi %sign3A_26, %sign3A_29 : i32
    %sign3A_31 = arith.constant 0 : i32
    %sign3A_32 = arith.cmpi sgt, %jit3A, %sign3A_31 : i32
    %sign3A_33 = arith.extui %sign3A_32 : i1 to i32
    %sign3A_34 = arith.constant 0 : i32
    %sign3A_35 = arith.cmpi slt, %jit3A, %sign3A_34 : i32
    %sign3A_36 = arith.extui %sign3A_35 : i1 to i32
    %sign3A_37 = arith.subi %sign3A_33, %sign3A_36 : i32
    %ne3A = arith.cmpi ne, %sign3A_30, %sign3A_37 : i32
    %rem3A = arith.remsi %add3A_24, %jit3A : i32
    %ne3A_38 = arith.constant 0 : i32
    %ne3A_39 = arith.cmpi ne, %rem3A, %ne3A_38 : i32
    %and3A = arith.andi %ne3A, %ne3A_39 : i1
    %sub3A = arith.constant 1 : i32
    %sub3A_40 = arith.subi %div3A, %sub3A : i32
    %select_n3A = arith.select %and3A, %sub3A_40, %div3A : i32
    %eq3A = arith.constant 0 : i32
    %eq3A_41 = vector.broadcast %eq3A : i32 to vector<16xi32>
    %eq3A_42 = arith.cmpi eq, %iota3A, %eq3A_41 : vector<16xi32>
    %broadcast_in_dim3A_43 = arith.constant 0xFF800000 : f32
    %broadcast_in_dim3A_44 = vector.broadcast %broadcast_in_dim3A_43 : f32 to vector<16xf32>
    %broadcast_in_dim3A_45 = arith.constant 2147483647 : i32
    %broadcast_in_dim3A_46 = vector.broadcast %broadcast_in_dim3A_45 : i32 to vector<16xi32>
    %broadcast_in_dim3A_47 = arith.constant 2147483647 : i32
    %broadcast_in_dim3A_48 = vector.broadcast %broadcast_in_dim3A_47 : i32 to vector<16xi32>
    %while3A = arith.constant 0 : i32
    %while3A_49 = arith.subi %select_n3A, %while3A : i32
    %while3A_50 = arith.addi %while3A, %while3A_49 : i32
    %while3A_51 = arith.constant 1 : i32
    %while3A_52 = arith.divsi %while3A_49, %while3A_51 : i32
    %while3A_53 = arith.muli %while3A_52, %while3A_51 : i32
    %while3A_54 = arith.addi %while3A, %while3A_53 : i32
    %while3A_55 = arith.constant 1 : i32
    %while3A_56:3 = scf.for %while3A_1651 = %while3A to %while3A_54 step %while3A_55 iter_args(%while3A_1652 = %broadcast_in_dim3A_44, %while3A_1653 = %broadcast_in_dim3A_46, %while3A_1654 = %broadcast_in_dim3A_48) -> (vector<16xf32>, vector<16xi32>, vector<16xi32>)  : i32 {
      %mul3A_1655 = arith.constant 16 : i32
      %mul3A_1656 = arith.muli %while3A_1651, %mul3A_1655 : i32
      %get3A_1657 = arith.index_cast %mul3A_1656 : i32 to index
      %get3A_1658 = tpu.vector_load %arg6[%get3A_1657] {strides = array<i32>} : memref<8208xf32, #tpu.memory_space<vmem>>, vector<16xf32>,
      %mul3A_1659 = arith.constant 16 : i32
      %mul3A_1660 = arith.muli %while3A_1651, %mul3A_1659 : i32
      %get3A_1661 = arith.index_cast %mul3A_1660 : i32 to index
      %get3A_1662 = tpu.vector_load %arg7[%get3A_1661] {strides = array<i32>} : memref<8208xi32, #tpu.memory_space<vmem>>, vector<16xi32>,
      %mul3A_1663 = arith.constant 16 : i32
      %mul3A_1664 = arith.muli %while3A_1651, %mul3A_1663 : i32
      %add3A_1665 = vector.broadcast %mul3A_1664 : i32 to vector<16xi32>
      %add3A_1666 = arith.addi %iota3A, %add3A_1665 : vector<16xi32>
      %gt3A = arith.cmpf ogt, %get3A_1658, %while3A_1652 : vector<16xf32>
      %select_n3A_1667 = arith.select %gt3A, %get3A_1658, %while3A_1652 : vector<16xi1>, vector<16xf32>
      %select_n3A_1668 = arith.select %gt3A, %get3A_1662, %while3A_1653 : vector<16xi1>, vector<16xi32>
      %select_n3A_1669 = arith.select %gt3A, %add3A_1666, %while3A_1654 : vector<16xi1>, vector<16xi32>
      scf.yield %select_n3A_1667, %select_n3A_1668, %select_n3A_1669 : vector<16xf32>, vector<16xi32>, vector<16xi32>
    }
    %while3A_57 = arith.constant 1 : i32
    %while3A_58:3 = scf.for %while3A_1651 = %while3A_54 to %while3A_50 step %while3A_57 iter_args(%while3A_1652 = %while3A_56#0, %while3A_1653 = %while3A_56#1, %while3A_1654 = %while3A_56#2) -> (vector<16xf32>, vector<16xi32>, vector<16xi32>)  : i32 {
      %mul3A_1655 = arith.constant 16 : i32
      %mul3A_1656 = arith.muli %while3A_1651, %mul3A_1655 : i32
      %get3A_1657 = arith.index_cast %mul3A_1656 : i32 to index
      %get3A_1658 = tpu.vector_load %arg6[%get3A_1657] {strides = array<i32>} : memref<8208xf32, #tpu.memory_space<vmem>>, vector<16xf32>,
      %mul3A_1659 = arith.constant 16 : i32
      %mul3A_1660 = arith.muli %while3A_1651, %mul3A_1659 : i32
      %get3A_1661 = arith.index_cast %mul3A_1660 : i32 to index
      %get3A_1662 = tpu.vector_load %arg7[%get3A_1661] {strides = array<i32>} : memref<8208xi32, #tpu.memory_space<vmem>>, vector<16xi32>,
      %mul3A_1663 = arith.constant 16 : i32
      %mul3A_1664 = arith.muli %while3A_1651, %mul3A_1663 : i32
      %add3A_1665 = vector.broadcast %mul3A_1664 : i32 to vector<16xi32>
      %add3A_1666 = arith.addi %iota3A, %add3A_1665 : vector<16xi32>
      %gt3A = arith.cmpf ogt, %get3A_1658, %while3A_1652 : vector<16xf32>
      %select_n3A_1667 = arith.select %gt3A, %get3A_1658, %while3A_1652 : vector<16xi1>, vector<16xf32>
      %select_n3A_1668 = arith.select %gt3A, %get3A_1662, %while3A_1653 : vector<16xi1>, vector<16xi32>
      %select_n3A_1669 = arith.select %gt3A, %add3A_1666, %while3A_1654 : vector<16xi1>, vector<16xi32>
      scf.yield %select_n3A_1667, %select_n3A_1668, %select_n3A_1669 : vector<16xf32>, vector<16xi32>, vector<16xi32>
    }
    %reduce_max3A = arith.constant true
    %reduce_max3A_59 = vector.broadcast %reduce_max3A : i1 to vector<16xi1>
    %reduce_max3A_60 = tpu.scan <max>, %while3A_58#0 masked %reduce_max3A_59 : vector<16xf32>, vector<16xi1> -> vector<16xf32>
    %reduce_max3A_61 = vector.extract %reduce_max3A_60[15] : f32 from vector<16xf32>
    %eq3A_62 = vector.broadcast %reduce_max3A_61 : f32 to vector<16xf32>
    %eq3A_63 = arith.cmpf oeq, %while3A_58#0, %eq3A_62 : vector<16xf32>
    %jit3A_64 = arith.constant 2147483647 : i32
    %broadcast_in_dim3A_65 = vector.broadcast %jit3A_64 : i32 to vector<16xi32>
    %select_n3A_66 = arith.select %eq3A_63, %while3A_58#1, %broadcast_in_dim3A_65 : vector<16xi1>, vector<16xi32>
    %reduce_min3A_67 = arith.constant true
    %reduce_min3A_68 = vector.broadcast %reduce_min3A_67 : i1 to vector<16xi1>
    %reduce_min3A_69 = arith.constant -2147483648 : i32
    %reduce_min3A_70 = vector.broadcast %reduce_min3A_69 : i32 to vector<16xi32>
    %reduce_min3A_71 = arith.xori %select_n3A_66, %reduce_min3A_70 : vector<16xi32>
    %reduce_min3A_72 = tpu.scan <min>, %reduce_min3A_71 masked %reduce_min3A_68 : vector<16xi32>, vector<16xi1> -> vector<16xi32>
    %reduce_min3A_73 = arith.xori %reduce_min3A_72, %reduce_min3A_70 : vector<16xi32>
    %reduce_min3A_74 = vector.extract %reduce_min3A_73[15] : i32 from vector<16xi32>
    %eq3A_75 = vector.broadcast %reduce_min3A_74 : i32 to vector<16xi32>
    %eq3A_76 = arith.cmpi eq, %while3A_58#1, %eq3A_75 : vector<16xi32>
    %and3A_77 = arith.andi %eq3A_63, %eq3A_76 : vector<16xi1>
    %jit3A_78 = arith.constant 2147483647 : i32
    %broadcast_in_dim3A_79 = vector.broadcast %jit3A_78 : i32 to vector<16xi32>
    %select_n3A_80 = arith.select %and3A_77, %while3A_58#2, %broadcast_in_dim3A_79 : vector<16xi1>, vector<16xi32>
    %reduce_min3A_81 = arith.constant true
    %reduce_min3A_82 = vector.broadcast %reduce_min3A_81 : i1 to vector<16xi1>
    %reduce_min3A_83 = arith.constant -2147483648 : i32
    %reduce_min3A_84 = vector.broadcast %reduce_min3A_83 : i32 to vector<16xi32>
    %reduce_min3A_85 = arith.xori %select_n3A_80, %reduce_min3A_84 : vector<16xi32>
    %reduce_min3A_86 = tpu.scan <min>, %reduce_min3A_85 masked %reduce_min3A_82 : vector<16xi32>, vector<16xi1> -> vector<16xi32>
    %reduce_min3A_87 = arith.xori %reduce_min3A_86, %reduce_min3A_84 : vector<16xi32>
    %reduce_min3A_88 = vector.extract %reduce_min3A_87[15] : i32 from vector<16xi32>
    %broadcast_in_dim3A_89 = arith.constant 0 : i32
    %broadcast_in_dim3A_90 = vector.broadcast %broadcast_in_dim3A_89 : i32 to vector<16xi32>
    %mul3A_91 = arith.constant 8192 : i32
    %mul3A_92 = arith.muli %add3A, %mul3A_91 : i32
    %add3A_93 = arith.addi %reduce_min3A_74, %mul3A_92 : i32
    %broadcast_in_dim3A_94 = vector.broadcast %add3A_93 : i32 to vector<16xi32>
    tpu.vector_store_idx %arg8[%broadcast_in_dim3A_90], %broadcast_in_dim3A_94 masked %eq3A_42 : memref<16xi32, #tpu.memory_space<vmem>>[vector<16xi32>], vector<16xi32>, vector<16xi1>
    %broadcast_in_dim3A_95 = vector.broadcast %reduce_min3A_88 : i32 to vector<16xi32>
    %broadcast_in_dim3A_96 = arith.constant 0xFF800000 : f32
    %broadcast_in_dim3A_97 = vector.broadcast %broadcast_in_dim3A_96 : f32 to vector<16xf32>
    tpu.vector_store_idx %arg6[%broadcast_in_dim3A_95], %broadcast_in_dim3A_97 masked %eq3A_42 : memref<8208xf32, #tpu.memory_space<vmem>>[vector<16xi32>], vector<16xf32>, vector<16xi1>
    %broadcast_in_dim3A_98 = arith.constant 0xFF800000 : f32
    %broadcast_in_dim3A_99 = vector.broadcast %broadcast_in_dim3A_98 : f32 to vector<16xf32>
    %broadcast_in_dim3A_100 = arith.constant 2147483647 : i32
    %broadcast_in_dim3A_101 = vector.broadcast %broadcast_in_dim3A_100 : i32 to vector<16xi32>
    %broadcast_in_dim3A_102 = arith.constant 2147483647 : i32
    %broadcast_in_dim3A_103 = vector.broadcast %broadcast_in_dim3A_102 : i32 to vector<16xi32>
    %while3A_104 = arith.constant 0 : i32
    %while3A_105 = arith.subi %select_n3A, %while3A_104 : i32
    %while3A_106 = arith.addi %while3A_104, %while3A_105 : i32
    %while3A_107 = arith.constant 1 : i32
    %while3A_108 = arith.divsi %while3A_105, %while3A_107 : i32
    %while3A_109 = arith.muli %while3A_108, %while3A_107 : i32
    %while3A_110 = arith.addi %while3A_104, %while3A_109 : i32
    %while3A_111 = arith.constant 1 : i32
    %while3A_112:3 = scf.for %while3A_1651 = %while3A_104 to %while3A_110 step %while3A_111 iter_args(%while3A_1652 = %broadcast_in_dim3A_99, %while3A_1653 = %broadcast_in_dim3A_101, %while3A_1654 = %broadcast_in_dim3A_103) -> (vector<16xf32>, vector<16xi32>, vector<16xi32>)  : i32 {
      %mul3A_1655 = arith.constant 16 : i32
      %mul3A_1656 = arith.muli %while3A_1651, %mul3A_1655 : i32
      %get3A_1657 = arith.index_cast %mul3A_1656 : i32 to index
      %get3A_1658 = tpu.vector_load %arg6[%get3A_1657] {strides = array<i32>} : memref<8208xf32, #tpu.memory_space<vmem>>, vector<16xf32>,
      %mul3A_1659 = arith.constant 16 : i32
      %mul3A_1660 = arith.muli %while3A_1651, %mul3A_1659 : i32
      %get3A_1661 = arith.index_cast %mul3A_1660 : i32 to index
      %get3A_1662 = tpu.vector_load %arg7[%get3A_1661] {strides = array<i32>} : memref<8208xi32, #tpu.memory_space<vmem>>, vector<16xi32>,
      %mul3A_1663 = arith.constant 16 : i32
      %mul3A_1664 = arith.muli %while3A_1651, %mul3A_1663 : i32
      %add3A_1665 = vector.broadcast %mul3A_1664 : i32 to vector<16xi32>
      %add3A_1666 = arith.addi %iota3A, %add3A_1665 : vector<16xi32>
      %gt3A = arith.cmpf ogt, %get3A_1658, %while3A_1652 : vector<16xf32>
      %select_n3A_1667 = arith.select %gt3A, %get3A_1658, %while3A_1652 : vector<16xi1>, vector<16xf32>
      %select_n3A_1668 = arith.select %gt3A, %get3A_1662, %while3A_1653 : vector<16xi1>, vector<16xi32>
      %select_n3A_1669 = arith.select %gt3A, %add3A_1666, %while3A_1654 : vector<16xi1>, vector<16xi32>
      scf.yield %select_n3A_1667, %select_n3A_1668, %select_n3A_1669 : vector<16xf32>, vector<16xi32>, vector<16xi32>
    }
    %while3A_113 = arith.constant 1 : i32
    %while3A_114:3 = scf.for %while3A_1651 = %while3A_110 to %while3A_106 step %while3A_113 iter_args(%while3A_1652 = %while3A_112#0, %while3A_1653 = %while3A_112#1, %while3A_1654 = %while3A_112#2) -> (vector<16xf32>, vector<16xi32>, vector<16xi32>)  : i32 {
      %mul3A_1655 = arith.constant 16 : i32
      %mul3A_1656 = arith.muli %while3A_1651, %mul3A_1655 : i32
      %get3A_1657 = arith.index_cast %mul3A_1656 : i32 to index
      %get3A_1658 = tpu.vector_load %arg6[%get3A_1657] {strides = array<i32>} : memref<8208xf32, #tpu.memory_space<vmem>>, vector<16xf32>,
      %mul3A_1659 = arith.constant 16 : i32
      %mul3A_1660 = arith.muli %while3A_1651, %mul3A_1659 : i32
      %get3A_1661 = arith.index_cast %mul3A_1660 : i32 to index
      %get3A_1662 = tpu.vector_load %arg7[%get3A_1661] {strides = array<i32>} : memref<8208xi32, #tpu.memory_space<vmem>>, vector<16xi32>,
      %mul3A_1663 = arith.constant 16 : i32
      %mul3A_1664 = arith.muli %while3A_1651, %mul3A_1663 : i32
      %add3A_1665 = vector.broadcast %mul3A_1664 : i32 to vector<16xi32>
      %add3A_1666 = arith.addi %iota3A, %add3A_1665 : vector<16xi32>
      %gt3A = arith.cmpf ogt, %get3A_1658, %while3A_1652 : vector<16xf32>
      %select_n3A_1667 = arith.select %gt3A, %get3A_1658, %while3A_1652 : vector<16xi1>, vector<16xf32>
      %select_n3A_1668 = arith.select %gt3A, %get3A_1662, %while3A_1653 : vector<16xi1>, vector<16xi32>
      %select_n3A_1669 = arith.select %gt3A, %add3A_1666, %while3A_1654 : vector<16xi1>, vector<16xi32>
      scf.yield %select_n3A_1667, %select_n3A_1668, %select_n3A_1669 : vector<16xf32>, vector<16xi32>, vector<16xi32>
    }
    %reduce_max3A_115 = arith.constant true
    %reduce_max3A_116 = vector.broadcast %reduce_max3A_115 : i1 to vector<16xi1>
    %reduce_max3A_117 = tpu.scan <max>, %while3A_114#0 masked %reduce_max3A_116 : vector<16xf32>, vector<16xi1> -> vector<16xf32>
    %reduce_max3A_118 = vector.extract %reduce_max3A_117[15] : f32 from vector<16xf32>
    %eq3A_119 = vector.broadcast %reduce_max3A_118 : f32 to vector<16xf32>
    %eq3A_120 = arith.cmpf oeq, %while3A_114#0, %eq3A_119 : vector<16xf32>
    %jit3A_121 = arith.constant 2147483647 : i32
    %broadcast_in_dim3A_122 = vector.broadcast %jit3A_121 : i32 to vector<16xi32>
    %select_n3A_123 = arith.select %eq3A_120, %while3A_114#1, %broadcast_in_dim3A_122 : vector<16xi1>, vector<16xi32>
    %reduce_min3A_124 = arith.constant true
    %reduce_min3A_125 = vector.broadcast %reduce_min3A_124 : i1 to vector<16xi1>
    %reduce_min3A_126 = arith.constant -2147483648 : i32
    %reduce_min3A_127 = vector.broadcast %reduce_min3A_126 : i32 to vector<16xi32>
    %reduce_min3A_128 = arith.xori %select_n3A_123, %reduce_min3A_127 : vector<16xi32>
    %reduce_min3A_129 = tpu.scan <min>, %reduce_min3A_128 masked %reduce_min3A_125 : vector<16xi32>, vector<16xi1> -> vector<16xi32>
    %reduce_min3A_130 = arith.xori %reduce_min3A_129, %reduce_min3A_127 : vector<16xi32>
    %reduce_min3A_131 = vector.extract %reduce_min3A_130[15] : i32 from vector<16xi32>
    %eq3A_132 = vector.broadcast %reduce_min3A_131 : i32 to vector<16xi32>
    %eq3A_133 = arith.cmpi eq, %while3A_114#1, %eq3A_132 : vector<16xi32>
    %and3A_134 = arith.andi %eq3A_120, %eq3A_133 : vector<16xi1>
    %jit3A_135 = arith.constant 2147483647 : i32
    %broadcast_in_dim3A_136 = vector.broadcast %jit3A_135 : i32 to vector<16xi32>
    %select_n3A_137 = arith.select %and3A_134, %while3A_114#2, %broadcast_in_dim3A_136 : vector<16xi1>, vector<16xi32>
    %reduce_min3A_138 = arith.constant true
    %reduce_min3A_139 = vector.broadcast %reduce_min3A_138 : i1 to vector<16xi1>
    %reduce_min3A_140 = arith.constant -2147483648 : i32
    %reduce_min3A_141 = vector.broadcast %reduce_min3A_140 : i32 to vector<16xi32>
    %reduce_min3A_142 = arith.xori %select_n3A_137, %reduce_min3A_141 : vector<16xi32>
    %reduce_min3A_143 = tpu.scan <min>, %reduce_min3A_142 masked %reduce_min3A_139 : vector<16xi32>, vector<16xi1> -> vector<16xi32>
    %reduce_min3A_144 = arith.xori %reduce_min3A_143, %reduce_min3A_141 : vector<16xi32>
    %reduce_min3A_145 = vector.extract %reduce_min3A_144[15] : i32 from vector<16xi32>
    %broadcast_in_dim3A_146 = arith.constant 1 : i32
    %broadcast_in_dim3A_147 = vector.broadcast %broadcast_in_dim3A_146 : i32 to vector<16xi32>
    %mul3A_148 = arith.constant 8192 : i32
    %mul3A_149 = arith.muli %add3A, %mul3A_148 : i32
    %add3A_150 = arith.addi %reduce_min3A_131, %mul3A_149 : i32
    %broadcast_in_dim3A_151 = vector.broadcast %add3A_150 : i32 to vector<16xi32>
    tpu.vector_store_idx %arg8[%broadcast_in_dim3A_147], %broadcast_in_dim3A_151 masked %eq3A_42 : memref<16xi32, #tpu.memory_space<vmem>>[vector<16xi32>], vector<16xi32>, vector<16xi1>
    %broadcast_in_dim3A_152 = vector.broadcast %reduce_min3A_145 : i32 to vector<16xi32>
    %broadcast_in_dim3A_153 = arith.constant 0xFF800000 : f32
    %broadcast_in_dim3A_154 = vector.broadcast %broadcast_in_dim3A_153 : f32 to vector<16xf32>
    tpu.vector_store_idx %arg6[%broadcast_in_dim3A_152], %broadcast_in_dim3A_154 masked %eq3A_42 : memref<8208xf32, #tpu.memory_space<vmem>>[vector<16xi32>], vector<16xf32>, vector<16xi1>
    %broadcast_in_dim3A_155 = arith.constant 0xFF800000 : f32
    %broadcast_in_dim3A_156 = vector.broadcast %broadcast_in_dim3A_155 : f32 to vector<16xf32>
    %broadcast_in_dim3A_157 = arith.constant 2147483647 : i32
    %broadcast_in_dim3A_158 = vector.broadcast %broadcast_in_dim3A_157 : i32 to vector<16xi32>
    %broadcast_in_dim3A_159 = arith.constant 2147483647 : i32
    %broadcast_in_dim3A_160 = vector.broadcast %broadcast_in_dim3A_159 : i32 to vector<16xi32>
    %while3A_161 = arith.constant 0 : i32
    %while3A_162 = arith.subi %select_n3A, %while3A_161 : i32
    %while3A_163 = arith.addi %while3A_161, %while3A_162 : i32
    %while3A_164 = arith.constant 1 : i32
    %while3A_165 = arith.divsi %while3A_162, %while3A_164 : i32
    %while3A_166 = arith.muli %while3A_165, %while3A_164 : i32
    %while3A_167 = arith.addi %while3A_161, %while3A_166 : i32
    %while3A_168 = arith.constant 1 : i32
    %while3A_169:3 = scf.for %while3A_1651 = %while3A_161 to %while3A_167 step %while3A_168 iter_args(%while3A_1652 = %broadcast_in_dim3A_156, %while3A_1653 = %broadcast_in_dim3A_158, %while3A_1654 = %broadcast_in_dim3A_160) -> (vector<16xf32>, vector<16xi32>, vector<16xi32>)  : i32 {
      %mul3A_1655 = arith.constant 16 : i32
      %mul3A_1656 = arith.muli %while3A_1651, %mul3A_1655 : i32
      %get3A_1657 = arith.index_cast %mul3A_1656 : i32 to index
      %get3A_1658 = tpu.vector_load %arg6[%get3A_1657] {strides = array<i32>} : memref<8208xf32, #tpu.memory_space<vmem>>, vector<16xf32>,
      %mul3A_1659 = arith.constant 16 : i32
      %mul3A_1660 = arith.muli %while3A_1651, %mul3A_1659 : i32
      %get3A_1661 = arith.index_cast %mul3A_1660 : i32 to index
      %get3A_1662 = tpu.vector_load %arg7[%get3A_1661] {strides = array<i32>} : memref<8208xi32, #tpu.memory_space<vmem>>, vector<16xi32>,
      %mul3A_1663 = arith.constant 16 : i32
      %mul3A_1664 = arith.muli %while3A_1651, %mul3A_1663 : i32
      %add3A_1665 = vector.broadcast %mul3A_1664 : i32 to vector<16xi32>
      %add3A_1666 = arith.addi %iota3A, %add3A_1665 : vector<16xi32>
      %gt3A = arith.cmpf ogt, %get3A_1658, %while3A_1652 : vector<16xf32>
      %select_n3A_1667 = arith.select %gt3A, %get3A_1658, %while3A_1652 : vector<16xi1>, vector<16xf32>
      %select_n3A_1668 = arith.select %gt3A, %get3A_1662, %while3A_1653 : vector<16xi1>, vector<16xi32>
      %select_n3A_1669 = arith.select %gt3A, %add3A_1666, %while3A_1654 : vector<16xi1>, vector<16xi32>
      scf.yield %select_n3A_1667, %select_n3A_1668, %select_n3A_1669 : vector<16xf32>, vector<16xi32>, vector<16xi32>
    }
    %while3A_170 = arith.constant 1 : i32
    %while3A_171:3 = scf.for %while3A_1651 = %while3A_167 to %while3A_163 step %while3A_170 iter_args(%while3A_1652 = %while3A_169#0, %while3A_1653 = %while3A_169#1, %while3A_1654 = %while3A_169#2) -> (vector<16xf32>, vector<16xi32>, vector<16xi32>)  : i32 {
      %mul3A_1655 = arith.constant 16 : i32
      %mul3A_1656 = arith.muli %while3A_1651, %mul3A_1655 : i32
      %get3A_1657 = arith.index_cast %mul3A_1656 : i32 to index
      %get3A_1658 = tpu.vector_load %arg6[%get3A_1657] {strides = array<i32>} : memref<8208xf32, #tpu.memory_space<vmem>>, vector<16xf32>,
      %mul3A_1659 = arith.constant 16 : i32
      %mul3A_1660 = arith.muli %while3A_1651, %mul3A_1659 : i32
      %get3A_1661 = arith.index_cast %mul3A_1660 : i32 to index
      %get3A_1662 = tpu.vector_load %arg7[%get3A_1661] {strides = array<i32>} : memref<8208xi32, #tpu.memory_space<vmem>>, vector<16xi32>,
      %mul3A_1663 = arith.constant 16 : i32
      %mul3A_1664 = arith.muli %while3A_1651, %mul3A_1663 : i32
      %add3A_1665 = vector.broadcast %mul3A_1664 : i32 to vector<16xi32>
      %add3A_1666 = arith.addi %iota3A, %add3A_1665 : vector<16xi32>
      %gt3A = arith.cmpf ogt, %get3A_1658, %while3A_1652 : vector<16xf32>
      %select_n3A_1667 = arith.select %gt3A, %get3A_1658, %while3A_1652 : vector<16xi1>, vector<16xf32>
      %select_n3A_1668 = arith.select %gt3A, %get3A_1662, %while3A_1653 : vector<16xi1>, vector<16xi32>
      %select_n3A_1669 = arith.select %gt3A, %add3A_1666, %while3A_1654 : vector<16xi1>, vector<16xi32>
      scf.yield %select_n3A_1667, %select_n3A_1668, %select_n3A_1669 : vector<16xf32>, vector<16xi32>, vector<16xi32>
    }
    %reduce_max3A_172 = arith.constant true
    %reduce_max3A_173 = vector.broadcast %reduce_max3A_172 : i1 to vector<16xi1>
    %reduce_max3A_174 = tpu.scan <max>, %while3A_171#0 masked %reduce_max3A_173 : vector<16xf32>, vector<16xi1> -> vector<16xf32>
    %reduce_max3A_175 = vector.extract %reduce_max3A_174[15] : f32 from vector<16xf32>
    %eq3A_176 = vector.broadcast %reduce_max3A_175 : f32 to vector<16xf32>
    %eq3A_177 = arith.cmpf oeq, %while3A_171#0, %eq3A_176 : vector<16xf32>
    %jit3A_178 = arith.constant 2147483647 : i32
    %broadcast_in_dim3A_179 = vector.broadcast %jit3A_178 : i32 to vector<16xi32>
    %select_n3A_180 = arith.select %eq3A_177, %while3A_171#1, %broadcast_in_dim3A_179 : vector<16xi1>, vector<16xi32>
    %reduce_min3A_181 = arith.constant true
    %reduce_min3A_182 = vector.broadcast %reduce_min3A_181 : i1 to vector<16xi1>
    %reduce_min3A_183 = arith.constant -2147483648 : i32
    %reduce_min3A_184 = vector.broadcast %reduce_min3A_183 : i32 to vector<16xi32>
    %reduce_min3A_185 = arith.xori %select_n3A_180, %reduce_min3A_184 : vector<16xi32>
    %reduce_min3A_186 = tpu.scan <min>, %reduce_min3A_185 masked %reduce_min3A_182 : vector<16xi32>, vector<16xi1> -> vector<16xi32>
    %reduce_min3A_187 = arith.xori %reduce_min3A_186, %reduce_min3A_184 : vector<16xi32>
    %reduce_min3A_188 = vector.extract %reduce_min3A_187[15] : i32 from vector<16xi32>
    %eq3A_189 = vector.broadcast %reduce_min3A_188 : i32 to vector<16xi32>
    %eq3A_190 = arith.cmpi eq, %while3A_171#1, %eq3A_189 : vector<16xi32>
    %and3A_191 = arith.andi %eq3A_177, %eq3A_190 : vector<16xi1>
    %jit3A_192 = arith.constant 2147483647 : i32
    %broadcast_in_dim3A_193 = vector.broadcast %jit3A_192 : i32 to vector<16xi32>
    %select_n3A_194 = arith.select %and3A_191, %while3A_171#2, %broadcast_in_dim3A_193 : vector<16xi1>, vector<16xi32>
    %reduce_min3A_195 = arith.constant true
    %reduce_min3A_196 = vector.broadcast %reduce_min3A_195 : i1 to vector<16xi1>
    %reduce_min3A_197 = arith.constant -2147483648 : i32
    %reduce_min3A_198 = vector.broadcast %reduce_min3A_197 : i32 to vector<16xi32>
    %reduce_min3A_199 = arith.xori %select_n3A_194, %reduce_min3A_198 : vector<16xi32>
    %reduce_min3A_200 = tpu.scan <min>, %reduce_min3A_199 masked %reduce_min3A_196 : vector<16xi32>, vector<16xi1> -> vector<16xi32>
    %reduce_min3A_201 = arith.xori %reduce_min3A_200, %reduce_min3A_198 : vector<16xi32>
    %reduce_min3A_202 = vector.extract %reduce_min3A_201[15] : i32 from vector<16xi32>
    %broadcast_in_dim3A_203 = arith.constant 2 : i32
    %broadcast_in_dim3A_204 = vector.broadcast %broadcast_in_dim3A_203 : i32 to vector<16xi32>
    %mul3A_205 = arith.constant 8192 : i32
    %mul3A_206 = arith.muli %add3A, %mul3A_205 : i32
    %add3A_207 = arith.addi %reduce_min3A_188, %mul3A_206 : i32
    %broadcast_in_dim3A_208 = vector.broadcast %add3A_207 : i32 to vector<16xi32>
    tpu.vector_store_idx %arg8[%broadcast_in_dim3A_204], %broadcast_in_dim3A_208 masked %eq3A_42 : memref<16xi32, #tpu.memory_space<vmem>>[vector<16xi32>], vector<16xi32>, vector<16xi1>
    %broadcast_in_dim3A_209 = vector.broadcast %reduce_min3A_202 : i32 to vector<16xi32>
    %broadcast_in_dim3A_210 = arith.constant 0xFF800000 : f32
    %broadcast_in_dim3A_211 = vector.broadcast %broadcast_in_dim3A_210 : f32 to vector<16xf32>
    tpu.vector_store_idx %arg6[%broadcast_in_dim3A_209], %broadcast_in_dim3A_211 masked %eq3A_42 : memref<8208xf32, #tpu.memory_space<vmem>>[vector<16xi32>], vector<16xf32>, vector<16xi1>
    %broadcast_in_dim3A_212 = arith.constant 0xFF800000 : f32
    %broadcast_in_dim3A_213 = vector.broadcast %broadcast_in_dim3A_212 : f32 to vector<16xf32>
    %broadcast_in_dim3A_214 = arith.constant 2147483647 : i32
    %broadcast_in_dim3A_215 = vector.broadcast %broadcast_in_dim3A_214 : i32 to vector<16xi32>
    %broadcast_in_dim3A_216 = arith.constant 2147483647 : i32
    %broadcast_in_dim3A_217 = vector.broadcast %broadcast_in_dim3A_216 : i32 to vector<16xi32>
    %while3A_218 = arith.constant 0 : i32
    %while3A_219 = arith.subi %select_n3A, %while3A_218 : i32
    %while3A_220 = arith.addi %while3A_218, %while3A_219 : i32
    %while3A_221 = arith.constant 1 : i32
    %while3A_222 = arith.divsi %while3A_219, %while3A_221 : i32
    %while3A_223 = arith.muli %while3A_222, %while3A_221 : i32
    %while3A_224 = arith.addi %while3A_218, %while3A_223 : i32
    %while3A_225 = arith.constant 1 : i32
    %while3A_226:3 = scf.for %while3A_1651 = %while3A_218 to %while3A_224 step %while3A_225 iter_args(%while3A_1652 = %broadcast_in_dim3A_213, %while3A_1653 = %broadcast_in_dim3A_215, %while3A_1654 = %broadcast_in_dim3A_217) -> (vector<16xf32>, vector<16xi32>, vector<16xi32>)  : i32 {
      %mul3A_1655 = arith.constant 16 : i32
      %mul3A_1656 = arith.muli %while3A_1651, %mul3A_1655 : i32
      %get3A_1657 = arith.index_cast %mul3A_1656 : i32 to index
      %get3A_1658 = tpu.vector_load %arg6[%get3A_1657] {strides = array<i32>} : memref<8208xf32, #tpu.memory_space<vmem>>, vector<16xf32>,
      %mul3A_1659 = arith.constant 16 : i32
      %mul3A_1660 = arith.muli %while3A_1651, %mul3A_1659 : i32
      %get3A_1661 = arith.index_cast %mul3A_1660 : i32 to index
      %get3A_1662 = tpu.vector_load %arg7[%get3A_1661] {strides = array<i32>} : memref<8208xi32, #tpu.memory_space<vmem>>, vector<16xi32>,
      %mul3A_1663 = arith.constant 16 : i32
      %mul3A_1664 = arith.muli %while3A_1651, %mul3A_1663 : i32
      %add3A_1665 = vector.broadcast %mul3A_1664 : i32 to vector<16xi32>
      %add3A_1666 = arith.addi %iota3A, %add3A_1665 : vector<16xi32>
      %gt3A = arith.cmpf ogt, %get3A_1658, %while3A_1652 : vector<16xf32>
      %select_n3A_1667 = arith.select %gt3A, %get3A_1658, %while3A_1652 : vector<16xi1>, vector<16xf32>
      %select_n3A_1668 = arith.select %gt3A, %get3A_1662, %while3A_1653 : vector<16xi1>, vector<16xi32>
      %select_n3A_1669 = arith.select %gt3A, %add3A_1666, %while3A_1654 : vector<16xi1>, vector<16xi32>
      scf.yield %select_n3A_1667, %select_n3A_1668, %select_n3A_1669 : vector<16xf32>, vector<16xi32>, vector<16xi32>
    }
    %while3A_227 = arith.constant 1 : i32
    %while3A_228:3 = scf.for %while3A_1651 = %while3A_224 to %while3A_220 step %while3A_227 iter_args(%while3A_1652 = %while3A_226#0, %while3A_1653 = %while3A_226#1, %while3A_1654 = %while3A_226#2) -> (vector<16xf32>, vector<16xi32>, vector<16xi32>)  : i32 {
      %mul3A_1655 = arith.constant 16 : i32
      %mul3A_1656 = arith.muli %while3A_1651, %mul3A_1655 : i32
      %get3A_1657 = arith.index_cast %mul3A_1656 : i32 to index
      %get3A_1658 = tpu.vector_load %arg6[%get3A_1657] {strides = array<i32>} : memref<8208xf32, #tpu.memory_space<vmem>>, vector<16xf32>,
      %mul3A_1659 = arith.constant 16 : i32
      %mul3A_1660 = arith.muli %while3A_1651, %mul3A_1659 : i32
      %get3A_1661 = arith.index_cast %mul3A_1660 : i32 to index
      %get3A_1662 = tpu.vector_load %arg7[%get3A_1661] {strides = array<i32>} : memref<8208xi32, #tpu.memory_space<vmem>>, vector<16xi32>,
      %mul3A_1663 = arith.constant 16 : i32
      %mul3A_1664 = arith.muli %while3A_1651, %mul3A_1663 : i32
      %add3A_1665 = vector.broadcast %mul3A_1664 : i32 to vector<16xi32>
      %add3A_1666 = arith.addi %iota3A, %add3A_1665 : vector<16xi32>
      %gt3A = arith.cmpf ogt, %get3A_1658, %while3A_1652 : vector<16xf32>
      %select_n3A_1667 = arith.select %gt3A, %get3A_1658, %while3A_1652 : vector<16xi1>, vector<16xf32>
      %select_n3A_1668 = arith.select %gt3A, %get3A_1662, %while3A_1653 : vector<16xi1>, vector<16xi32>
      %select_n3A_1669 = arith.select %gt3A, %add3A_1666, %while3A_1654 : vector<16xi1>, vector<16xi32>
      scf.yield %select_n3A_1667, %select_n3A_1668, %select_n3A_1669 : vector<16xf32>, vector<16xi32>, vector<16xi32>
    }
    %reduce_max3A_229 = arith.constant true
    %reduce_max3A_230 = vector.broadcast %reduce_max3A_229 : i1 to vector<16xi1>
    %reduce_max3A_231 = tpu.scan <max>, %while3A_228#0 masked %reduce_max3A_230 : vector<16xf32>, vector<16xi1> -> vector<16xf32>
    %reduce_max3A_232 = vector.extract %reduce_max3A_231[15] : f32 from vector<16xf32>
    %eq3A_233 = vector.broadcast %reduce_max3A_232 : f32 to vector<16xf32>
    %eq3A_234 = arith.cmpf oeq, %while3A_228#0, %eq3A_233 : vector<16xf32>
    %jit3A_235 = arith.constant 2147483647 : i32
    %broadcast_in_dim3A_236 = vector.broadcast %jit3A_235 : i32 to vector<16xi32>
    %select_n3A_237 = arith.select %eq3A_234, %while3A_228#1, %broadcast_in_dim3A_236 : vector<16xi1>, vector<16xi32>
    %reduce_min3A_238 = arith.constant true
    %reduce_min3A_239 = vector.broadcast %reduce_min3A_238 : i1 to vector<16xi1>
    %reduce_min3A_240 = arith.constant -2147483648 : i32
    %reduce_min3A_241 = vector.broadcast %reduce_min3A_240 : i32 to vector<16xi32>
    %reduce_min3A_242 = arith.xori %select_n3A_237, %reduce_min3A_241 : vector<16xi32>
    %reduce_min3A_243 = tpu.scan <min>, %reduce_min3A_242 masked %reduce_min3A_239 : vector<16xi32>, vector<16xi1> -> vector<16xi32>
    %reduce_min3A_244 = arith.xori %reduce_min3A_243, %reduce_min3A_241 : vector<16xi32>
    %reduce_min3A_245 = vector.extract %reduce_min3A_244[15] : i32 from vector<16xi32>
    %eq3A_246 = vector.broadcast %reduce_min3A_245 : i32 to vector<16xi32>
    %eq3A_247 = arith.cmpi eq, %while3A_228#1, %eq3A_246 : vector<16xi32>
    %and3A_248 = arith.andi %eq3A_234, %eq3A_247 : vector<16xi1>
    %jit3A_249 = arith.constant 2147483647 : i32
    %broadcast_in_dim3A_250 = vector.broadcast %jit3A_249 : i32 to vector<16xi32>
    %select_n3A_251 = arith.select %and3A_248, %while3A_228#2, %broadcast_in_dim3A_250 : vector<16xi1>, vector<16xi32>
    %reduce_min3A_252 = arith.constant true
    %reduce_min3A_253 = vector.broadcast %reduce_min3A_252 : i1 to vector<16xi1>
    %reduce_min3A_254 = arith.constant -2147483648 : i32
    %reduce_min3A_255 = vector.broadcast %reduce_min3A_254 : i32 to vector<16xi32>
    %reduce_min3A_256 = arith.xori %select_n3A_251, %reduce_min3A_255 : vector<16xi32>
    %reduce_min3A_257 = tpu.scan <min>, %reduce_min3A_256 masked %reduce_min3A_253 : vector<16xi32>, vector<16xi1> -> vector<16xi32>
    %reduce_min3A_258 = arith.xori %reduce_min3A_257, %reduce_min3A_255 : vector<16xi32>
    %reduce_min3A_259 = vector.extract %reduce_min3A_258[15] : i32 from vector<16xi32>
    %broadcast_in_dim3A_260 = arith.constant 3 : i32
    %broadcast_in_dim3A_261 = vector.broadcast %broadcast_in_dim3A_260 : i32 to vector<16xi32>
    %mul3A_262 = arith.constant 8192 : i32
    %mul3A_263 = arith.muli %add3A, %mul3A_262 : i32
    %add3A_264 = arith.addi %reduce_min3A_245, %mul3A_263 : i32
    %broadcast_in_dim3A_265 = vector.broadcast %add3A_264 : i32 to vector<16xi32>
    tpu.vector_store_idx %arg8[%broadcast_in_dim3A_261], %broadcast_in_dim3A_265 masked %eq3A_42 : memref<16xi32, #tpu.memory_space<vmem>>[vector<16xi32>], vector<16xi32>, vector<16xi1>
    %broadcast_in_dim3A_266 = vector.broadcast %reduce_min3A_259 : i32 to vector<16xi32>
    %broadcast_in_dim3A_267 = arith.constant 0xFF800000 : f32
    %broadcast_in_dim3A_268 = vector.broadcast %broadcast_in_dim3A_267 : f32 to vector<16xf32>
    tpu.vector_store_idx %arg6[%broadcast_in_dim3A_266], %broadcast_in_dim3A_268 masked %eq3A_42 : memref<8208xf32, #tpu.memory_space<vmem>>[vector<16xi32>], vector<16xf32>, vector<16xi1>
    %broadcast_in_dim3A_269 = arith.constant 0xFF800000 : f32
    %broadcast_in_dim3A_270 = vector.broadcast %broadcast_in_dim3A_269 : f32 to vector<16xf32>
    %broadcast_in_dim3A_271 = arith.constant 2147483647 : i32
    %broadcast_in_dim3A_272 = vector.broadcast %broadcast_in_dim3A_271 : i32 to vector<16xi32>
    %broadcast_in_dim3A_273 = arith.constant 2147483647 : i32
    %broadcast_in_dim3A_274 = vector.broadcast %broadcast_in_dim3A_273 : i32 to vector<16xi32>
    %while3A_275 = arith.constant 0 : i32
    %while3A_276 = arith.subi %select_n3A, %while3A_275 : i32
    %while3A_277 = arith.addi %while3A_275, %while3A_276 : i32
    %while3A_278 = arith.constant 1 : i32
    %while3A_279 = arith.divsi %while3A_276, %while3A_278 : i32
    %while3A_280 = arith.muli %while3A_279, %while3A_278 : i32
    %while3A_281 = arith.addi %while3A_275, %while3A_280 : i32
    %while3A_282 = arith.constant 1 : i32
    %while3A_283:3 = scf.for %while3A_1651 = %while3A_275 to %while3A_281 step %while3A_282 iter_args(%while3A_1652 = %broadcast_in_dim3A_270, %while3A_1653 = %broadcast_in_dim3A_272, %while3A_1654 = %broadcast_in_dim3A_274) -> (vector<16xf32>, vector<16xi32>, vector<16xi32>)  : i32 {
      %mul3A_1655 = arith.constant 16 : i32
      %mul3A_1656 = arith.muli %while3A_1651, %mul3A_1655 : i32
      %get3A_1657 = arith.index_cast %mul3A_1656 : i32 to index
      %get3A_1658 = tpu.vector_load %arg6[%get3A_1657] {strides = array<i32>} : memref<8208xf32, #tpu.memory_space<vmem>>, vector<16xf32>,
      %mul3A_1659 = arith.constant 16 : i32
      %mul3A_1660 = arith.muli %while3A_1651, %mul3A_1659 : i32
      %get3A_1661 = arith.index_cast %mul3A_1660 : i32 to index
      %get3A_1662 = tpu.vector_load %arg7[%get3A_1661] {strides = array<i32>} : memref<8208xi32, #tpu.memory_space<vmem>>, vector<16xi32>,
      %mul3A_1663 = arith.constant 16 : i32
      %mul3A_1664 = arith.muli %while3A_1651, %mul3A_1663 : i32
      %add3A_1665 = vector.broadcast %mul3A_1664 : i32 to vector<16xi32>
      %add3A_1666 = arith.addi %iota3A, %add3A_1665 : vector<16xi32>
      %gt3A = arith.cmpf ogt, %get3A_1658, %while3A_1652 : vector<16xf32>
      %select_n3A_1667 = arith.select %gt3A, %get3A_1658, %while3A_1652 : vector<16xi1>, vector<16xf32>
      %select_n3A_1668 = arith.select %gt3A, %get3A_1662, %while3A_1653 : vector<16xi1>, vector<16xi32>
      %select_n3A_1669 = arith.select %gt3A, %add3A_1666, %while3A_1654 : vector<16xi1>, vector<16xi32>
      scf.yield %select_n3A_1667, %select_n3A_1668, %select_n3A_1669 : vector<16xf32>, vector<16xi32>, vector<16xi32>
    }
    %while3A_284 = arith.constant 1 : i32
    %while3A_285:3 = scf.for %while3A_1651 = %while3A_281 to %while3A_277 step %while3A_284 iter_args(%while3A_1652 = %while3A_283#0, %while3A_1653 = %while3A_283#1, %while3A_1654 = %while3A_283#2) -> (vector<16xf32>, vector<16xi32>, vector<16xi32>)  : i32 {
      %mul3A_1655 = arith.constant 16 : i32
      %mul3A_1656 = arith.muli %while3A_1651, %mul3A_1655 : i32
      %get3A_1657 = arith.index_cast %mul3A_1656 : i32 to index
      %get3A_1658 = tpu.vector_load %arg6[%get3A_1657] {strides = array<i32>} : memref<8208xf32, #tpu.memory_space<vmem>>, vector<16xf32>,
      %mul3A_1659 = arith.constant 16 : i32
      %mul3A_1660 = arith.muli %while3A_1651, %mul3A_1659 : i32
      %get3A_1661 = arith.index_cast %mul3A_1660 : i32 to index
      %get3A_1662 = tpu.vector_load %arg7[%get3A_1661] {strides = array<i32>} : memref<8208xi32, #tpu.memory_space<vmem>>, vector<16xi32>,
      %mul3A_1663 = arith.constant 16 : i32
      %mul3A_1664 = arith.muli %while3A_1651, %mul3A_1663 : i32
      %add3A_1665 = vector.broadcast %mul3A_1664 : i32 to vector<16xi32>
      %add3A_1666 = arith.addi %iota3A, %add3A_1665 : vector<16xi32>
      %gt3A = arith.cmpf ogt, %get3A_1658, %while3A_1652 : vector<16xf32>
      %select_n3A_1667 = arith.select %gt3A, %get3A_1658, %while3A_1652 : vector<16xi1>, vector<16xf32>
      %select_n3A_1668 = arith.select %gt3A, %get3A_1662, %while3A_1653 : vector<16xi1>, vector<16xi32>
      %select_n3A_1669 = arith.select %gt3A, %add3A_1666, %while3A_1654 : vector<16xi1>, vector<16xi32>
      scf.yield %select_n3A_1667, %select_n3A_1668, %select_n3A_1669 : vector<16xf32>, vector<16xi32>, vector<16xi32>
    }
    %reduce_max3A_286 = arith.constant true
    %reduce_max3A_287 = vector.broadcast %reduce_max3A_286 : i1 to vector<16xi1>
    %reduce_max3A_288 = tpu.scan <max>, %while3A_285#0 masked %reduce_max3A_287 : vector<16xf32>, vector<16xi1> -> vector<16xf32>
    %reduce_max3A_289 = vector.extract %reduce_max3A_288[15] : f32 from vector<16xf32>
    %eq3A_290 = vector.broadcast %reduce_max3A_289 : f32 to vector<16xf32>
    %eq3A_291 = arith.cmpf oeq, %while3A_285#0, %eq3A_290 : vector<16xf32>
    %jit3A_292 = arith.constant 2147483647 : i32
    %broadcast_in_dim3A_293 = vector.broadcast %jit3A_292 : i32 to vector<16xi32>
    %select_n3A_294 = arith.select %eq3A_291, %while3A_285#1, %broadcast_in_dim3A_293 : vector<16xi1>, vector<16xi32>
    %reduce_min3A_295 = arith.constant true
    %reduce_min3A_296 = vector.broadcast %reduce_min3A_295 : i1 to vector<16xi1>
    %reduce_min3A_297 = arith.constant -2147483648 : i32
    %reduce_min3A_298 = vector.broadcast %reduce_min3A_297 : i32 to vector<16xi32>
    %reduce_min3A_299 = arith.xori %select_n3A_294, %reduce_min3A_298 : vector<16xi32>
    %reduce_min3A_300 = tpu.scan <min>, %reduce_min3A_299 masked %reduce_min3A_296 : vector<16xi32>, vector<16xi1> -> vector<16xi32>
    %reduce_min3A_301 = arith.xori %reduce_min3A_300, %reduce_min3A_298 : vector<16xi32>
    %reduce_min3A_302 = vector.extract %reduce_min3A_301[15] : i32 from vector<16xi32>
    %eq3A_303 = vector.broadcast %reduce_min3A_302 : i32 to vector<16xi32>
    %eq3A_304 = arith.cmpi eq, %while3A_285#1, %eq3A_303 : vector<16xi32>
    %and3A_305 = arith.andi %eq3A_291, %eq3A_304 : vector<16xi1>
    %jit3A_306 = arith.constant 2147483647 : i32
    %broadcast_in_dim3A_307 = vector.broadcast %jit3A_306 : i32 to vector<16xi32>
    %select_n3A_308 = arith.select %and3A_305, %while3A_285#2, %broadcast_in_dim3A_307 : vector<16xi1>, vector<16xi32>
    %reduce_min3A_309 = arith.constant true
    %reduce_min3A_310 = vector.broadcast %reduce_min3A_309 : i1 to vector<16xi1>
    %reduce_min3A_311 = arith.constant -2147483648 : i32
    %reduce_min3A_312 = vector.broadcast %reduce_min3A_311 : i32 to vector<16xi32>
    %reduce_min3A_313 = arith.xori %select_n3A_308, %reduce_min3A_312 : vector<16xi32>
    %reduce_min3A_314 = tpu.scan <min>, %reduce_min3A_313 masked %reduce_min3A_310 : vector<16xi32>, vector<16xi1> -> vector<16xi32>
    %reduce_min3A_315 = arith.xori %reduce_min3A_314, %reduce_min3A_312 : vector<16xi32>
    %reduce_min3A_316 = vector.extract %reduce_min3A_315[15] : i32 from vector<16xi32>
    %broadcast_in_dim3A_317 = arith.constant 4 : i32
    %broadcast_in_dim3A_318 = vector.broadcast %broadcast_in_dim3A_317 : i32 to vector<16xi32>
    %mul3A_319 = arith.constant 8192 : i32
    %mul3A_320 = arith.muli %add3A, %mul3A_319 : i32
    %add3A_321 = arith.addi %reduce_min3A_302, %mul3A_320 : i32
    %broadcast_in_dim3A_322 = vector.broadcast %add3A_321 : i32 to vector<16xi32>
    tpu.vector_store_idx %arg8[%broadcast_in_dim3A_318], %broadcast_in_dim3A_322 masked %eq3A_42 : memref<16xi32, #tpu.memory_space<vmem>>[vector<16xi32>], vector<16xi32>, vector<16xi1>
    %broadcast_in_dim3A_323 = vector.broadcast %reduce_min3A_316 : i32 to vector<16xi32>
    %broadcast_in_dim3A_324 = arith.constant 0xFF800000 : f32
    %broadcast_in_dim3A_325 = vector.broadcast %broadcast_in_dim3A_324 : f32 to vector<16xf32>
    tpu.vector_store_idx %arg6[%broadcast_in_dim3A_323], %broadcast_in_dim3A_325 masked %eq3A_42 : memref<8208xf32, #tpu.memory_space<vmem>>[vector<16xi32>], vector<16xf32>, vector<16xi1>
    %broadcast_in_dim3A_326 = arith.constant 0xFF800000 : f32
    %broadcast_in_dim3A_327 = vector.broadcast %broadcast_in_dim3A_326 : f32 to vector<16xf32>
    %broadcast_in_dim3A_328 = arith.constant 2147483647 : i32
    %broadcast_in_dim3A_329 = vector.broadcast %broadcast_in_dim3A_328 : i32 to vector<16xi32>
    %broadcast_in_dim3A_330 = arith.constant 2147483647 : i32
    %broadcast_in_dim3A_331 = vector.broadcast %broadcast_in_dim3A_330 : i32 to vector<16xi32>
    %while3A_332 = arith.constant 0 : i32
    %while3A_333 = arith.subi %select_n3A, %while3A_332 : i32
    %while3A_334 = arith.addi %while3A_332, %while3A_333 : i32
    %while3A_335 = arith.constant 1 : i32
    %while3A_336 = arith.divsi %while3A_333, %while3A_335 : i32
    %while3A_337 = arith.muli %while3A_336, %while3A_335 : i32
    %while3A_338 = arith.addi %while3A_332, %while3A_337 : i32
    %while3A_339 = arith.constant 1 : i32
    %while3A_340:3 = scf.for %while3A_1651 = %while3A_332 to %while3A_338 step %while3A_339 iter_args(%while3A_1652 = %broadcast_in_dim3A_327, %while3A_1653 = %broadcast_in_dim3A_329, %while3A_1654 = %broadcast_in_dim3A_331) -> (vector<16xf32>, vector<16xi32>, vector<16xi32>)  : i32 {
      %mul3A_1655 = arith.constant 16 : i32
      %mul3A_1656 = arith.muli %while3A_1651, %mul3A_1655 : i32
      %get3A_1657 = arith.index_cast %mul3A_1656 : i32 to index
      %get3A_1658 = tpu.vector_load %arg6[%get3A_1657] {strides = array<i32>} : memref<8208xf32, #tpu.memory_space<vmem>>, vector<16xf32>,
      %mul3A_1659 = arith.constant 16 : i32
      %mul3A_1660 = arith.muli %while3A_1651, %mul3A_1659 : i32
      %get3A_1661 = arith.index_cast %mul3A_1660 : i32 to index
      %get3A_1662 = tpu.vector_load %arg7[%get3A_1661] {strides = array<i32>} : memref<8208xi32, #tpu.memory_space<vmem>>, vector<16xi32>,
      %mul3A_1663 = arith.constant 16 : i32
      %mul3A_1664 = arith.muli %while3A_1651, %mul3A_1663 : i32
      %add3A_1665 = vector.broadcast %mul3A_1664 : i32 to vector<16xi32>
      %add3A_1666 = arith.addi %iota3A, %add3A_1665 : vector<16xi32>
      %gt3A = arith.cmpf ogt, %get3A_1658, %while3A_1652 : vector<16xf32>
      %select_n3A_1667 = arith.select %gt3A, %get3A_1658, %while3A_1652 : vector<16xi1>, vector<16xf32>
      %select_n3A_1668 = arith.select %gt3A, %get3A_1662, %while3A_1653 : vector<16xi1>, vector<16xi32>
      %select_n3A_1669 = arith.select %gt3A, %add3A_1666, %while3A_1654 : vector<16xi1>, vector<16xi32>
      scf.yield %select_n3A_1667, %select_n3A_1668, %select_n3A_1669 : vector<16xf32>, vector<16xi32>, vector<16xi32>
    }
    %while3A_341 = arith.constant 1 : i32
    %while3A_342:3 = scf.for %while3A_1651 = %while3A_338 to %while3A_334 step %while3A_341 iter_args(%while3A_1652 = %while3A_340#0, %while3A_1653 = %while3A_340#1, %while3A_1654 = %while3A_340#2) -> (vector<16xf32>, vector<16xi32>, vector<16xi32>)  : i32 {
      %mul3A_1655 = arith.constant 16 : i32
      %mul3A_1656 = arith.muli %while3A_1651, %mul3A_1655 : i32
      %get3A_1657 = arith.index_cast %mul3A_1656 : i32 to index
      %get3A_1658 = tpu.vector_load %arg6[%get3A_1657] {strides = array<i32>} : memref<8208xf32, #tpu.memory_space<vmem>>, vector<16xf32>,
      %mul3A_1659 = arith.constant 16 : i32
      %mul3A_1660 = arith.muli %while3A_1651, %mul3A_1659 : i32
      %get3A_1661 = arith.index_cast %mul3A_1660 : i32 to index
      %get3A_1662 = tpu.vector_load %arg7[%get3A_1661] {strides = array<i32>} : memref<8208xi32, #tpu.memory_space<vmem>>, vector<16xi32>,
      %mul3A_1663 = arith.constant 16 : i32
      %mul3A_1664 = arith.muli %while3A_1651, %mul3A_1663 : i32
      %add3A_1665 = vector.broadcast %mul3A_1664 : i32 to vector<16xi32>
      %add3A_1666 = arith.addi %iota3A, %add3A_1665 : vector<16xi32>
      %gt3A = arith.cmpf ogt, %get3A_1658, %while3A_1652 : vector<16xf32>
      %select_n3A_1667 = arith.select %gt3A, %get3A_1658, %while3A_1652 : vector<16xi1>, vector<16xf32>
      %select_n3A_1668 = arith.select %gt3A, %get3A_1662, %while3A_1653 : vector<16xi1>, vector<16xi32>
      %select_n3A_1669 = arith.select %gt3A, %add3A_1666, %while3A_1654 : vector<16xi1>, vector<16xi32>
      scf.yield %select_n3A_1667, %select_n3A_1668, %select_n3A_1669 : vector<16xf32>, vector<16xi32>, vector<16xi32>
    }
    %reduce_max3A_343 = arith.constant true
    %reduce_max3A_344 = vector.broadcast %reduce_max3A_343 : i1 to vector<16xi1>
    %reduce_max3A_345 = tpu.scan <max>, %while3A_342#0 masked %reduce_max3A_344 : vector<16xf32>, vector<16xi1> -> vector<16xf32>
    %reduce_max3A_346 = vector.extract %reduce_max3A_345[15] : f32 from vector<16xf32>
    %eq3A_347 = vector.broadcast %reduce_max3A_346 : f32 to vector<16xf32>
    %eq3A_348 = arith.cmpf oeq, %while3A_342#0, %eq3A_347 : vector<16xf32>
    %jit3A_349 = arith.constant 2147483647 : i32
    %broadcast_in_dim3A_350 = vector.broadcast %jit3A_349 : i32 to vector<16xi32>
    %select_n3A_351 = arith.select %eq3A_348, %while3A_342#1, %broadcast_in_dim3A_350 : vector<16xi1>, vector<16xi32>
    %reduce_min3A_352 = arith.constant true
    %reduce_min3A_353 = vector.broadcast %reduce_min3A_352 : i1 to vector<16xi1>
    %reduce_min3A_354 = arith.constant -2147483648 : i32
    %reduce_min3A_355 = vector.broadcast %reduce_min3A_354 : i32 to vector<16xi32>
    %reduce_min3A_356 = arith.xori %select_n3A_351, %reduce_min3A_355 : vector<16xi32>
    %reduce_min3A_357 = tpu.scan <min>, %reduce_min3A_356 masked %reduce_min3A_353 : vector<16xi32>, vector<16xi1> -> vector<16xi32>
    %reduce_min3A_358 = arith.xori %reduce_min3A_357, %reduce_min3A_355 : vector<16xi32>
    %reduce_min3A_359 = vector.extract %reduce_min3A_358[15] : i32 from vector<16xi32>
    %eq3A_360 = vector.broadcast %reduce_min3A_359 : i32 to vector<16xi32>
    %eq3A_361 = arith.cmpi eq, %while3A_342#1, %eq3A_360 : vector<16xi32>
    %and3A_362 = arith.andi %eq3A_348, %eq3A_361 : vector<16xi1>
    %jit3A_363 = arith.constant 2147483647 : i32
    %broadcast_in_dim3A_364 = vector.broadcast %jit3A_363 : i32 to vector<16xi32>
    %select_n3A_365 = arith.select %and3A_362, %while3A_342#2, %broadcast_in_dim3A_364 : vector<16xi1>, vector<16xi32>
    %reduce_min3A_366 = arith.constant true
    %reduce_min3A_367 = vector.broadcast %reduce_min3A_366 : i1 to vector<16xi1>
    %reduce_min3A_368 = arith.constant -2147483648 : i32
    %reduce_min3A_369 = vector.broadcast %reduce_min3A_368 : i32 to vector<16xi32>
    %reduce_min3A_370 = arith.xori %select_n3A_365, %reduce_min3A_369 : vector<16xi32>
    %reduce_min3A_371 = tpu.scan <min>, %reduce_min3A_370 masked %reduce_min3A_367 : vector<16xi32>, vector<16xi1> -> vector<16xi32>
    %reduce_min3A_372 = arith.xori %reduce_min3A_371, %reduce_min3A_369 : vector<16xi32>
    %reduce_min3A_373 = vector.extract %reduce_min3A_372[15] : i32 from vector<16xi32>
    %broadcast_in_dim3A_374 = arith.constant 5 : i32
    %broadcast_in_dim3A_375 = vector.broadcast %broadcast_in_dim3A_374 : i32 to vector<16xi32>
    %mul3A_376 = arith.constant 8192 : i32
    %mul3A_377 = arith.muli %add3A, %mul3A_376 : i32
    %add3A_378 = arith.addi %reduce_min3A_359, %mul3A_377 : i32
    %broadcast_in_dim3A_379 = vector.broadcast %add3A_378 : i32 to vector<16xi32>
    tpu.vector_store_idx %arg8[%broadcast_in_dim3A_375], %broadcast_in_dim3A_379 masked %eq3A_42 : memref<16xi32, #tpu.memory_space<vmem>>[vector<16xi32>], vector<16xi32>, vector<16xi1>
    %broadcast_in_dim3A_380 = vector.broadcast %reduce_min3A_373 : i32 to vector<16xi32>
    %broadcast_in_dim3A_381 = arith.constant 0xFF800000 : f32
    %broadcast_in_dim3A_382 = vector.broadcast %broadcast_in_dim3A_381 : f32 to vector<16xf32>
    tpu.vector_store_idx %arg6[%broadcast_in_dim3A_380], %broadcast_in_dim3A_382 masked %eq3A_42 : memref<8208xf32, #tpu.memory_space<vmem>>[vector<16xi32>], vector<16xf32>, vector<16xi1>
    %broadcast_in_dim3A_383 = arith.constant 0xFF800000 : f32
    %broadcast_in_dim3A_384 = vector.broadcast %broadcast_in_dim3A_383 : f32 to vector<16xf32>
    %broadcast_in_dim3A_385 = arith.constant 2147483647 : i32
    %broadcast_in_dim3A_386 = vector.broadcast %broadcast_in_dim3A_385 : i32 to vector<16xi32>
    %broadcast_in_dim3A_387 = arith.constant 2147483647 : i32
    %broadcast_in_dim3A_388 = vector.broadcast %broadcast_in_dim3A_387 : i32 to vector<16xi32>
    %while3A_389 = arith.constant 0 : i32
    %while3A_390 = arith.subi %select_n3A, %while3A_389 : i32
    %while3A_391 = arith.addi %while3A_389, %while3A_390 : i32
    %while3A_392 = arith.constant 1 : i32
    %while3A_393 = arith.divsi %while3A_390, %while3A_392 : i32
    %while3A_394 = arith.muli %while3A_393, %while3A_392 : i32
    %while3A_395 = arith.addi %while3A_389, %while3A_394 : i32
    %while3A_396 = arith.constant 1 : i32
    %while3A_397:3 = scf.for %while3A_1651 = %while3A_389 to %while3A_395 step %while3A_396 iter_args(%while3A_1652 = %broadcast_in_dim3A_384, %while3A_1653 = %broadcast_in_dim3A_386, %while3A_1654 = %broadcast_in_dim3A_388) -> (vector<16xf32>, vector<16xi32>, vector<16xi32>)  : i32 {
      %mul3A_1655 = arith.constant 16 : i32
      %mul3A_1656 = arith.muli %while3A_1651, %mul3A_1655 : i32
      %get3A_1657 = arith.index_cast %mul3A_1656 : i32 to index
      %get3A_1658 = tpu.vector_load %arg6[%get3A_1657] {strides = array<i32>} : memref<8208xf32, #tpu.memory_space<vmem>>, vector<16xf32>,
      %mul3A_1659 = arith.constant 16 : i32
      %mul3A_1660 = arith.muli %while3A_1651, %mul3A_1659 : i32
      %get3A_1661 = arith.index_cast %mul3A_1660 : i32 to index
      %get3A_1662 = tpu.vector_load %arg7[%get3A_1661] {strides = array<i32>} : memref<8208xi32, #tpu.memory_space<vmem>>, vector<16xi32>,
      %mul3A_1663 = arith.constant 16 : i32
      %mul3A_1664 = arith.muli %while3A_1651, %mul3A_1663 : i32
      %add3A_1665 = vector.broadcast %mul3A_1664 : i32 to vector<16xi32>
      %add3A_1666 = arith.addi %iota3A, %add3A_1665 : vector<16xi32>
      %gt3A = arith.cmpf ogt, %get3A_1658, %while3A_1652 : vector<16xf32>
      %select_n3A_1667 = arith.select %gt3A, %get3A_1658, %while3A_1652 : vector<16xi1>, vector<16xf32>
      %select_n3A_1668 = arith.select %gt3A, %get3A_1662, %while3A_1653 : vector<16xi1>, vector<16xi32>
      %select_n3A_1669 = arith.select %gt3A, %add3A_1666, %while3A_1654 : vector<16xi1>, vector<16xi32>
      scf.yield %select_n3A_1667, %select_n3A_1668, %select_n3A_1669 : vector<16xf32>, vector<16xi32>, vector<16xi32>
    }
    %while3A_398 = arith.constant 1 : i32
    %while3A_399:3 = scf.for %while3A_1651 = %while3A_395 to %while3A_391 step %while3A_398 iter_args(%while3A_1652 = %while3A_397#0, %while3A_1653 = %while3A_397#1, %while3A_1654 = %while3A_397#2) -> (vector<16xf32>, vector<16xi32>, vector<16xi32>)  : i32 {
      %mul3A_1655 = arith.constant 16 : i32
      %mul3A_1656 = arith.muli %while3A_1651, %mul3A_1655 : i32
      %get3A_1657 = arith.index_cast %mul3A_1656 : i32 to index
      %get3A_1658 = tpu.vector_load %arg6[%get3A_1657] {strides = array<i32>} : memref<8208xf32, #tpu.memory_space<vmem>>, vector<16xf32>,
      %mul3A_1659 = arith.constant 16 : i32
      %mul3A_1660 = arith.muli %while3A_1651, %mul3A_1659 : i32
      %get3A_1661 = arith.index_cast %mul3A_1660 : i32 to index
      %get3A_1662 = tpu.vector_load %arg7[%get3A_1661] {strides = array<i32>} : memref<8208xi32, #tpu.memory_space<vmem>>, vector<16xi32>,
      %mul3A_1663 = arith.constant 16 : i32
      %mul3A_1664 = arith.muli %while3A_1651, %mul3A_1663 : i32
      %add3A_1665 = vector.broadcast %mul3A_1664 : i32 to vector<16xi32>
      %add3A_1666 = arith.addi %iota3A, %add3A_1665 : vector<16xi32>
      %gt3A = arith.cmpf ogt, %get3A_1658, %while3A_1652 : vector<16xf32>
      %select_n3A_1667 = arith.select %gt3A, %get3A_1658, %while3A_1652 : vector<16xi1>, vector<16xf32>
      %select_n3A_1668 = arith.select %gt3A, %get3A_1662, %while3A_1653 : vector<16xi1>, vector<16xi32>
      %select_n3A_1669 = arith.select %gt3A, %add3A_1666, %while3A_1654 : vector<16xi1>, vector<16xi32>
      scf.yield %select_n3A_1667, %select_n3A_1668, %select_n3A_1669 : vector<16xf32>, vector<16xi32>, vector<16xi32>
    }
    %reduce_max3A_400 = arith.constant true
    %reduce_max3A_401 = vector.broadcast %reduce_max3A_400 : i1 to vector<16xi1>
    %reduce_max3A_402 = tpu.scan <max>, %while3A_399#0 masked %reduce_max3A_401 : vector<16xf32>, vector<16xi1> -> vector<16xf32>
    %reduce_max3A_403 = vector.extract %reduce_max3A_402[15] : f32 from vector<16xf32>
    %eq3A_404 = vector.broadcast %reduce_max3A_403 : f32 to vector<16xf32>
    %eq3A_405 = arith.cmpf oeq, %while3A_399#0, %eq3A_404 : vector<16xf32>
    %jit3A_406 = arith.constant 2147483647 : i32
    %broadcast_in_dim3A_407 = vector.broadcast %jit3A_406 : i32 to vector<16xi32>
    %select_n3A_408 = arith.select %eq3A_405, %while3A_399#1, %broadcast_in_dim3A_407 : vector<16xi1>, vector<16xi32>
    %reduce_min3A_409 = arith.constant true
    %reduce_min3A_410 = vector.broadcast %reduce_min3A_409 : i1 to vector<16xi1>
    %reduce_min3A_411 = arith.constant -2147483648 : i32
    %reduce_min3A_412 = vector.broadcast %reduce_min3A_411 : i32 to vector<16xi32>
    %reduce_min3A_413 = arith.xori %select_n3A_408, %reduce_min3A_412 : vector<16xi32>
    %reduce_min3A_414 = tpu.scan <min>, %reduce_min3A_413 masked %reduce_min3A_410 : vector<16xi32>, vector<16xi1> -> vector<16xi32>
    %reduce_min3A_415 = arith.xori %reduce_min3A_414, %reduce_min3A_412 : vector<16xi32>
    %reduce_min3A_416 = vector.extract %reduce_min3A_415[15] : i32 from vector<16xi32>
    %eq3A_417 = vector.broadcast %reduce_min3A_416 : i32 to vector<16xi32>
    %eq3A_418 = arith.cmpi eq, %while3A_399#1, %eq3A_417 : vector<16xi32>
    %and3A_419 = arith.andi %eq3A_405, %eq3A_418 : vector<16xi1>
    %jit3A_420 = arith.constant 2147483647 : i32
    %broadcast_in_dim3A_421 = vector.broadcast %jit3A_420 : i32 to vector<16xi32>
    %select_n3A_422 = arith.select %and3A_419, %while3A_399#2, %broadcast_in_dim3A_421 : vector<16xi1>, vector<16xi32>
    %reduce_min3A_423 = arith.constant true
    %reduce_min3A_424 = vector.broadcast %reduce_min3A_423 : i1 to vector<16xi1>
    %reduce_min3A_425 = arith.constant -2147483648 : i32
    %reduce_min3A_426 = vector.broadcast %reduce_min3A_425 : i32 to vector<16xi32>
    %reduce_min3A_427 = arith.xori %select_n3A_422, %reduce_min3A_426 : vector<16xi32>
    %reduce_min3A_428 = tpu.scan <min>, %reduce_min3A_427 masked %reduce_min3A_424 : vector<16xi32>, vector<16xi1> -> vector<16xi32>
    %reduce_min3A_429 = arith.xori %reduce_min3A_428, %reduce_min3A_426 : vector<16xi32>
    %reduce_min3A_430 = vector.extract %reduce_min3A_429[15] : i32 from vector<16xi32>
    %broadcast_in_dim3A_431 = arith.constant 6 : i32
    %broadcast_in_dim3A_432 = vector.broadcast %broadcast_in_dim3A_431 : i32 to vector<16xi32>
    %mul3A_433 = arith.constant 8192 : i32
    %mul3A_434 = arith.muli %add3A, %mul3A_433 : i32
    %add3A_435 = arith.addi %reduce_min3A_416, %mul3A_434 : i32
    %broadcast_in_dim3A_436 = vector.broadcast %add3A_435 : i32 to vector<16xi32>
    tpu.vector_store_idx %arg8[%broadcast_in_dim3A_432], %broadcast_in_dim3A_436 masked %eq3A_42 : memref<16xi32, #tpu.memory_space<vmem>>[vector<16xi32>], vector<16xi32>, vector<16xi1>
    %broadcast_in_dim3A_437 = vector.broadcast %reduce_min3A_430 : i32 to vector<16xi32>
    %broadcast_in_dim3A_438 = arith.constant 0xFF800000 : f32
    %broadcast_in_dim3A_439 = vector.broadcast %broadcast_in_dim3A_438 : f32 to vector<16xf32>
    tpu.vector_store_idx %arg6[%broadcast_in_dim3A_437], %broadcast_in_dim3A_439 masked %eq3A_42 : memref<8208xf32, #tpu.memory_space<vmem>>[vector<16xi32>], vector<16xf32>, vector<16xi1>
    %broadcast_in_dim3A_440 = arith.constant 0xFF800000 : f32
    %broadcast_in_dim3A_441 = vector.broadcast %broadcast_in_dim3A_440 : f32 to vector<16xf32>
    %broadcast_in_dim3A_442 = arith.constant 2147483647 : i32
    %broadcast_in_dim3A_443 = vector.broadcast %broadcast_in_dim3A_442 : i32 to vector<16xi32>
    %broadcast_in_dim3A_444 = arith.constant 2147483647 : i32
    %broadcast_in_dim3A_445 = vector.broadcast %broadcast_in_dim3A_444 : i32 to vector<16xi32>
    %while3A_446 = arith.constant 0 : i32
    %while3A_447 = arith.subi %select_n3A, %while3A_446 : i32
    %while3A_448 = arith.addi %while3A_446, %while3A_447 : i32
    %while3A_449 = arith.constant 1 : i32
    %while3A_450 = arith.divsi %while3A_447, %while3A_449 : i32
    %while3A_451 = arith.muli %while3A_450, %while3A_449 : i32
    %while3A_452 = arith.addi %while3A_446, %while3A_451 : i32
    %while3A_453 = arith.constant 1 : i32
    %while3A_454:3 = scf.for %while3A_1651 = %while3A_446 to %while3A_452 step %while3A_453 iter_args(%while3A_1652 = %broadcast_in_dim3A_441, %while3A_1653 = %broadcast_in_dim3A_443, %while3A_1654 = %broadcast_in_dim3A_445) -> (vector<16xf32>, vector<16xi32>, vector<16xi32>)  : i32 {
      %mul3A_1655 = arith.constant 16 : i32
      %mul3A_1656 = arith.muli %while3A_1651, %mul3A_1655 : i32
      %get3A_1657 = arith.index_cast %mul3A_1656 : i32 to index
      %get3A_1658 = tpu.vector_load %arg6[%get3A_1657] {strides = array<i32>} : memref<8208xf32, #tpu.memory_space<vmem>>, vector<16xf32>,
      %mul3A_1659 = arith.constant 16 : i32
      %mul3A_1660 = arith.muli %while3A_1651, %mul3A_1659 : i32
      %get3A_1661 = arith.index_cast %mul3A_1660 : i32 to index
      %get3A_1662 = tpu.vector_load %arg7[%get3A_1661] {strides = array<i32>} : memref<8208xi32, #tpu.memory_space<vmem>>, vector<16xi32>,
      %mul3A_1663 = arith.constant 16 : i32
      %mul3A_1664 = arith.muli %while3A_1651, %mul3A_1663 : i32
      %add3A_1665 = vector.broadcast %mul3A_1664 : i32 to vector<16xi32>
      %add3A_1666 = arith.addi %iota3A, %add3A_1665 : vector<16xi32>
      %gt3A = arith.cmpf ogt, %get3A_1658, %while3A_1652 : vector<16xf32>
      %select_n3A_1667 = arith.select %gt3A, %get3A_1658, %while3A_1652 : vector<16xi1>, vector<16xf32>
      %select_n3A_1668 = arith.select %gt3A, %get3A_1662, %while3A_1653 : vector<16xi1>, vector<16xi32>
      %select_n3A_1669 = arith.select %gt3A, %add3A_1666, %while3A_1654 : vector<16xi1>, vector<16xi32>
      scf.yield %select_n3A_1667, %select_n3A_1668, %select_n3A_1669 : vector<16xf32>, vector<16xi32>, vector<16xi32>
    }
    %while3A_455 = arith.constant 1 : i32
    %while3A_456:3 = scf.for %while3A_1651 = %while3A_452 to %while3A_448 step %while3A_455 iter_args(%while3A_1652 = %while3A_454#0, %while3A_1653 = %while3A_454#1, %while3A_1654 = %while3A_454#2) -> (vector<16xf32>, vector<16xi32>, vector<16xi32>)  : i32 {
      %mul3A_1655 = arith.constant 16 : i32
      %mul3A_1656 = arith.muli %while3A_1651, %mul3A_1655 : i32
      %get3A_1657 = arith.index_cast %mul3A_1656 : i32 to index
      %get3A_1658 = tpu.vector_load %arg6[%get3A_1657] {strides = array<i32>} : memref<8208xf32, #tpu.memory_space<vmem>>, vector<16xf32>,
      %mul3A_1659 = arith.constant 16 : i32
      %mul3A_1660 = arith.muli %while3A_1651, %mul3A_1659 : i32
      %get3A_1661 = arith.index_cast %mul3A_1660 : i32 to index
      %get3A_1662 = tpu.vector_load %arg7[%get3A_1661] {strides = array<i32>} : memref<8208xi32, #tpu.memory_space<vmem>>, vector<16xi32>,
      %mul3A_1663 = arith.constant 16 : i32
      %mul3A_1664 = arith.muli %while3A_1651, %mul3A_1663 : i32
      %add3A_1665 = vector.broadcast %mul3A_1664 : i32 to vector<16xi32>
      %add3A_1666 = arith.addi %iota3A, %add3A_1665 : vector<16xi32>
      %gt3A = arith.cmpf ogt, %get3A_1658, %while3A_1652 : vector<16xf32>
      %select_n3A_1667 = arith.select %gt3A, %get3A_1658, %while3A_1652 : vector<16xi1>, vector<16xf32>
      %select_n3A_1668 = arith.select %gt3A, %get3A_1662, %while3A_1653 : vector<16xi1>, vector<16xi32>
      %select_n3A_1669 = arith.select %gt3A, %add3A_1666, %while3A_1654 : vector<16xi1>, vector<16xi32>
      scf.yield %select_n3A_1667, %select_n3A_1668, %select_n3A_1669 : vector<16xf32>, vector<16xi32>, vector<16xi32>
    }
    %reduce_max3A_457 = arith.constant true
    %reduce_max3A_458 = vector.broadcast %reduce_max3A_457 : i1 to vector<16xi1>
    %reduce_max3A_459 = tpu.scan <max>, %while3A_456#0 masked %reduce_max3A_458 : vector<16xf32>, vector<16xi1> -> vector<16xf32>
    %reduce_max3A_460 = vector.extract %reduce_max3A_459[15] : f32 from vector<16xf32>
    %eq3A_461 = vector.broadcast %reduce_max3A_460 : f32 to vector<16xf32>
    %eq3A_462 = arith.cmpf oeq, %while3A_456#0, %eq3A_461 : vector<16xf32>
    %jit3A_463 = arith.constant 2147483647 : i32
    %broadcast_in_dim3A_464 = vector.broadcast %jit3A_463 : i32 to vector<16xi32>
    %select_n3A_465 = arith.select %eq3A_462, %while3A_456#1, %broadcast_in_dim3A_464 : vector<16xi1>, vector<16xi32>
    %reduce_min3A_466 = arith.constant true
    %reduce_min3A_467 = vector.broadcast %reduce_min3A_466 : i1 to vector<16xi1>
    %reduce_min3A_468 = arith.constant -2147483648 : i32
    %reduce_min3A_469 = vector.broadcast %reduce_min3A_468 : i32 to vector<16xi32>
    %reduce_min3A_470 = arith.xori %select_n3A_465, %reduce_min3A_469 : vector<16xi32>
    %reduce_min3A_471 = tpu.scan <min>, %reduce_min3A_470 masked %reduce_min3A_467 : vector<16xi32>, vector<16xi1> -> vector<16xi32>
    %reduce_min3A_472 = arith.xori %reduce_min3A_471, %reduce_min3A_469 : vector<16xi32>
    %reduce_min3A_473 = vector.extract %reduce_min3A_472[15] : i32 from vector<16xi32>
    %eq3A_474 = vector.broadcast %reduce_min3A_473 : i32 to vector<16xi32>
    %eq3A_475 = arith.cmpi eq, %while3A_456#1, %eq3A_474 : vector<16xi32>
    %and3A_476 = arith.andi %eq3A_462, %eq3A_475 : vector<16xi1>
    %jit3A_477 = arith.constant 2147483647 : i32
    %broadcast_in_dim3A_478 = vector.broadcast %jit3A_477 : i32 to vector<16xi32>
    %select_n3A_479 = arith.select %and3A_476, %while3A_456#2, %broadcast_in_dim3A_478 : vector<16xi1>, vector<16xi32>
    %reduce_min3A_480 = arith.constant true
    %reduce_min3A_481 = vector.broadcast %reduce_min3A_480 : i1 to vector<16xi1>
    %reduce_min3A_482 = arith.constant -2147483648 : i32
    %reduce_min3A_483 = vector.broadcast %reduce_min3A_482 : i32 to vector<16xi32>
    %reduce_min3A_484 = arith.xori %select_n3A_479, %reduce_min3A_483 : vector<16xi32>
    %reduce_min3A_485 = tpu.scan <min>, %reduce_min3A_484 masked %reduce_min3A_481 : vector<16xi32>, vector<16xi1> -> vector<16xi32>
    %reduce_min3A_486 = arith.xori %reduce_min3A_485, %reduce_min3A_483 : vector<16xi32>
    %reduce_min3A_487 = vector.extract %reduce_min3A_486[15] : i32 from vector<16xi32>
    %broadcast_in_dim3A_488 = arith.constant 7 : i32
    %broadcast_in_dim3A_489 = vector.broadcast %broadcast_in_dim3A_488 : i32 to vector<16xi32>
    %mul3A_490 = arith.constant 8192 : i32
    %mul3A_491 = arith.muli %add3A, %mul3A_490 : i32
    %add3A_492 = arith.addi %reduce_min3A_473, %mul3A_491 : i32
    %broadcast_in_dim3A_493 = vector.broadcast %add3A_492 : i32 to vector<16xi32>
    tpu.vector_store_idx %arg8[%broadcast_in_dim3A_489], %broadcast_in_dim3A_493 masked %eq3A_42 : memref<16xi32, #tpu.memory_space<vmem>>[vector<16xi32>], vector<16xi32>, vector<16xi1>
    %broadcast_in_dim3A_494 = vector.broadcast %reduce_min3A_487 : i32 to vector<16xi32>
    %broadcast_in_dim3A_495 = arith.constant 0xFF800000 : f32
    %broadcast_in_dim3A_496 = vector.broadcast %broadcast_in_dim3A_495 : f32 to vector<16xf32>
    tpu.vector_store_idx %arg6[%broadcast_in_dim3A_494], %broadcast_in_dim3A_496 masked %eq3A_42 : memref<8208xf32, #tpu.memory_space<vmem>>[vector<16xi32>], vector<16xf32>, vector<16xi1>
    %broadcast_in_dim3A_497 = arith.constant 0xFF800000 : f32
    %broadcast_in_dim3A_498 = vector.broadcast %broadcast_in_dim3A_497 : f32 to vector<16xf32>
    %broadcast_in_dim3A_499 = arith.constant 2147483647 : i32
    %broadcast_in_dim3A_500 = vector.broadcast %broadcast_in_dim3A_499 : i32 to vector<16xi32>
    %broadcast_in_dim3A_501 = arith.constant 2147483647 : i32
    %broadcast_in_dim3A_502 = vector.broadcast %broadcast_in_dim3A_501 : i32 to vector<16xi32>
    %while3A_503 = arith.constant 0 : i32
    %while3A_504 = arith.subi %select_n3A, %while3A_503 : i32
    %while3A_505 = arith.addi %while3A_503, %while3A_504 : i32
    %while3A_506 = arith.constant 1 : i32
    %while3A_507 = arith.divsi %while3A_504, %while3A_506 : i32
    %while3A_508 = arith.muli %while3A_507, %while3A_506 : i32
    %while3A_509 = arith.addi %while3A_503, %while3A_508 : i32
    %while3A_510 = arith.constant 1 : i32
    %while3A_511:3 = scf.for %while3A_1651 = %while3A_503 to %while3A_509 step %while3A_510 iter_args(%while3A_1652 = %broadcast_in_dim3A_498, %while3A_1653 = %broadcast_in_dim3A_500, %while3A_1654 = %broadcast_in_dim3A_502) -> (vector<16xf32>, vector<16xi32>, vector<16xi32>)  : i32 {
      %mul3A_1655 = arith.constant 16 : i32
      %mul3A_1656 = arith.muli %while3A_1651, %mul3A_1655 : i32
      %get3A_1657 = arith.index_cast %mul3A_1656 : i32 to index
      %get3A_1658 = tpu.vector_load %arg6[%get3A_1657] {strides = array<i32>} : memref<8208xf32, #tpu.memory_space<vmem>>, vector<16xf32>,
      %mul3A_1659 = arith.constant 16 : i32
      %mul3A_1660 = arith.muli %while3A_1651, %mul3A_1659 : i32
      %get3A_1661 = arith.index_cast %mul3A_1660 : i32 to index
      %get3A_1662 = tpu.vector_load %arg7[%get3A_1661] {strides = array<i32>} : memref<8208xi32, #tpu.memory_space<vmem>>, vector<16xi32>,
      %mul3A_1663 = arith.constant 16 : i32
      %mul3A_1664 = arith.muli %while3A_1651, %mul3A_1663 : i32
      %add3A_1665 = vector.broadcast %mul3A_1664 : i32 to vector<16xi32>
      %add3A_1666 = arith.addi %iota3A, %add3A_1665 : vector<16xi32>
      %gt3A = arith.cmpf ogt, %get3A_1658, %while3A_1652 : vector<16xf32>
      %select_n3A_1667 = arith.select %gt3A, %get3A_1658, %while3A_1652 : vector<16xi1>, vector<16xf32>
      %select_n3A_1668 = arith.select %gt3A, %get3A_1662, %while3A_1653 : vector<16xi1>, vector<16xi32>
      %select_n3A_1669 = arith.select %gt3A, %add3A_1666, %while3A_1654 : vector<16xi1>, vector<16xi32>
      scf.yield %select_n3A_1667, %select_n3A_1668, %select_n3A_1669 : vector<16xf32>, vector<16xi32>, vector<16xi32>
    }
    %while3A_512 = arith.constant 1 : i32
    %while3A_513:3 = scf.for %while3A_1651 = %while3A_509 to %while3A_505 step %while3A_512 iter_args(%while3A_1652 = %while3A_511#0, %while3A_1653 = %while3A_511#1, %while3A_1654 = %while3A_511#2) -> (vector<16xf32>, vector<16xi32>, vector<16xi32>)  : i32 {
      %mul3A_1655 = arith.constant 16 : i32
      %mul3A_1656 = arith.muli %while3A_1651, %mul3A_1655 : i32
      %get3A_1657 = arith.index_cast %mul3A_1656 : i32 to index
      %get3A_1658 = tpu.vector_load %arg6[%get3A_1657] {strides = array<i32>} : memref<8208xf32, #tpu.memory_space<vmem>>, vector<16xf32>,
      %mul3A_1659 = arith.constant 16 : i32
      %mul3A_1660 = arith.muli %while3A_1651, %mul3A_1659 : i32
      %get3A_1661 = arith.index_cast %mul3A_1660 : i32 to index
      %get3A_1662 = tpu.vector_load %arg7[%get3A_1661] {strides = array<i32>} : memref<8208xi32, #tpu.memory_space<vmem>>, vector<16xi32>,
      %mul3A_1663 = arith.constant 16 : i32
      %mul3A_1664 = arith.muli %while3A_1651, %mul3A_1663 : i32
      %add3A_1665 = vector.broadcast %mul3A_1664 : i32 to vector<16xi32>
      %add3A_1666 = arith.addi %iota3A, %add3A_1665 : vector<16xi32>
      %gt3A = arith.cmpf ogt, %get3A_1658, %while3A_1652 : vector<16xf32>
      %select_n3A_1667 = arith.select %gt3A, %get3A_1658, %while3A_1652 : vector<16xi1>, vector<16xf32>
      %select_n3A_1668 = arith.select %gt3A, %get3A_1662, %while3A_1653 : vector<16xi1>, vector<16xi32>
      %select_n3A_1669 = arith.select %gt3A, %add3A_1666, %while3A_1654 : vector<16xi1>, vector<16xi32>
      scf.yield %select_n3A_1667, %select_n3A_1668, %select_n3A_1669 : vector<16xf32>, vector<16xi32>, vector<16xi32>
    }
    %reduce_max3A_514 = arith.constant true
    %reduce_max3A_515 = vector.broadcast %reduce_max3A_514 : i1 to vector<16xi1>
    %reduce_max3A_516 = tpu.scan <max>, %while3A_513#0 masked %reduce_max3A_515 : vector<16xf32>, vector<16xi1> -> vector<16xf32>
    %reduce_max3A_517 = vector.extract %reduce_max3A_516[15] : f32 from vector<16xf32>
    %eq3A_518 = vector.broadcast %reduce_max3A_517 : f32 to vector<16xf32>
    %eq3A_519 = arith.cmpf oeq, %while3A_513#0, %eq3A_518 : vector<16xf32>
    %jit3A_520 = arith.constant 2147483647 : i32
    %broadcast_in_dim3A_521 = vector.broadcast %jit3A_520 : i32 to vector<16xi32>
    %select_n3A_522 = arith.select %eq3A_519, %while3A_513#1, %broadcast_in_dim3A_521 : vector<16xi1>, vector<16xi32>
    %reduce_min3A_523 = arith.constant true
    %reduce_min3A_524 = vector.broadcast %reduce_min3A_523 : i1 to vector<16xi1>
    %reduce_min3A_525 = arith.constant -2147483648 : i32
    %reduce_min3A_526 = vector.broadcast %reduce_min3A_525 : i32 to vector<16xi32>
    %reduce_min3A_527 = arith.xori %select_n3A_522, %reduce_min3A_526 : vector<16xi32>
    %reduce_min3A_528 = tpu.scan <min>, %reduce_min3A_527 masked %reduce_min3A_524 : vector<16xi32>, vector<16xi1> -> vector<16xi32>
    %reduce_min3A_529 = arith.xori %reduce_min3A_528, %reduce_min3A_526 : vector<16xi32>
    %reduce_min3A_530 = vector.extract %reduce_min3A_529[15] : i32 from vector<16xi32>
    %eq3A_531 = vector.broadcast %reduce_min3A_530 : i32 to vector<16xi32>
    %eq3A_532 = arith.cmpi eq, %while3A_513#1, %eq3A_531 : vector<16xi32>
    %and3A_533 = arith.andi %eq3A_519, %eq3A_532 : vector<16xi1>
    %jit3A_534 = arith.constant 2147483647 : i32
    %broadcast_in_dim3A_535 = vector.broadcast %jit3A_534 : i32 to vector<16xi32>
    %select_n3A_536 = arith.select %and3A_533, %while3A_513#2, %broadcast_in_dim3A_535 : vector<16xi1>, vector<16xi32>
    %reduce_min3A_537 = arith.constant true
    %reduce_min3A_538 = vector.broadcast %reduce_min3A_537 : i1 to vector<16xi1>
    %reduce_min3A_539 = arith.constant -2147483648 : i32
    %reduce_min3A_540 = vector.broadcast %reduce_min3A_539 : i32 to vector<16xi32>
    %reduce_min3A_541 = arith.xori %select_n3A_536, %reduce_min3A_540 : vector<16xi32>
    %reduce_min3A_542 = tpu.scan <min>, %reduce_min3A_541 masked %reduce_min3A_538 : vector<16xi32>, vector<16xi1> -> vector<16xi32>
    %reduce_min3A_543 = arith.xori %reduce_min3A_542, %reduce_min3A_540 : vector<16xi32>
    %reduce_min3A_544 = vector.extract %reduce_min3A_543[15] : i32 from vector<16xi32>
    %broadcast_in_dim3A_545 = arith.constant 8 : i32
    %broadcast_in_dim3A_546 = vector.broadcast %broadcast_in_dim3A_545 : i32 to vector<16xi32>
    %mul3A_547 = arith.constant 8192 : i32
    %mul3A_548 = arith.muli %add3A, %mul3A_547 : i32
    %add3A_549 = arith.addi %reduce_min3A_530, %mul3A_548 : i32
    %broadcast_in_dim3A_550 = vector.broadcast %add3A_549 : i32 to vector<16xi32>
    tpu.vector_store_idx %arg8[%broadcast_in_dim3A_546], %broadcast_in_dim3A_550 masked %eq3A_42 : memref<16xi32, #tpu.memory_space<vmem>>[vector<16xi32>], vector<16xi32>, vector<16xi1>
    %broadcast_in_dim3A_551 = vector.broadcast %reduce_min3A_544 : i32 to vector<16xi32>
    %broadcast_in_dim3A_552 = arith.constant 0xFF800000 : f32
    %broadcast_in_dim3A_553 = vector.broadcast %broadcast_in_dim3A_552 : f32 to vector<16xf32>
    tpu.vector_store_idx %arg6[%broadcast_in_dim3A_551], %broadcast_in_dim3A_553 masked %eq3A_42 : memref<8208xf32, #tpu.memory_space<vmem>>[vector<16xi32>], vector<16xf32>, vector<16xi1>
    %broadcast_in_dim3A_554 = arith.constant 0xFF800000 : f32
    %broadcast_in_dim3A_555 = vector.broadcast %broadcast_in_dim3A_554 : f32 to vector<16xf32>
    %broadcast_in_dim3A_556 = arith.constant 2147483647 : i32
    %broadcast_in_dim3A_557 = vector.broadcast %broadcast_in_dim3A_556 : i32 to vector<16xi32>
    %broadcast_in_dim3A_558 = arith.constant 2147483647 : i32
    %broadcast_in_dim3A_559 = vector.broadcast %broadcast_in_dim3A_558 : i32 to vector<16xi32>
    %while3A_560 = arith.constant 0 : i32
    %while3A_561 = arith.subi %select_n3A, %while3A_560 : i32
    %while3A_562 = arith.addi %while3A_560, %while3A_561 : i32
    %while3A_563 = arith.constant 1 : i32
    %while3A_564 = arith.divsi %while3A_561, %while3A_563 : i32
    %while3A_565 = arith.muli %while3A_564, %while3A_563 : i32
    %while3A_566 = arith.addi %while3A_560, %while3A_565 : i32
    %while3A_567 = arith.constant 1 : i32
    %while3A_568:3 = scf.for %while3A_1651 = %while3A_560 to %while3A_566 step %while3A_567 iter_args(%while3A_1652 = %broadcast_in_dim3A_555, %while3A_1653 = %broadcast_in_dim3A_557, %while3A_1654 = %broadcast_in_dim3A_559) -> (vector<16xf32>, vector<16xi32>, vector<16xi32>)  : i32 {
      %mul3A_1655 = arith.constant 16 : i32
      %mul3A_1656 = arith.muli %while3A_1651, %mul3A_1655 : i32
      %get3A_1657 = arith.index_cast %mul3A_1656 : i32 to index
      %get3A_1658 = tpu.vector_load %arg6[%get3A_1657] {strides = array<i32>} : memref<8208xf32, #tpu.memory_space<vmem>>, vector<16xf32>,
      %mul3A_1659 = arith.constant 16 : i32
      %mul3A_1660 = arith.muli %while3A_1651, %mul3A_1659 : i32
      %get3A_1661 = arith.index_cast %mul3A_1660 : i32 to index
      %get3A_1662 = tpu.vector_load %arg7[%get3A_1661] {strides = array<i32>} : memref<8208xi32, #tpu.memory_space<vmem>>, vector<16xi32>,
      %mul3A_1663 = arith.constant 16 : i32
      %mul3A_1664 = arith.muli %while3A_1651, %mul3A_1663 : i32
      %add3A_1665 = vector.broadcast %mul3A_1664 : i32 to vector<16xi32>
      %add3A_1666 = arith.addi %iota3A, %add3A_1665 : vector<16xi32>
      %gt3A = arith.cmpf ogt, %get3A_1658, %while3A_1652 : vector<16xf32>
      %select_n3A_1667 = arith.select %gt3A, %get3A_1658, %while3A_1652 : vector<16xi1>, vector<16xf32>
      %select_n3A_1668 = arith.select %gt3A, %get3A_1662, %while3A_1653 : vector<16xi1>, vector<16xi32>
      %select_n3A_1669 = arith.select %gt3A, %add3A_1666, %while3A_1654 : vector<16xi1>, vector<16xi32>
      scf.yield %select_n3A_1667, %select_n3A_1668, %select_n3A_1669 : vector<16xf32>, vector<16xi32>, vector<16xi32>
    }
    %while3A_569 = arith.constant 1 : i32
    %while3A_570:3 = scf.for %while3A_1651 = %while3A_566 to %while3A_562 step %while3A_569 iter_args(%while3A_1652 = %while3A_568#0, %while3A_1653 = %while3A_568#1, %while3A_1654 = %while3A_568#2) -> (vector<16xf32>, vector<16xi32>, vector<16xi32>)  : i32 {
      %mul3A_1655 = arith.constant 16 : i32
      %mul3A_1656 = arith.muli %while3A_1651, %mul3A_1655 : i32
      %get3A_1657 = arith.index_cast %mul3A_1656 : i32 to index
      %get3A_1658 = tpu.vector_load %arg6[%get3A_1657] {strides = array<i32>} : memref<8208xf32, #tpu.memory_space<vmem>>, vector<16xf32>,
      %mul3A_1659 = arith.constant 16 : i32
      %mul3A_1660 = arith.muli %while3A_1651, %mul3A_1659 : i32
      %get3A_1661 = arith.index_cast %mul3A_1660 : i32 to index
      %get3A_1662 = tpu.vector_load %arg7[%get3A_1661] {strides = array<i32>} : memref<8208xi32, #tpu.memory_space<vmem>>, vector<16xi32>,
      %mul3A_1663 = arith.constant 16 : i32
      %mul3A_1664 = arith.muli %while3A_1651, %mul3A_1663 : i32
      %add3A_1665 = vector.broadcast %mul3A_1664 : i32 to vector<16xi32>
      %add3A_1666 = arith.addi %iota3A, %add3A_1665 : vector<16xi32>
      %gt3A = arith.cmpf ogt, %get3A_1658, %while3A_1652 : vector<16xf32>
      %select_n3A_1667 = arith.select %gt3A, %get3A_1658, %while3A_1652 : vector<16xi1>, vector<16xf32>
      %select_n3A_1668 = arith.select %gt3A, %get3A_1662, %while3A_1653 : vector<16xi1>, vector<16xi32>
      %select_n3A_1669 = arith.select %gt3A, %add3A_1666, %while3A_1654 : vector<16xi1>, vector<16xi32>
      scf.yield %select_n3A_1667, %select_n3A_1668, %select_n3A_1669 : vector<16xf32>, vector<16xi32>, vector<16xi32>
    }
    %reduce_max3A_571 = arith.constant true
    %reduce_max3A_572 = vector.broadcast %reduce_max3A_571 : i1 to vector<16xi1>
    %reduce_max3A_573 = tpu.scan <max>, %while3A_570#0 masked %reduce_max3A_572 : vector<16xf32>, vector<16xi1> -> vector<16xf32>
    %reduce_max3A_574 = vector.extract %reduce_max3A_573[15] : f32 from vector<16xf32>
    %eq3A_575 = vector.broadcast %reduce_max3A_574 : f32 to vector<16xf32>
    %eq3A_576 = arith.cmpf oeq, %while3A_570#0, %eq3A_575 : vector<16xf32>
    %jit3A_577 = arith.constant 2147483647 : i32
    %broadcast_in_dim3A_578 = vector.broadcast %jit3A_577 : i32 to vector<16xi32>
    %select_n3A_579 = arith.select %eq3A_576, %while3A_570#1, %broadcast_in_dim3A_578 : vector<16xi1>, vector<16xi32>
    %reduce_min3A_580 = arith.constant true
    %reduce_min3A_581 = vector.broadcast %reduce_min3A_580 : i1 to vector<16xi1>
    %reduce_min3A_582 = arith.constant -2147483648 : i32
    %reduce_min3A_583 = vector.broadcast %reduce_min3A_582 : i32 to vector<16xi32>
    %reduce_min3A_584 = arith.xori %select_n3A_579, %reduce_min3A_583 : vector<16xi32>
    %reduce_min3A_585 = tpu.scan <min>, %reduce_min3A_584 masked %reduce_min3A_581 : vector<16xi32>, vector<16xi1> -> vector<16xi32>
    %reduce_min3A_586 = arith.xori %reduce_min3A_585, %reduce_min3A_583 : vector<16xi32>
    %reduce_min3A_587 = vector.extract %reduce_min3A_586[15] : i32 from vector<16xi32>
    %eq3A_588 = vector.broadcast %reduce_min3A_587 : i32 to vector<16xi32>
    %eq3A_589 = arith.cmpi eq, %while3A_570#1, %eq3A_588 : vector<16xi32>
    %and3A_590 = arith.andi %eq3A_576, %eq3A_589 : vector<16xi1>
    %jit3A_591 = arith.constant 2147483647 : i32
    %broadcast_in_dim3A_592 = vector.broadcast %jit3A_591 : i32 to vector<16xi32>
    %select_n3A_593 = arith.select %and3A_590, %while3A_570#2, %broadcast_in_dim3A_592 : vector<16xi1>, vector<16xi32>
    %reduce_min3A_594 = arith.constant true
    %reduce_min3A_595 = vector.broadcast %reduce_min3A_594 : i1 to vector<16xi1>
    %reduce_min3A_596 = arith.constant -2147483648 : i32
    %reduce_min3A_597 = vector.broadcast %reduce_min3A_596 : i32 to vector<16xi32>
    %reduce_min3A_598 = arith.xori %select_n3A_593, %reduce_min3A_597 : vector<16xi32>
    %reduce_min3A_599 = tpu.scan <min>, %reduce_min3A_598 masked %reduce_min3A_595 : vector<16xi32>, vector<16xi1> -> vector<16xi32>
    %reduce_min3A_600 = arith.xori %reduce_min3A_599, %reduce_min3A_597 : vector<16xi32>
    %reduce_min3A_601 = vector.extract %reduce_min3A_600[15] : i32 from vector<16xi32>
    %broadcast_in_dim3A_602 = arith.constant 9 : i32
    %broadcast_in_dim3A_603 = vector.broadcast %broadcast_in_dim3A_602 : i32 to vector<16xi32>
    %mul3A_604 = arith.constant 8192 : i32
    %mul3A_605 = arith.muli %add3A, %mul3A_604 : i32
    %add3A_606 = arith.addi %reduce_min3A_587, %mul3A_605 : i32
    %broadcast_in_dim3A_607 = vector.broadcast %add3A_606 : i32 to vector<16xi32>
    tpu.vector_store_idx %arg8[%broadcast_in_dim3A_603], %broadcast_in_dim3A_607 masked %eq3A_42 : memref<16xi32, #tpu.memory_space<vmem>>[vector<16xi32>], vector<16xi32>, vector<16xi1>
    %broadcast_in_dim3A_608 = vector.broadcast %reduce_min3A_601 : i32 to vector<16xi32>
    %broadcast_in_dim3A_609 = arith.constant 0xFF800000 : f32
    %broadcast_in_dim3A_610 = vector.broadcast %broadcast_in_dim3A_609 : f32 to vector<16xf32>
    tpu.vector_store_idx %arg6[%broadcast_in_dim3A_608], %broadcast_in_dim3A_610 masked %eq3A_42 : memref<8208xf32, #tpu.memory_space<vmem>>[vector<16xi32>], vector<16xf32>, vector<16xi1>
    %broadcast_in_dim3A_611 = arith.constant 0xFF800000 : f32
    %broadcast_in_dim3A_612 = vector.broadcast %broadcast_in_dim3A_611 : f32 to vector<16xf32>
    %broadcast_in_dim3A_613 = arith.constant 2147483647 : i32
    %broadcast_in_dim3A_614 = vector.broadcast %broadcast_in_dim3A_613 : i32 to vector<16xi32>
    %broadcast_in_dim3A_615 = arith.constant 2147483647 : i32
    %broadcast_in_dim3A_616 = vector.broadcast %broadcast_in_dim3A_615 : i32 to vector<16xi32>
    %while3A_617 = arith.constant 0 : i32
    %while3A_618 = arith.subi %select_n3A, %while3A_617 : i32
    %while3A_619 = arith.addi %while3A_617, %while3A_618 : i32
    %while3A_620 = arith.constant 1 : i32
    %while3A_621 = arith.divsi %while3A_618, %while3A_620 : i32
    %while3A_622 = arith.muli %while3A_621, %while3A_620 : i32
    %while3A_623 = arith.addi %while3A_617, %while3A_622 : i32
    %while3A_624 = arith.constant 1 : i32
    %while3A_625:3 = scf.for %while3A_1651 = %while3A_617 to %while3A_623 step %while3A_624 iter_args(%while3A_1652 = %broadcast_in_dim3A_612, %while3A_1653 = %broadcast_in_dim3A_614, %while3A_1654 = %broadcast_in_dim3A_616) -> (vector<16xf32>, vector<16xi32>, vector<16xi32>)  : i32 {
      %mul3A_1655 = arith.constant 16 : i32
      %mul3A_1656 = arith.muli %while3A_1651, %mul3A_1655 : i32
      %get3A_1657 = arith.index_cast %mul3A_1656 : i32 to index
      %get3A_1658 = tpu.vector_load %arg6[%get3A_1657] {strides = array<i32>} : memref<8208xf32, #tpu.memory_space<vmem>>, vector<16xf32>,
      %mul3A_1659 = arith.constant 16 : i32
      %mul3A_1660 = arith.muli %while3A_1651, %mul3A_1659 : i32
      %get3A_1661 = arith.index_cast %mul3A_1660 : i32 to index
      %get3A_1662 = tpu.vector_load %arg7[%get3A_1661] {strides = array<i32>} : memref<8208xi32, #tpu.memory_space<vmem>>, vector<16xi32>,
      %mul3A_1663 = arith.constant 16 : i32
      %mul3A_1664 = arith.muli %while3A_1651, %mul3A_1663 : i32
      %add3A_1665 = vector.broadcast %mul3A_1664 : i32 to vector<16xi32>
      %add3A_1666 = arith.addi %iota3A, %add3A_1665 : vector<16xi32>
      %gt3A = arith.cmpf ogt, %get3A_1658, %while3A_1652 : vector<16xf32>
      %select_n3A_1667 = arith.select %gt3A, %get3A_1658, %while3A_1652 : vector<16xi1>, vector<16xf32>
      %select_n3A_1668 = arith.select %gt3A, %get3A_1662, %while3A_1653 : vector<16xi1>, vector<16xi32>
      %select_n3A_1669 = arith.select %gt3A, %add3A_1666, %while3A_1654 : vector<16xi1>, vector<16xi32>
      scf.yield %select_n3A_1667, %select_n3A_1668, %select_n3A_1669 : vector<16xf32>, vector<16xi32>, vector<16xi32>
    }
    %while3A_626 = arith.constant 1 : i32
    %while3A_627:3 = scf.for %while3A_1651 = %while3A_623 to %while3A_619 step %while3A_626 iter_args(%while3A_1652 = %while3A_625#0, %while3A_1653 = %while3A_625#1, %while3A_1654 = %while3A_625#2) -> (vector<16xf32>, vector<16xi32>, vector<16xi32>)  : i32 {
      %mul3A_1655 = arith.constant 16 : i32
      %mul3A_1656 = arith.muli %while3A_1651, %mul3A_1655 : i32
      %get3A_1657 = arith.index_cast %mul3A_1656 : i32 to index
      %get3A_1658 = tpu.vector_load %arg6[%get3A_1657] {strides = array<i32>} : memref<8208xf32, #tpu.memory_space<vmem>>, vector<16xf32>,
      %mul3A_1659 = arith.constant 16 : i32
      %mul3A_1660 = arith.muli %while3A_1651, %mul3A_1659 : i32
      %get3A_1661 = arith.index_cast %mul3A_1660 : i32 to index
      %get3A_1662 = tpu.vector_load %arg7[%get3A_1661] {strides = array<i32>} : memref<8208xi32, #tpu.memory_space<vmem>>, vector<16xi32>,
      %mul3A_1663 = arith.constant 16 : i32
      %mul3A_1664 = arith.muli %while3A_1651, %mul3A_1663 : i32
      %add3A_1665 = vector.broadcast %mul3A_1664 : i32 to vector<16xi32>
      %add3A_1666 = arith.addi %iota3A, %add3A_1665 : vector<16xi32>
      %gt3A = arith.cmpf ogt, %get3A_1658, %while3A_1652 : vector<16xf32>
      %select_n3A_1667 = arith.select %gt3A, %get3A_1658, %while3A_1652 : vector<16xi1>, vector<16xf32>
      %select_n3A_1668 = arith.select %gt3A, %get3A_1662, %while3A_1653 : vector<16xi1>, vector<16xi32>
      %select_n3A_1669 = arith.select %gt3A, %add3A_1666, %while3A_1654 : vector<16xi1>, vector<16xi32>
      scf.yield %select_n3A_1667, %select_n3A_1668, %select_n3A_1669 : vector<16xf32>, vector<16xi32>, vector<16xi32>
    }
    %reduce_max3A_628 = arith.constant true
    %reduce_max3A_629 = vector.broadcast %reduce_max3A_628 : i1 to vector<16xi1>
    %reduce_max3A_630 = tpu.scan <max>, %while3A_627#0 masked %reduce_max3A_629 : vector<16xf32>, vector<16xi1> -> vector<16xf32>
    %reduce_max3A_631 = vector.extract %reduce_max3A_630[15] : f32 from vector<16xf32>
    %eq3A_632 = vector.broadcast %reduce_max3A_631 : f32 to vector<16xf32>
    %eq3A_633 = arith.cmpf oeq, %while3A_627#0, %eq3A_632 : vector<16xf32>
    %jit3A_634 = arith.constant 2147483647 : i32
    %broadcast_in_dim3A_635 = vector.broadcast %jit3A_634 : i32 to vector<16xi32>
    %select_n3A_636 = arith.select %eq3A_633, %while3A_627#1, %broadcast_in_dim3A_635 : vector<16xi1>, vector<16xi32>
    %reduce_min3A_637 = arith.constant true
    %reduce_min3A_638 = vector.broadcast %reduce_min3A_637 : i1 to vector<16xi1>
    %reduce_min3A_639 = arith.constant -2147483648 : i32
    %reduce_min3A_640 = vector.broadcast %reduce_min3A_639 : i32 to vector<16xi32>
    %reduce_min3A_641 = arith.xori %select_n3A_636, %reduce_min3A_640 : vector<16xi32>
    %reduce_min3A_642 = tpu.scan <min>, %reduce_min3A_641 masked %reduce_min3A_638 : vector<16xi32>, vector<16xi1> -> vector<16xi32>
    %reduce_min3A_643 = arith.xori %reduce_min3A_642, %reduce_min3A_640 : vector<16xi32>
    %reduce_min3A_644 = vector.extract %reduce_min3A_643[15] : i32 from vector<16xi32>
    %eq3A_645 = vector.broadcast %reduce_min3A_644 : i32 to vector<16xi32>
    %eq3A_646 = arith.cmpi eq, %while3A_627#1, %eq3A_645 : vector<16xi32>
    %and3A_647 = arith.andi %eq3A_633, %eq3A_646 : vector<16xi1>
    %jit3A_648 = arith.constant 2147483647 : i32
    %broadcast_in_dim3A_649 = vector.broadcast %jit3A_648 : i32 to vector<16xi32>
    %select_n3A_650 = arith.select %and3A_647, %while3A_627#2, %broadcast_in_dim3A_649 : vector<16xi1>, vector<16xi32>
    %reduce_min3A_651 = arith.constant true
    %reduce_min3A_652 = vector.broadcast %reduce_min3A_651 : i1 to vector<16xi1>
    %reduce_min3A_653 = arith.constant -2147483648 : i32
    %reduce_min3A_654 = vector.broadcast %reduce_min3A_653 : i32 to vector<16xi32>
    %reduce_min3A_655 = arith.xori %select_n3A_650, %reduce_min3A_654 : vector<16xi32>
    %reduce_min3A_656 = tpu.scan <min>, %reduce_min3A_655 masked %reduce_min3A_652 : vector<16xi32>, vector<16xi1> -> vector<16xi32>
    %reduce_min3A_657 = arith.xori %reduce_min3A_656, %reduce_min3A_654 : vector<16xi32>
    %reduce_min3A_658 = vector.extract %reduce_min3A_657[15] : i32 from vector<16xi32>
    %broadcast_in_dim3A_659 = arith.constant 10 : i32
    %broadcast_in_dim3A_660 = vector.broadcast %broadcast_in_dim3A_659 : i32 to vector<16xi32>
    %mul3A_661 = arith.constant 8192 : i32
    %mul3A_662 = arith.muli %add3A, %mul3A_661 : i32
    %add3A_663 = arith.addi %reduce_min3A_644, %mul3A_662 : i32
    %broadcast_in_dim3A_664 = vector.broadcast %add3A_663 : i32 to vector<16xi32>
    tpu.vector_store_idx %arg8[%broadcast_in_dim3A_660], %broadcast_in_dim3A_664 masked %eq3A_42 : memref<16xi32, #tpu.memory_space<vmem>>[vector<16xi32>], vector<16xi32>, vector<16xi1>
    %broadcast_in_dim3A_665 = vector.broadcast %reduce_min3A_658 : i32 to vector<16xi32>
    %broadcast_in_dim3A_666 = arith.constant 0xFF800000 : f32
    %broadcast_in_dim3A_667 = vector.broadcast %broadcast_in_dim3A_666 : f32 to vector<16xf32>
    tpu.vector_store_idx %arg6[%broadcast_in_dim3A_665], %broadcast_in_dim3A_667 masked %eq3A_42 : memref<8208xf32, #tpu.memory_space<vmem>>[vector<16xi32>], vector<16xf32>, vector<16xi1>
    %broadcast_in_dim3A_668 = arith.constant 0xFF800000 : f32
    %broadcast_in_dim3A_669 = vector.broadcast %broadcast_in_dim3A_668 : f32 to vector<16xf32>
    %broadcast_in_dim3A_670 = arith.constant 2147483647 : i32
    %broadcast_in_dim3A_671 = vector.broadcast %broadcast_in_dim3A_670 : i32 to vector<16xi32>
    %broadcast_in_dim3A_672 = arith.constant 2147483647 : i32
    %broadcast_in_dim3A_673 = vector.broadcast %broadcast_in_dim3A_672 : i32 to vector<16xi32>
    %while3A_674 = arith.constant 0 : i32
    %while3A_675 = arith.subi %select_n3A, %while3A_674 : i32
    %while3A_676 = arith.addi %while3A_674, %while3A_675 : i32
    %while3A_677 = arith.constant 1 : i32
    %while3A_678 = arith.divsi %while3A_675, %while3A_677 : i32
    %while3A_679 = arith.muli %while3A_678, %while3A_677 : i32
    %while3A_680 = arith.addi %while3A_674, %while3A_679 : i32
    %while3A_681 = arith.constant 1 : i32
    %while3A_682:3 = scf.for %while3A_1651 = %while3A_674 to %while3A_680 step %while3A_681 iter_args(%while3A_1652 = %broadcast_in_dim3A_669, %while3A_1653 = %broadcast_in_dim3A_671, %while3A_1654 = %broadcast_in_dim3A_673) -> (vector<16xf32>, vector<16xi32>, vector<16xi32>)  : i32 {
      %mul3A_1655 = arith.constant 16 : i32
      %mul3A_1656 = arith.muli %while3A_1651, %mul3A_1655 : i32
      %get3A_1657 = arith.index_cast %mul3A_1656 : i32 to index
      %get3A_1658 = tpu.vector_load %arg6[%get3A_1657] {strides = array<i32>} : memref<8208xf32, #tpu.memory_space<vmem>>, vector<16xf32>,
      %mul3A_1659 = arith.constant 16 : i32
      %mul3A_1660 = arith.muli %while3A_1651, %mul3A_1659 : i32
      %get3A_1661 = arith.index_cast %mul3A_1660 : i32 to index
      %get3A_1662 = tpu.vector_load %arg7[%get3A_1661] {strides = array<i32>} : memref<8208xi32, #tpu.memory_space<vmem>>, vector<16xi32>,
      %mul3A_1663 = arith.constant 16 : i32
      %mul3A_1664 = arith.muli %while3A_1651, %mul3A_1663 : i32
      %add3A_1665 = vector.broadcast %mul3A_1664 : i32 to vector<16xi32>
      %add3A_1666 = arith.addi %iota3A, %add3A_1665 : vector<16xi32>
      %gt3A = arith.cmpf ogt, %get3A_1658, %while3A_1652 : vector<16xf32>
      %select_n3A_1667 = arith.select %gt3A, %get3A_1658, %while3A_1652 : vector<16xi1>, vector<16xf32>
      %select_n3A_1668 = arith.select %gt3A, %get3A_1662, %while3A_1653 : vector<16xi1>, vector<16xi32>
      %select_n3A_1669 = arith.select %gt3A, %add3A_1666, %while3A_1654 : vector<16xi1>, vector<16xi32>
      scf.yield %select_n3A_1667, %select_n3A_1668, %select_n3A_1669 : vector<16xf32>, vector<16xi32>, vector<16xi32>
    }
    %while3A_683 = arith.constant 1 : i32
    %while3A_684:3 = scf.for %while3A_1651 = %while3A_680 to %while3A_676 step %while3A_683 iter_args(%while3A_1652 = %while3A_682#0, %while3A_1653 = %while3A_682#1, %while3A_1654 = %while3A_682#2) -> (vector<16xf32>, vector<16xi32>, vector<16xi32>)  : i32 {
      %mul3A_1655 = arith.constant 16 : i32
      %mul3A_1656 = arith.muli %while3A_1651, %mul3A_1655 : i32
      %get3A_1657 = arith.index_cast %mul3A_1656 : i32 to index
      %get3A_1658 = tpu.vector_load %arg6[%get3A_1657] {strides = array<i32>} : memref<8208xf32, #tpu.memory_space<vmem>>, vector<16xf32>,
      %mul3A_1659 = arith.constant 16 : i32
      %mul3A_1660 = arith.muli %while3A_1651, %mul3A_1659 : i32
      %get3A_1661 = arith.index_cast %mul3A_1660 : i32 to index
      %get3A_1662 = tpu.vector_load %arg7[%get3A_1661] {strides = array<i32>} : memref<8208xi32, #tpu.memory_space<vmem>>, vector<16xi32>,
      %mul3A_1663 = arith.constant 16 : i32
      %mul3A_1664 = arith.muli %while3A_1651, %mul3A_1663 : i32
      %add3A_1665 = vector.broadcast %mul3A_1664 : i32 to vector<16xi32>
      %add3A_1666 = arith.addi %iota3A, %add3A_1665 : vector<16xi32>
      %gt3A = arith.cmpf ogt, %get3A_1658, %while3A_1652 : vector<16xf32>
      %select_n3A_1667 = arith.select %gt3A, %get3A_1658, %while3A_1652 : vector<16xi1>, vector<16xf32>
      %select_n3A_1668 = arith.select %gt3A, %get3A_1662, %while3A_1653 : vector<16xi1>, vector<16xi32>
      %select_n3A_1669 = arith.select %gt3A, %add3A_1666, %while3A_1654 : vector<16xi1>, vector<16xi32>
      scf.yield %select_n3A_1667, %select_n3A_1668, %select_n3A_1669 : vector<16xf32>, vector<16xi32>, vector<16xi32>
    }
    %reduce_max3A_685 = arith.constant true
    %reduce_max3A_686 = vector.broadcast %reduce_max3A_685 : i1 to vector<16xi1>
    %reduce_max3A_687 = tpu.scan <max>, %while3A_684#0 masked %reduce_max3A_686 : vector<16xf32>, vector<16xi1> -> vector<16xf32>
    %reduce_max3A_688 = vector.extract %reduce_max3A_687[15] : f32 from vector<16xf32>
    %eq3A_689 = vector.broadcast %reduce_max3A_688 : f32 to vector<16xf32>
    %eq3A_690 = arith.cmpf oeq, %while3A_684#0, %eq3A_689 : vector<16xf32>
    %jit3A_691 = arith.constant 2147483647 : i32
    %broadcast_in_dim3A_692 = vector.broadcast %jit3A_691 : i32 to vector<16xi32>
    %select_n3A_693 = arith.select %eq3A_690, %while3A_684#1, %broadcast_in_dim3A_692 : vector<16xi1>, vector<16xi32>
    %reduce_min3A_694 = arith.constant true
    %reduce_min3A_695 = vector.broadcast %reduce_min3A_694 : i1 to vector<16xi1>
    %reduce_min3A_696 = arith.constant -2147483648 : i32
    %reduce_min3A_697 = vector.broadcast %reduce_min3A_696 : i32 to vector<16xi32>
    %reduce_min3A_698 = arith.xori %select_n3A_693, %reduce_min3A_697 : vector<16xi32>
    %reduce_min3A_699 = tpu.scan <min>, %reduce_min3A_698 masked %reduce_min3A_695 : vector<16xi32>, vector<16xi1> -> vector<16xi32>
    %reduce_min3A_700 = arith.xori %reduce_min3A_699, %reduce_min3A_697 : vector<16xi32>
    %reduce_min3A_701 = vector.extract %reduce_min3A_700[15] : i32 from vector<16xi32>
    %eq3A_702 = vector.broadcast %reduce_min3A_701 : i32 to vector<16xi32>
    %eq3A_703 = arith.cmpi eq, %while3A_684#1, %eq3A_702 : vector<16xi32>
    %and3A_704 = arith.andi %eq3A_690, %eq3A_703 : vector<16xi1>
    %jit3A_705 = arith.constant 2147483647 : i32
    %broadcast_in_dim3A_706 = vector.broadcast %jit3A_705 : i32 to vector<16xi32>
    %select_n3A_707 = arith.select %and3A_704, %while3A_684#2, %broadcast_in_dim3A_706 : vector<16xi1>, vector<16xi32>
    %reduce_min3A_708 = arith.constant true
    %reduce_min3A_709 = vector.broadcast %reduce_min3A_708 : i1 to vector<16xi1>
    %reduce_min3A_710 = arith.constant -2147483648 : i32
    %reduce_min3A_711 = vector.broadcast %reduce_min3A_710 : i32 to vector<16xi32>
    %reduce_min3A_712 = arith.xori %select_n3A_707, %reduce_min3A_711 : vector<16xi32>
    %reduce_min3A_713 = tpu.scan <min>, %reduce_min3A_712 masked %reduce_min3A_709 : vector<16xi32>, vector<16xi1> -> vector<16xi32>
    %reduce_min3A_714 = arith.xori %reduce_min3A_713, %reduce_min3A_711 : vector<16xi32>
    %reduce_min3A_715 = vector.extract %reduce_min3A_714[15] : i32 from vector<16xi32>
    %broadcast_in_dim3A_716 = arith.constant 11 : i32
    %broadcast_in_dim3A_717 = vector.broadcast %broadcast_in_dim3A_716 : i32 to vector<16xi32>
    %mul3A_718 = arith.constant 8192 : i32
    %mul3A_719 = arith.muli %add3A, %mul3A_718 : i32
    %add3A_720 = arith.addi %reduce_min3A_701, %mul3A_719 : i32
    %broadcast_in_dim3A_721 = vector.broadcast %add3A_720 : i32 to vector<16xi32>
    tpu.vector_store_idx %arg8[%broadcast_in_dim3A_717], %broadcast_in_dim3A_721 masked %eq3A_42 : memref<16xi32, #tpu.memory_space<vmem>>[vector<16xi32>], vector<16xi32>, vector<16xi1>
    %broadcast_in_dim3A_722 = vector.broadcast %reduce_min3A_715 : i32 to vector<16xi32>
    %broadcast_in_dim3A_723 = arith.constant 0xFF800000 : f32
    %broadcast_in_dim3A_724 = vector.broadcast %broadcast_in_dim3A_723 : f32 to vector<16xf32>
    tpu.vector_store_idx %arg6[%broadcast_in_dim3A_722], %broadcast_in_dim3A_724 masked %eq3A_42 : memref<8208xf32, #tpu.memory_space<vmem>>[vector<16xi32>], vector<16xf32>, vector<16xi1>
    %broadcast_in_dim3A_725 = arith.constant 0xFF800000 : f32
    %broadcast_in_dim3A_726 = vector.broadcast %broadcast_in_dim3A_725 : f32 to vector<16xf32>
    %broadcast_in_dim3A_727 = arith.constant 2147483647 : i32
    %broadcast_in_dim3A_728 = vector.broadcast %broadcast_in_dim3A_727 : i32 to vector<16xi32>
    %broadcast_in_dim3A_729 = arith.constant 2147483647 : i32
    %broadcast_in_dim3A_730 = vector.broadcast %broadcast_in_dim3A_729 : i32 to vector<16xi32>
    %while3A_731 = arith.constant 0 : i32
    %while3A_732 = arith.subi %select_n3A, %while3A_731 : i32
    %while3A_733 = arith.addi %while3A_731, %while3A_732 : i32
    %while3A_734 = arith.constant 1 : i32
    %while3A_735 = arith.divsi %while3A_732, %while3A_734 : i32
    %while3A_736 = arith.muli %while3A_735, %while3A_734 : i32
    %while3A_737 = arith.addi %while3A_731, %while3A_736 : i32
    %while3A_738 = arith.constant 1 : i32
    %while3A_739:3 = scf.for %while3A_1651 = %while3A_731 to %while3A_737 step %while3A_738 iter_args(%while3A_1652 = %broadcast_in_dim3A_726, %while3A_1653 = %broadcast_in_dim3A_728, %while3A_1654 = %broadcast_in_dim3A_730) -> (vector<16xf32>, vector<16xi32>, vector<16xi32>)  : i32 {
      %mul3A_1655 = arith.constant 16 : i32
      %mul3A_1656 = arith.muli %while3A_1651, %mul3A_1655 : i32
      %get3A_1657 = arith.index_cast %mul3A_1656 : i32 to index
      %get3A_1658 = tpu.vector_load %arg6[%get3A_1657] {strides = array<i32>} : memref<8208xf32, #tpu.memory_space<vmem>>, vector<16xf32>,
      %mul3A_1659 = arith.constant 16 : i32
      %mul3A_1660 = arith.muli %while3A_1651, %mul3A_1659 : i32
      %get3A_1661 = arith.index_cast %mul3A_1660 : i32 to index
      %get3A_1662 = tpu.vector_load %arg7[%get3A_1661] {strides = array<i32>} : memref<8208xi32, #tpu.memory_space<vmem>>, vector<16xi32>,
      %mul3A_1663 = arith.constant 16 : i32
      %mul3A_1664 = arith.muli %while3A_1651, %mul3A_1663 : i32
      %add3A_1665 = vector.broadcast %mul3A_1664 : i32 to vector<16xi32>
      %add3A_1666 = arith.addi %iota3A, %add3A_1665 : vector<16xi32>
      %gt3A = arith.cmpf ogt, %get3A_1658, %while3A_1652 : vector<16xf32>
      %select_n3A_1667 = arith.select %gt3A, %get3A_1658, %while3A_1652 : vector<16xi1>, vector<16xf32>
      %select_n3A_1668 = arith.select %gt3A, %get3A_1662, %while3A_1653 : vector<16xi1>, vector<16xi32>
      %select_n3A_1669 = arith.select %gt3A, %add3A_1666, %while3A_1654 : vector<16xi1>, vector<16xi32>
      scf.yield %select_n3A_1667, %select_n3A_1668, %select_n3A_1669 : vector<16xf32>, vector<16xi32>, vector<16xi32>
    }
    %while3A_740 = arith.constant 1 : i32
    %while3A_741:3 = scf.for %while3A_1651 = %while3A_737 to %while3A_733 step %while3A_740 iter_args(%while3A_1652 = %while3A_739#0, %while3A_1653 = %while3A_739#1, %while3A_1654 = %while3A_739#2) -> (vector<16xf32>, vector<16xi32>, vector<16xi32>)  : i32 {
      %mul3A_1655 = arith.constant 16 : i32
      %mul3A_1656 = arith.muli %while3A_1651, %mul3A_1655 : i32
      %get3A_1657 = arith.index_cast %mul3A_1656 : i32 to index
      %get3A_1658 = tpu.vector_load %arg6[%get3A_1657] {strides = array<i32>} : memref<8208xf32, #tpu.memory_space<vmem>>, vector<16xf32>,
      %mul3A_1659 = arith.constant 16 : i32
      %mul3A_1660 = arith.muli %while3A_1651, %mul3A_1659 : i32
      %get3A_1661 = arith.index_cast %mul3A_1660 : i32 to index
      %get3A_1662 = tpu.vector_load %arg7[%get3A_1661] {strides = array<i32>} : memref<8208xi32, #tpu.memory_space<vmem>>, vector<16xi32>,
      %mul3A_1663 = arith.constant 16 : i32
      %mul3A_1664 = arith.muli %while3A_1651, %mul3A_1663 : i32
      %add3A_1665 = vector.broadcast %mul3A_1664 : i32 to vector<16xi32>
      %add3A_1666 = arith.addi %iota3A, %add3A_1665 : vector<16xi32>
      %gt3A = arith.cmpf ogt, %get3A_1658, %while3A_1652 : vector<16xf32>
      %select_n3A_1667 = arith.select %gt3A, %get3A_1658, %while3A_1652 : vector<16xi1>, vector<16xf32>
      %select_n3A_1668 = arith.select %gt3A, %get3A_1662, %while3A_1653 : vector<16xi1>, vector<16xi32>
      %select_n3A_1669 = arith.select %gt3A, %add3A_1666, %while3A_1654 : vector<16xi1>, vector<16xi32>
      scf.yield %select_n3A_1667, %select_n3A_1668, %select_n3A_1669 : vector<16xf32>, vector<16xi32>, vector<16xi32>
    }
    %reduce_max3A_742 = arith.constant true
    %reduce_max3A_743 = vector.broadcast %reduce_max3A_742 : i1 to vector<16xi1>
    %reduce_max3A_744 = tpu.scan <max>, %while3A_741#0 masked %reduce_max3A_743 : vector<16xf32>, vector<16xi1> -> vector<16xf32>
    %reduce_max3A_745 = vector.extract %reduce_max3A_744[15] : f32 from vector<16xf32>
    %eq3A_746 = vector.broadcast %reduce_max3A_745 : f32 to vector<16xf32>
    %eq3A_747 = arith.cmpf oeq, %while3A_741#0, %eq3A_746 : vector<16xf32>
    %jit3A_748 = arith.constant 2147483647 : i32
    %broadcast_in_dim3A_749 = vector.broadcast %jit3A_748 : i32 to vector<16xi32>
    %select_n3A_750 = arith.select %eq3A_747, %while3A_741#1, %broadcast_in_dim3A_749 : vector<16xi1>, vector<16xi32>
    %reduce_min3A_751 = arith.constant true
    %reduce_min3A_752 = vector.broadcast %reduce_min3A_751 : i1 to vector<16xi1>
    %reduce_min3A_753 = arith.constant -2147483648 : i32
    %reduce_min3A_754 = vector.broadcast %reduce_min3A_753 : i32 to vector<16xi32>
    %reduce_min3A_755 = arith.xori %select_n3A_750, %reduce_min3A_754 : vector<16xi32>
    %reduce_min3A_756 = tpu.scan <min>, %reduce_min3A_755 masked %reduce_min3A_752 : vector<16xi32>, vector<16xi1> -> vector<16xi32>
    %reduce_min3A_757 = arith.xori %reduce_min3A_756, %reduce_min3A_754 : vector<16xi32>
    %reduce_min3A_758 = vector.extract %reduce_min3A_757[15] : i32 from vector<16xi32>
    %eq3A_759 = vector.broadcast %reduce_min3A_758 : i32 to vector<16xi32>
    %eq3A_760 = arith.cmpi eq, %while3A_741#1, %eq3A_759 : vector<16xi32>
    %and3A_761 = arith.andi %eq3A_747, %eq3A_760 : vector<16xi1>
    %jit3A_762 = arith.constant 2147483647 : i32
    %broadcast_in_dim3A_763 = vector.broadcast %jit3A_762 : i32 to vector<16xi32>
    %select_n3A_764 = arith.select %and3A_761, %while3A_741#2, %broadcast_in_dim3A_763 : vector<16xi1>, vector<16xi32>
    %reduce_min3A_765 = arith.constant true
    %reduce_min3A_766 = vector.broadcast %reduce_min3A_765 : i1 to vector<16xi1>
    %reduce_min3A_767 = arith.constant -2147483648 : i32
    %reduce_min3A_768 = vector.broadcast %reduce_min3A_767 : i32 to vector<16xi32>
    %reduce_min3A_769 = arith.xori %select_n3A_764, %reduce_min3A_768 : vector<16xi32>
    %reduce_min3A_770 = tpu.scan <min>, %reduce_min3A_769 masked %reduce_min3A_766 : vector<16xi32>, vector<16xi1> -> vector<16xi32>
    %reduce_min3A_771 = arith.xori %reduce_min3A_770, %reduce_min3A_768 : vector<16xi32>
    %reduce_min3A_772 = vector.extract %reduce_min3A_771[15] : i32 from vector<16xi32>
    %broadcast_in_dim3A_773 = arith.constant 12 : i32
    %broadcast_in_dim3A_774 = vector.broadcast %broadcast_in_dim3A_773 : i32 to vector<16xi32>
    %mul3A_775 = arith.constant 8192 : i32
    %mul3A_776 = arith.muli %add3A, %mul3A_775 : i32
    %add3A_777 = arith.addi %reduce_min3A_758, %mul3A_776 : i32
    %broadcast_in_dim3A_778 = vector.broadcast %add3A_777 : i32 to vector<16xi32>
    tpu.vector_store_idx %arg8[%broadcast_in_dim3A_774], %broadcast_in_dim3A_778 masked %eq3A_42 : memref<16xi32, #tpu.memory_space<vmem>>[vector<16xi32>], vector<16xi32>, vector<16xi1>
    %broadcast_in_dim3A_779 = vector.broadcast %reduce_min3A_772 : i32 to vector<16xi32>
    %broadcast_in_dim3A_780 = arith.constant 0xFF800000 : f32
    %broadcast_in_dim3A_781 = vector.broadcast %broadcast_in_dim3A_780 : f32 to vector<16xf32>
    tpu.vector_store_idx %arg6[%broadcast_in_dim3A_779], %broadcast_in_dim3A_781 masked %eq3A_42 : memref<8208xf32, #tpu.memory_space<vmem>>[vector<16xi32>], vector<16xf32>, vector<16xi1>
    %broadcast_in_dim3A_782 = arith.constant 0xFF800000 : f32
    %broadcast_in_dim3A_783 = vector.broadcast %broadcast_in_dim3A_782 : f32 to vector<16xf32>
    %broadcast_in_dim3A_784 = arith.constant 2147483647 : i32
    %broadcast_in_dim3A_785 = vector.broadcast %broadcast_in_dim3A_784 : i32 to vector<16xi32>
    %broadcast_in_dim3A_786 = arith.constant 2147483647 : i32
    %broadcast_in_dim3A_787 = vector.broadcast %broadcast_in_dim3A_786 : i32 to vector<16xi32>
    %while3A_788 = arith.constant 0 : i32
    %while3A_789 = arith.subi %select_n3A, %while3A_788 : i32
    %while3A_790 = arith.addi %while3A_788, %while3A_789 : i32
    %while3A_791 = arith.constant 1 : i32
    %while3A_792 = arith.divsi %while3A_789, %while3A_791 : i32
    %while3A_793 = arith.muli %while3A_792, %while3A_791 : i32
    %while3A_794 = arith.addi %while3A_788, %while3A_793 : i32
    %while3A_795 = arith.constant 1 : i32
    %while3A_796:3 = scf.for %while3A_1651 = %while3A_788 to %while3A_794 step %while3A_795 iter_args(%while3A_1652 = %broadcast_in_dim3A_783, %while3A_1653 = %broadcast_in_dim3A_785, %while3A_1654 = %broadcast_in_dim3A_787) -> (vector<16xf32>, vector<16xi32>, vector<16xi32>)  : i32 {
      %mul3A_1655 = arith.constant 16 : i32
      %mul3A_1656 = arith.muli %while3A_1651, %mul3A_1655 : i32
      %get3A_1657 = arith.index_cast %mul3A_1656 : i32 to index
      %get3A_1658 = tpu.vector_load %arg6[%get3A_1657] {strides = array<i32>} : memref<8208xf32, #tpu.memory_space<vmem>>, vector<16xf32>,
      %mul3A_1659 = arith.constant 16 : i32
      %mul3A_1660 = arith.muli %while3A_1651, %mul3A_1659 : i32
      %get3A_1661 = arith.index_cast %mul3A_1660 : i32 to index
      %get3A_1662 = tpu.vector_load %arg7[%get3A_1661] {strides = array<i32>} : memref<8208xi32, #tpu.memory_space<vmem>>, vector<16xi32>,
      %mul3A_1663 = arith.constant 16 : i32
      %mul3A_1664 = arith.muli %while3A_1651, %mul3A_1663 : i32
      %add3A_1665 = vector.broadcast %mul3A_1664 : i32 to vector<16xi32>
      %add3A_1666 = arith.addi %iota3A, %add3A_1665 : vector<16xi32>
      %gt3A = arith.cmpf ogt, %get3A_1658, %while3A_1652 : vector<16xf32>
      %select_n3A_1667 = arith.select %gt3A, %get3A_1658, %while3A_1652 : vector<16xi1>, vector<16xf32>
      %select_n3A_1668 = arith.select %gt3A, %get3A_1662, %while3A_1653 : vector<16xi1>, vector<16xi32>
      %select_n3A_1669 = arith.select %gt3A, %add3A_1666, %while3A_1654 : vector<16xi1>, vector<16xi32>
      scf.yield %select_n3A_1667, %select_n3A_1668, %select_n3A_1669 : vector<16xf32>, vector<16xi32>, vector<16xi32>
    }
    %while3A_797 = arith.constant 1 : i32
    %while3A_798:3 = scf.for %while3A_1651 = %while3A_794 to %while3A_790 step %while3A_797 iter_args(%while3A_1652 = %while3A_796#0, %while3A_1653 = %while3A_796#1, %while3A_1654 = %while3A_796#2) -> (vector<16xf32>, vector<16xi32>, vector<16xi32>)  : i32 {
      %mul3A_1655 = arith.constant 16 : i32
      %mul3A_1656 = arith.muli %while3A_1651, %mul3A_1655 : i32
      %get3A_1657 = arith.index_cast %mul3A_1656 : i32 to index
      %get3A_1658 = tpu.vector_load %arg6[%get3A_1657] {strides = array<i32>} : memref<8208xf32, #tpu.memory_space<vmem>>, vector<16xf32>,
      %mul3A_1659 = arith.constant 16 : i32
      %mul3A_1660 = arith.muli %while3A_1651, %mul3A_1659 : i32
      %get3A_1661 = arith.index_cast %mul3A_1660 : i32 to index
      %get3A_1662 = tpu.vector_load %arg7[%get3A_1661] {strides = array<i32>} : memref<8208xi32, #tpu.memory_space<vmem>>, vector<16xi32>,
      %mul3A_1663 = arith.constant 16 : i32
      %mul3A_1664 = arith.muli %while3A_1651, %mul3A_1663 : i32
      %add3A_1665 = vector.broadcast %mul3A_1664 : i32 to vector<16xi32>
      %add3A_1666 = arith.addi %iota3A, %add3A_1665 : vector<16xi32>
      %gt3A = arith.cmpf ogt, %get3A_1658, %while3A_1652 : vector<16xf32>
      %select_n3A_1667 = arith.select %gt3A, %get3A_1658, %while3A_1652 : vector<16xi1>, vector<16xf32>
      %select_n3A_1668 = arith.select %gt3A, %get3A_1662, %while3A_1653 : vector<16xi1>, vector<16xi32>
      %select_n3A_1669 = arith.select %gt3A, %add3A_1666, %while3A_1654 : vector<16xi1>, vector<16xi32>
      scf.yield %select_n3A_1667, %select_n3A_1668, %select_n3A_1669 : vector<16xf32>, vector<16xi32>, vector<16xi32>
    }
    %reduce_max3A_799 = arith.constant true
    %reduce_max3A_800 = vector.broadcast %reduce_max3A_799 : i1 to vector<16xi1>
    %reduce_max3A_801 = tpu.scan <max>, %while3A_798#0 masked %reduce_max3A_800 : vector<16xf32>, vector<16xi1> -> vector<16xf32>
    %reduce_max3A_802 = vector.extract %reduce_max3A_801[15] : f32 from vector<16xf32>
    %eq3A_803 = vector.broadcast %reduce_max3A_802 : f32 to vector<16xf32>
    %eq3A_804 = arith.cmpf oeq, %while3A_798#0, %eq3A_803 : vector<16xf32>
    %jit3A_805 = arith.constant 2147483647 : i32
    %broadcast_in_dim3A_806 = vector.broadcast %jit3A_805 : i32 to vector<16xi32>
    %select_n3A_807 = arith.select %eq3A_804, %while3A_798#1, %broadcast_in_dim3A_806 : vector<16xi1>, vector<16xi32>
    %reduce_min3A_808 = arith.constant true
    %reduce_min3A_809 = vector.broadcast %reduce_min3A_808 : i1 to vector<16xi1>
    %reduce_min3A_810 = arith.constant -2147483648 : i32
    %reduce_min3A_811 = vector.broadcast %reduce_min3A_810 : i32 to vector<16xi32>
    %reduce_min3A_812 = arith.xori %select_n3A_807, %reduce_min3A_811 : vector<16xi32>
    %reduce_min3A_813 = tpu.scan <min>, %reduce_min3A_812 masked %reduce_min3A_809 : vector<16xi32>, vector<16xi1> -> vector<16xi32>
    %reduce_min3A_814 = arith.xori %reduce_min3A_813, %reduce_min3A_811 : vector<16xi32>
    %reduce_min3A_815 = vector.extract %reduce_min3A_814[15] : i32 from vector<16xi32>
    %eq3A_816 = vector.broadcast %reduce_min3A_815 : i32 to vector<16xi32>
    %eq3A_817 = arith.cmpi eq, %while3A_798#1, %eq3A_816 : vector<16xi32>
    %and3A_818 = arith.andi %eq3A_804, %eq3A_817 : vector<16xi1>
    %jit3A_819 = arith.constant 2147483647 : i32
    %broadcast_in_dim3A_820 = vector.broadcast %jit3A_819 : i32 to vector<16xi32>
    %select_n3A_821 = arith.select %and3A_818, %while3A_798#2, %broadcast_in_dim3A_820 : vector<16xi1>, vector<16xi32>
    %reduce_min3A_822 = arith.constant true
    %reduce_min3A_823 = vector.broadcast %reduce_min3A_822 : i1 to vector<16xi1>
    %reduce_min3A_824 = arith.constant -2147483648 : i32
    %reduce_min3A_825 = vector.broadcast %reduce_min3A_824 : i32 to vector<16xi32>
    %reduce_min3A_826 = arith.xori %select_n3A_821, %reduce_min3A_825 : vector<16xi32>
    %reduce_min3A_827 = tpu.scan <min>, %reduce_min3A_826 masked %reduce_min3A_823 : vector<16xi32>, vector<16xi1> -> vector<16xi32>
    %reduce_min3A_828 = arith.xori %reduce_min3A_827, %reduce_min3A_825 : vector<16xi32>
    %reduce_min3A_829 = vector.extract %reduce_min3A_828[15] : i32 from vector<16xi32>
    %broadcast_in_dim3A_830 = arith.constant 13 : i32
    %broadcast_in_dim3A_831 = vector.broadcast %broadcast_in_dim3A_830 : i32 to vector<16xi32>
    %mul3A_832 = arith.constant 8192 : i32
    %mul3A_833 = arith.muli %add3A, %mul3A_832 : i32
    %add3A_834 = arith.addi %reduce_min3A_815, %mul3A_833 : i32
    %broadcast_in_dim3A_835 = vector.broadcast %add3A_834 : i32 to vector<16xi32>
    tpu.vector_store_idx %arg8[%broadcast_in_dim3A_831], %broadcast_in_dim3A_835 masked %eq3A_42 : memref<16xi32, #tpu.memory_space<vmem>>[vector<16xi32>], vector<16xi32>, vector<16xi1>
    %broadcast_in_dim3A_836 = vector.broadcast %reduce_min3A_829 : i32 to vector<16xi32>
    %broadcast_in_dim3A_837 = arith.constant 0xFF800000 : f32
    %broadcast_in_dim3A_838 = vector.broadcast %broadcast_in_dim3A_837 : f32 to vector<16xf32>
    tpu.vector_store_idx %arg6[%broadcast_in_dim3A_836], %broadcast_in_dim3A_838 masked %eq3A_42 : memref<8208xf32, #tpu.memory_space<vmem>>[vector<16xi32>], vector<16xf32>, vector<16xi1>
    %broadcast_in_dim3A_839 = arith.constant 0xFF800000 : f32
    %broadcast_in_dim3A_840 = vector.broadcast %broadcast_in_dim3A_839 : f32 to vector<16xf32>
    %broadcast_in_dim3A_841 = arith.constant 2147483647 : i32
    %broadcast_in_dim3A_842 = vector.broadcast %broadcast_in_dim3A_841 : i32 to vector<16xi32>
    %broadcast_in_dim3A_843 = arith.constant 2147483647 : i32
    %broadcast_in_dim3A_844 = vector.broadcast %broadcast_in_dim3A_843 : i32 to vector<16xi32>
    %while3A_845 = arith.constant 0 : i32
    %while3A_846 = arith.subi %select_n3A, %while3A_845 : i32
    %while3A_847 = arith.addi %while3A_845, %while3A_846 : i32
    %while3A_848 = arith.constant 1 : i32
    %while3A_849 = arith.divsi %while3A_846, %while3A_848 : i32
    %while3A_850 = arith.muli %while3A_849, %while3A_848 : i32
    %while3A_851 = arith.addi %while3A_845, %while3A_850 : i32
    %while3A_852 = arith.constant 1 : i32
    %while3A_853:3 = scf.for %while3A_1651 = %while3A_845 to %while3A_851 step %while3A_852 iter_args(%while3A_1652 = %broadcast_in_dim3A_840, %while3A_1653 = %broadcast_in_dim3A_842, %while3A_1654 = %broadcast_in_dim3A_844) -> (vector<16xf32>, vector<16xi32>, vector<16xi32>)  : i32 {
      %mul3A_1655 = arith.constant 16 : i32
      %mul3A_1656 = arith.muli %while3A_1651, %mul3A_1655 : i32
      %get3A_1657 = arith.index_cast %mul3A_1656 : i32 to index
      %get3A_1658 = tpu.vector_load %arg6[%get3A_1657] {strides = array<i32>} : memref<8208xf32, #tpu.memory_space<vmem>>, vector<16xf32>,
      %mul3A_1659 = arith.constant 16 : i32
      %mul3A_1660 = arith.muli %while3A_1651, %mul3A_1659 : i32
      %get3A_1661 = arith.index_cast %mul3A_1660 : i32 to index
      %get3A_1662 = tpu.vector_load %arg7[%get3A_1661] {strides = array<i32>} : memref<8208xi32, #tpu.memory_space<vmem>>, vector<16xi32>,
      %mul3A_1663 = arith.constant 16 : i32
      %mul3A_1664 = arith.muli %while3A_1651, %mul3A_1663 : i32
      %add3A_1665 = vector.broadcast %mul3A_1664 : i32 to vector<16xi32>
      %add3A_1666 = arith.addi %iota3A, %add3A_1665 : vector<16xi32>
      %gt3A = arith.cmpf ogt, %get3A_1658, %while3A_1652 : vector<16xf32>
      %select_n3A_1667 = arith.select %gt3A, %get3A_1658, %while3A_1652 : vector<16xi1>, vector<16xf32>
      %select_n3A_1668 = arith.select %gt3A, %get3A_1662, %while3A_1653 : vector<16xi1>, vector<16xi32>
      %select_n3A_1669 = arith.select %gt3A, %add3A_1666, %while3A_1654 : vector<16xi1>, vector<16xi32>
      scf.yield %select_n3A_1667, %select_n3A_1668, %select_n3A_1669 : vector<16xf32>, vector<16xi32>, vector<16xi32>
    }
    %while3A_854 = arith.constant 1 : i32
    %while3A_855:3 = scf.for %while3A_1651 = %while3A_851 to %while3A_847 step %while3A_854 iter_args(%while3A_1652 = %while3A_853#0, %while3A_1653 = %while3A_853#1, %while3A_1654 = %while3A_853#2) -> (vector<16xf32>, vector<16xi32>, vector<16xi32>)  : i32 {
      %mul3A_1655 = arith.constant 16 : i32
      %mul3A_1656 = arith.muli %while3A_1651, %mul3A_1655 : i32
      %get3A_1657 = arith.index_cast %mul3A_1656 : i32 to index
      %get3A_1658 = tpu.vector_load %arg6[%get3A_1657] {strides = array<i32>} : memref<8208xf32, #tpu.memory_space<vmem>>, vector<16xf32>,
      %mul3A_1659 = arith.constant 16 : i32
      %mul3A_1660 = arith.muli %while3A_1651, %mul3A_1659 : i32
      %get3A_1661 = arith.index_cast %mul3A_1660 : i32 to index
      %get3A_1662 = tpu.vector_load %arg7[%get3A_1661] {strides = array<i32>} : memref<8208xi32, #tpu.memory_space<vmem>>, vector<16xi32>,
      %mul3A_1663 = arith.constant 16 : i32
      %mul3A_1664 = arith.muli %while3A_1651, %mul3A_1663 : i32
      %add3A_1665 = vector.broadcast %mul3A_1664 : i32 to vector<16xi32>
      %add3A_1666 = arith.addi %iota3A, %add3A_1665 : vector<16xi32>
      %gt3A = arith.cmpf ogt, %get3A_1658, %while3A_1652 : vector<16xf32>
      %select_n3A_1667 = arith.select %gt3A, %get3A_1658, %while3A_1652 : vector<16xi1>, vector<16xf32>
      %select_n3A_1668 = arith.select %gt3A, %get3A_1662, %while3A_1653 : vector<16xi1>, vector<16xi32>
      %select_n3A_1669 = arith.select %gt3A, %add3A_1666, %while3A_1654 : vector<16xi1>, vector<16xi32>
      scf.yield %select_n3A_1667, %select_n3A_1668, %select_n3A_1669 : vector<16xf32>, vector<16xi32>, vector<16xi32>
    }
    %reduce_max3A_856 = arith.constant true
    %reduce_max3A_857 = vector.broadcast %reduce_max3A_856 : i1 to vector<16xi1>
    %reduce_max3A_858 = tpu.scan <max>, %while3A_855#0 masked %reduce_max3A_857 : vector<16xf32>, vector<16xi1> -> vector<16xf32>
    %reduce_max3A_859 = vector.extract %reduce_max3A_858[15] : f32 from vector<16xf32>
    %eq3A_860 = vector.broadcast %reduce_max3A_859 : f32 to vector<16xf32>
    %eq3A_861 = arith.cmpf oeq, %while3A_855#0, %eq3A_860 : vector<16xf32>
    %jit3A_862 = arith.constant 2147483647 : i32
    %broadcast_in_dim3A_863 = vector.broadcast %jit3A_862 : i32 to vector<16xi32>
    %select_n3A_864 = arith.select %eq3A_861, %while3A_855#1, %broadcast_in_dim3A_863 : vector<16xi1>, vector<16xi32>
    %reduce_min3A_865 = arith.constant true
    %reduce_min3A_866 = vector.broadcast %reduce_min3A_865 : i1 to vector<16xi1>
    %reduce_min3A_867 = arith.constant -2147483648 : i32
    %reduce_min3A_868 = vector.broadcast %reduce_min3A_867 : i32 to vector<16xi32>
    %reduce_min3A_869 = arith.xori %select_n3A_864, %reduce_min3A_868 : vector<16xi32>
    %reduce_min3A_870 = tpu.scan <min>, %reduce_min3A_869 masked %reduce_min3A_866 : vector<16xi32>, vector<16xi1> -> vector<16xi32>
    %reduce_min3A_871 = arith.xori %reduce_min3A_870, %reduce_min3A_868 : vector<16xi32>
    %reduce_min3A_872 = vector.extract %reduce_min3A_871[15] : i32 from vector<16xi32>
    %eq3A_873 = vector.broadcast %reduce_min3A_872 : i32 to vector<16xi32>
    %eq3A_874 = arith.cmpi eq, %while3A_855#1, %eq3A_873 : vector<16xi32>
    %and3A_875 = arith.andi %eq3A_861, %eq3A_874 : vector<16xi1>
    %jit3A_876 = arith.constant 2147483647 : i32
    %broadcast_in_dim3A_877 = vector.broadcast %jit3A_876 : i32 to vector<16xi32>
    %select_n3A_878 = arith.select %and3A_875, %while3A_855#2, %broadcast_in_dim3A_877 : vector<16xi1>, vector<16xi32>
    %reduce_min3A_879 = arith.constant true
    %reduce_min3A_880 = vector.broadcast %reduce_min3A_879 : i1 to vector<16xi1>
    %reduce_min3A_881 = arith.constant -2147483648 : i32
    %reduce_min3A_882 = vector.broadcast %reduce_min3A_881 : i32 to vector<16xi32>
    %reduce_min3A_883 = arith.xori %select_n3A_878, %reduce_min3A_882 : vector<16xi32>
    %reduce_min3A_884 = tpu.scan <min>, %reduce_min3A_883 masked %reduce_min3A_880 : vector<16xi32>, vector<16xi1> -> vector<16xi32>
    %reduce_min3A_885 = arith.xori %reduce_min3A_884, %reduce_min3A_882 : vector<16xi32>
    %reduce_min3A_886 = vector.extract %reduce_min3A_885[15] : i32 from vector<16xi32>
    %broadcast_in_dim3A_887 = arith.constant 14 : i32
    %broadcast_in_dim3A_888 = vector.broadcast %broadcast_in_dim3A_887 : i32 to vector<16xi32>
    %mul3A_889 = arith.constant 8192 : i32
    %mul3A_890 = arith.muli %add3A, %mul3A_889 : i32
    %add3A_891 = arith.addi %reduce_min3A_872, %mul3A_890 : i32
    %broadcast_in_dim3A_892 = vector.broadcast %add3A_891 : i32 to vector<16xi32>
    tpu.vector_store_idx %arg8[%broadcast_in_dim3A_888], %broadcast_in_dim3A_892 masked %eq3A_42 : memref<16xi32, #tpu.memory_space<vmem>>[vector<16xi32>], vector<16xi32>, vector<16xi1>
    %broadcast_in_dim3A_893 = vector.broadcast %reduce_min3A_886 : i32 to vector<16xi32>
    %broadcast_in_dim3A_894 = arith.constant 0xFF800000 : f32
    %broadcast_in_dim3A_895 = vector.broadcast %broadcast_in_dim3A_894 : f32 to vector<16xf32>
    tpu.vector_store_idx %arg6[%broadcast_in_dim3A_893], %broadcast_in_dim3A_895 masked %eq3A_42 : memref<8208xf32, #tpu.memory_space<vmem>>[vector<16xi32>], vector<16xf32>, vector<16xi1>
    %broadcast_in_dim3A_896 = arith.constant 0xFF800000 : f32
    %broadcast_in_dim3A_897 = vector.broadcast %broadcast_in_dim3A_896 : f32 to vector<16xf32>
    %broadcast_in_dim3A_898 = arith.constant 2147483647 : i32
    %broadcast_in_dim3A_899 = vector.broadcast %broadcast_in_dim3A_898 : i32 to vector<16xi32>
    %broadcast_in_dim3A_900 = arith.constant 2147483647 : i32
    %broadcast_in_dim3A_901 = vector.broadcast %broadcast_in_dim3A_900 : i32 to vector<16xi32>
    %while3A_902 = arith.constant 0 : i32
    %while3A_903 = arith.subi %select_n3A, %while3A_902 : i32
    %while3A_904 = arith.addi %while3A_902, %while3A_903 : i32
    %while3A_905 = arith.constant 1 : i32
    %while3A_906 = arith.divsi %while3A_903, %while3A_905 : i32
    %while3A_907 = arith.muli %while3A_906, %while3A_905 : i32
    %while3A_908 = arith.addi %while3A_902, %while3A_907 : i32
    %while3A_909 = arith.constant 1 : i32
    %while3A_910:3 = scf.for %while3A_1651 = %while3A_902 to %while3A_908 step %while3A_909 iter_args(%while3A_1652 = %broadcast_in_dim3A_897, %while3A_1653 = %broadcast_in_dim3A_899, %while3A_1654 = %broadcast_in_dim3A_901) -> (vector<16xf32>, vector<16xi32>, vector<16xi32>)  : i32 {
      %mul3A_1655 = arith.constant 16 : i32
      %mul3A_1656 = arith.muli %while3A_1651, %mul3A_1655 : i32
      %get3A_1657 = arith.index_cast %mul3A_1656 : i32 to index
      %get3A_1658 = tpu.vector_load %arg6[%get3A_1657] {strides = array<i32>} : memref<8208xf32, #tpu.memory_space<vmem>>, vector<16xf32>,
      %mul3A_1659 = arith.constant 16 : i32
      %mul3A_1660 = arith.muli %while3A_1651, %mul3A_1659 : i32
      %get3A_1661 = arith.index_cast %mul3A_1660 : i32 to index
      %get3A_1662 = tpu.vector_load %arg7[%get3A_1661] {strides = array<i32>} : memref<8208xi32, #tpu.memory_space<vmem>>, vector<16xi32>,
      %mul3A_1663 = arith.constant 16 : i32
      %mul3A_1664 = arith.muli %while3A_1651, %mul3A_1663 : i32
      %add3A_1665 = vector.broadcast %mul3A_1664 : i32 to vector<16xi32>
      %add3A_1666 = arith.addi %iota3A, %add3A_1665 : vector<16xi32>
      %gt3A = arith.cmpf ogt, %get3A_1658, %while3A_1652 : vector<16xf32>
      %select_n3A_1667 = arith.select %gt3A, %get3A_1658, %while3A_1652 : vector<16xi1>, vector<16xf32>
      %select_n3A_1668 = arith.select %gt3A, %get3A_1662, %while3A_1653 : vector<16xi1>, vector<16xi32>
      %select_n3A_1669 = arith.select %gt3A, %add3A_1666, %while3A_1654 : vector<16xi1>, vector<16xi32>
      scf.yield %select_n3A_1667, %select_n3A_1668, %select_n3A_1669 : vector<16xf32>, vector<16xi32>, vector<16xi32>
    }
    %while3A_911 = arith.constant 1 : i32
    %while3A_912:3 = scf.for %while3A_1651 = %while3A_908 to %while3A_904 step %while3A_911 iter_args(%while3A_1652 = %while3A_910#0, %while3A_1653 = %while3A_910#1, %while3A_1654 = %while3A_910#2) -> (vector<16xf32>, vector<16xi32>, vector<16xi32>)  : i32 {
      %mul3A_1655 = arith.constant 16 : i32
      %mul3A_1656 = arith.muli %while3A_1651, %mul3A_1655 : i32
      %get3A_1657 = arith.index_cast %mul3A_1656 : i32 to index
      %get3A_1658 = tpu.vector_load %arg6[%get3A_1657] {strides = array<i32>} : memref<8208xf32, #tpu.memory_space<vmem>>, vector<16xf32>,
      %mul3A_1659 = arith.constant 16 : i32
      %mul3A_1660 = arith.muli %while3A_1651, %mul3A_1659 : i32
      %get3A_1661 = arith.index_cast %mul3A_1660 : i32 to index
      %get3A_1662 = tpu.vector_load %arg7[%get3A_1661] {strides = array<i32>} : memref<8208xi32, #tpu.memory_space<vmem>>, vector<16xi32>,
      %mul3A_1663 = arith.constant 16 : i32
      %mul3A_1664 = arith.muli %while3A_1651, %mul3A_1663 : i32
      %add3A_1665 = vector.broadcast %mul3A_1664 : i32 to vector<16xi32>
      %add3A_1666 = arith.addi %iota3A, %add3A_1665 : vector<16xi32>
      %gt3A = arith.cmpf ogt, %get3A_1658, %while3A_1652 : vector<16xf32>
      %select_n3A_1667 = arith.select %gt3A, %get3A_1658, %while3A_1652 : vector<16xi1>, vector<16xf32>
      %select_n3A_1668 = arith.select %gt3A, %get3A_1662, %while3A_1653 : vector<16xi1>, vector<16xi32>
      %select_n3A_1669 = arith.select %gt3A, %add3A_1666, %while3A_1654 : vector<16xi1>, vector<16xi32>
      scf.yield %select_n3A_1667, %select_n3A_1668, %select_n3A_1669 : vector<16xf32>, vector<16xi32>, vector<16xi32>
    }
    %reduce_max3A_913 = arith.constant true
    %reduce_max3A_914 = vector.broadcast %reduce_max3A_913 : i1 to vector<16xi1>
    %reduce_max3A_915 = tpu.scan <max>, %while3A_912#0 masked %reduce_max3A_914 : vector<16xf32>, vector<16xi1> -> vector<16xf32>
    %reduce_max3A_916 = vector.extract %reduce_max3A_915[15] : f32 from vector<16xf32>
    %eq3A_917 = vector.broadcast %reduce_max3A_916 : f32 to vector<16xf32>
    %eq3A_918 = arith.cmpf oeq, %while3A_912#0, %eq3A_917 : vector<16xf32>
    %jit3A_919 = arith.constant 2147483647 : i32
    %broadcast_in_dim3A_920 = vector.broadcast %jit3A_919 : i32 to vector<16xi32>
    %select_n3A_921 = arith.select %eq3A_918, %while3A_912#1, %broadcast_in_dim3A_920 : vector<16xi1>, vector<16xi32>
    %reduce_min3A_922 = arith.constant true
    %reduce_min3A_923 = vector.broadcast %reduce_min3A_922 : i1 to vector<16xi1>
    %reduce_min3A_924 = arith.constant -2147483648 : i32
    %reduce_min3A_925 = vector.broadcast %reduce_min3A_924 : i32 to vector<16xi32>
    %reduce_min3A_926 = arith.xori %select_n3A_921, %reduce_min3A_925 : vector<16xi32>
    %reduce_min3A_927 = tpu.scan <min>, %reduce_min3A_926 masked %reduce_min3A_923 : vector<16xi32>, vector<16xi1> -> vector<16xi32>
    %reduce_min3A_928 = arith.xori %reduce_min3A_927, %reduce_min3A_925 : vector<16xi32>
    %reduce_min3A_929 = vector.extract %reduce_min3A_928[15] : i32 from vector<16xi32>
    %eq3A_930 = vector.broadcast %reduce_min3A_929 : i32 to vector<16xi32>
    %eq3A_931 = arith.cmpi eq, %while3A_912#1, %eq3A_930 : vector<16xi32>
    %and3A_932 = arith.andi %eq3A_918, %eq3A_931 : vector<16xi1>
    %jit3A_933 = arith.constant 2147483647 : i32
    %broadcast_in_dim3A_934 = vector.broadcast %jit3A_933 : i32 to vector<16xi32>
    %select_n3A_935 = arith.select %and3A_932, %while3A_912#2, %broadcast_in_dim3A_934 : vector<16xi1>, vector<16xi32>
    %reduce_min3A_936 = arith.constant true
    %reduce_min3A_937 = vector.broadcast %reduce_min3A_936 : i1 to vector<16xi1>
    %reduce_min3A_938 = arith.constant -2147483648 : i32
    %reduce_min3A_939 = vector.broadcast %reduce_min3A_938 : i32 to vector<16xi32>
    %reduce_min3A_940 = arith.xori %select_n3A_935, %reduce_min3A_939 : vector<16xi32>
    %reduce_min3A_941 = tpu.scan <min>, %reduce_min3A_940 masked %reduce_min3A_937 : vector<16xi32>, vector<16xi1> -> vector<16xi32>
    %reduce_min3A_942 = arith.xori %reduce_min3A_941, %reduce_min3A_939 : vector<16xi32>
    %reduce_min3A_943 = vector.extract %reduce_min3A_942[15] : i32 from vector<16xi32>
    %broadcast_in_dim3A_944 = arith.constant 15 : i32
    %broadcast_in_dim3A_945 = vector.broadcast %broadcast_in_dim3A_944 : i32 to vector<16xi32>
    %mul3A_946 = arith.constant 8192 : i32
    %mul3A_947 = arith.muli %add3A, %mul3A_946 : i32
    %add3A_948 = arith.addi %reduce_min3A_929, %mul3A_947 : i32
    %broadcast_in_dim3A_949 = vector.broadcast %add3A_948 : i32 to vector<16xi32>
    tpu.vector_store_idx %arg8[%broadcast_in_dim3A_945], %broadcast_in_dim3A_949 masked %eq3A_42 : memref<16xi32, #tpu.memory_space<vmem>>[vector<16xi32>], vector<16xi32>, vector<16xi1>
    %broadcast_in_dim3A_950 = vector.broadcast %reduce_min3A_943 : i32 to vector<16xi32>
    %broadcast_in_dim3A_951 = arith.constant 0xFF800000 : f32
    %broadcast_in_dim3A_952 = vector.broadcast %broadcast_in_dim3A_951 : f32 to vector<16xf32>
    tpu.vector_store_idx %arg6[%broadcast_in_dim3A_950], %broadcast_in_dim3A_952 masked %eq3A_42 : memref<8208xf32, #tpu.memory_space<vmem>>[vector<16xi32>], vector<16xf32>, vector<16xi1>
    %dma_start3A = arith.constant 0 : i32
    %dma_start3A_953 = arith.constant 0 : i32
    %dma_start3A_954 = tpu.memref_slice %arg3[%dma_start3A, %dma_start3A_953] : memref<262144x128xf32, #tpu.memory_space<hbm>> -> memref<262144x128xf32, #tpu.memory_space<hbm>>
    tpu.enqueue_indirect_dma source(%dma_start3A_954 : memref<262144x128xf32, #tpu.memory_space<hbm>>) target(%arg9 : memref<16x128xf32, #tpu.memory_space<vmem>>) offsets(%arg8 : memref<16xi32, #tpu.memory_space<vmem>>) semaphore(%arg11 : memref<!tpu.dma_semaphore, #tpu.memory_space<semaphore_mem>>)
    %dma_wait3A = arith.constant 0 : i32
    %dma_wait3A_955 = arith.constant 0 : i32
    %dma_wait3A_956 = tpu.memref_slice %arg3[%dma_wait3A, %dma_wait3A_955] : memref<262144x128xf32, #tpu.memory_space<hbm>> -> memref<262144x128xf32, #tpu.memory_space<hbm>>
    tpu.wait_indirect_dma semaphore(%arg11 : memref<!tpu.dma_semaphore, #tpu.memory_space<semaphore_mem>>) src(%dma_wait3A_956 : memref<262144x128xf32, #tpu.memory_space<hbm>>) dst(%arg9 : memref<16x128xf32, #tpu.memory_space<vmem>>)
    %broadcast_in_dim3A_957 = arith.constant 0.000000e+00 : f32
    %broadcast_in_dim3A_958 = vector.broadcast %broadcast_in_dim3A_957 : f32 to vector<16xf32>
    %get3A = arith.constant 0 : i32
    %get3A_959 = arith.index_cast %get3A : i32 to index
    %get3A_960 = arith.constant 0 : index
    %get3A_961 = tpu.vector_load %arg9[%get3A_959, %get3A_960] {strides = array<i32>} : memref<16x128xf32, #tpu.memory_space<vmem>>, vector<16xf32>,
    %add3A_962 = arith.addf %broadcast_in_dim3A_958, %get3A_961 : vector<16xf32>
    %get3A_963 = arith.constant 1 : i32
    %get3A_964 = arith.index_cast %get3A_963 : i32 to index
    %get3A_965 = arith.constant 0 : index
    %get3A_966 = tpu.vector_load %arg9[%get3A_964, %get3A_965] {strides = array<i32>} : memref<16x128xf32, #tpu.memory_space<vmem>>, vector<16xf32>,
    %add3A_967 = arith.addf %add3A_962, %get3A_966 : vector<16xf32>
    %get3A_968 = arith.constant 2 : i32
    %get3A_969 = arith.index_cast %get3A_968 : i32 to index
    %get3A_970 = arith.constant 0 : index
    %get3A_971 = tpu.vector_load %arg9[%get3A_969, %get3A_970] {strides = array<i32>} : memref<16x128xf32, #tpu.memory_space<vmem>>, vector<16xf32>,
    %add3A_972 = arith.addf %add3A_967, %get3A_971 : vector<16xf32>
    %get3A_973 = arith.constant 3 : i32
    %get3A_974 = arith.index_cast %get3A_973 : i32 to index
    %get3A_975 = arith.constant 0 : index
    %get3A_976 = tpu.vector_load %arg9[%get3A_974, %get3A_975] {strides = array<i32>} : memref<16x128xf32, #tpu.memory_space<vmem>>, vector<16xf32>,
    %add3A_977 = arith.addf %add3A_972, %get3A_976 : vector<16xf32>
    %get3A_978 = arith.constant 4 : i32
    %get3A_979 = arith.index_cast %get3A_978 : i32 to index
    %get3A_980 = arith.constant 0 : index
    %get3A_981 = tpu.vector_load %arg9[%get3A_979, %get3A_980] {strides = array<i32>} : memref<16x128xf32, #tpu.memory_space<vmem>>, vector<16xf32>,
    %add3A_982 = arith.addf %add3A_977, %get3A_981 : vector<16xf32>
    %get3A_983 = arith.constant 5 : i32
    %get3A_984 = arith.index_cast %get3A_983 : i32 to index
    %get3A_985 = arith.constant 0 : index
    %get3A_986 = tpu.vector_load %arg9[%get3A_984, %get3A_985] {strides = array<i32>} : memref<16x128xf32, #tpu.memory_space<vmem>>, vector<16xf32>,
    %add3A_987 = arith.addf %add3A_982, %get3A_986 : vector<16xf32>
    %get3A_988 = arith.constant 6 : i32
    %get3A_989 = arith.index_cast %get3A_988 : i32 to index
    %get3A_990 = arith.constant 0 : index
    %get3A_991 = tpu.vector_load %arg9[%get3A_989, %get3A_990] {strides = array<i32>} : memref<16x128xf32, #tpu.memory_space<vmem>>, vector<16xf32>,
    %add3A_992 = arith.addf %add3A_987, %get3A_991 : vector<16xf32>
    %get3A_993 = arith.constant 7 : i32
    %get3A_994 = arith.index_cast %get3A_993 : i32 to index
    %get3A_995 = arith.constant 0 : index
    %get3A_996 = tpu.vector_load %arg9[%get3A_994, %get3A_995] {strides = array<i32>} : memref<16x128xf32, #tpu.memory_space<vmem>>, vector<16xf32>,
    %add3A_997 = arith.addf %add3A_992, %get3A_996 : vector<16xf32>
    %get3A_998 = arith.constant 8 : i32
    %get3A_999 = arith.index_cast %get3A_998 : i32 to index
    %get3A_1000 = arith.constant 0 : index
    %get3A_1001 = tpu.vector_load %arg9[%get3A_999, %get3A_1000] {strides = array<i32>} : memref<16x128xf32, #tpu.memory_space<vmem>>, vector<16xf32>,
    %add3A_1002 = arith.addf %add3A_997, %get3A_1001 : vector<16xf32>
    %get3A_1003 = arith.constant 9 : i32
    %get3A_1004 = arith.index_cast %get3A_1003 : i32 to index
    %get3A_1005 = arith.constant 0 : index
    %get3A_1006 = tpu.vector_load %arg9[%get3A_1004, %get3A_1005] {strides = array<i32>} : memref<16x128xf32, #tpu.memory_space<vmem>>, vector<16xf32>,
    %add3A_1007 = arith.addf %add3A_1002, %get3A_1006 : vector<16xf32>
    %get3A_1008 = arith.constant 10 : i32
    %get3A_1009 = arith.index_cast %get3A_1008 : i32 to index
    %get3A_1010 = arith.constant 0 : index
    %get3A_1011 = tpu.vector_load %arg9[%get3A_1009, %get3A_1010] {strides = array<i32>} : memref<16x128xf32, #tpu.memory_space<vmem>>, vector<16xf32>,
    %add3A_1012 = arith.addf %add3A_1007, %get3A_1011 : vector<16xf32>
    %get3A_1013 = arith.constant 11 : i32
    %get3A_1014 = arith.index_cast %get3A_1013 : i32 to index
    %get3A_1015 = arith.constant 0 : index
    %get3A_1016 = tpu.vector_load %arg9[%get3A_1014, %get3A_1015] {strides = array<i32>} : memref<16x128xf32, #tpu.memory_space<vmem>>, vector<16xf32>,
    %add3A_1017 = arith.addf %add3A_1012, %get3A_1016 : vector<16xf32>
    %get3A_1018 = arith.constant 12 : i32
    %get3A_1019 = arith.index_cast %get3A_1018 : i32 to index
    %get3A_1020 = arith.constant 0 : index
    %get3A_1021 = tpu.vector_load %arg9[%get3A_1019, %get3A_1020] {strides = array<i32>} : memref<16x128xf32, #tpu.memory_space<vmem>>, vector<16xf32>,
    %add3A_1022 = arith.addf %add3A_1017, %get3A_1021 : vector<16xf32>
    %get3A_1023 = arith.constant 13 : i32
    %get3A_1024 = arith.index_cast %get3A_1023 : i32 to index
    %get3A_1025 = arith.constant 0 : index
    %get3A_1026 = tpu.vector_load %arg9[%get3A_1024, %get3A_1025] {strides = array<i32>} : memref<16x128xf32, #tpu.memory_space<vmem>>, vector<16xf32>,
    %add3A_1027 = arith.addf %add3A_1022, %get3A_1026 : vector<16xf32>
    %get3A_1028 = arith.constant 14 : i32
    %get3A_1029 = arith.index_cast %get3A_1028 : i32 to index
    %get3A_1030 = arith.constant 0 : index
    %get3A_1031 = tpu.vector_load %arg9[%get3A_1029, %get3A_1030] {strides = array<i32>} : memref<16x128xf32, #tpu.memory_space<vmem>>, vector<16xf32>,
    %add3A_1032 = arith.addf %add3A_1027, %get3A_1031 : vector<16xf32>
    %get3A_1033 = arith.constant 15 : i32
    %get3A_1034 = arith.index_cast %get3A_1033 : i32 to index
    %get3A_1035 = arith.constant 0 : index
    %get3A_1036 = tpu.vector_load %arg9[%get3A_1034, %get3A_1035] {strides = array<i32>} : memref<16x128xf32, #tpu.memory_space<vmem>>, vector<16xf32>,
    %add3A_1037 = arith.addf %add3A_1032, %get3A_1036 : vector<16xf32>
    %mul3A_1038 = arith.constant 6.250000e-02 : f32
    %mul3A_1039 = vector.broadcast %mul3A_1038 : f32 to vector<16xf32>
    %mul3A_1040 = arith.mulf %add3A_1037, %mul3A_1039 : vector<16xf32>
    %swap3A = arith.constant 0 : index
    %swap3A_1041 = tpu.vector_load %arg10[%swap3A] {strides = array<i32>} : memref<128xf32, #tpu.memory_space<vmem>>, vector<16xf32>,
    tpu.vector_store %arg10[%swap3A], %mul3A_1040 {strides = array<i32>} : memref<128xf32, #tpu.memory_space<vmem>>, vector<16xf32>,
    %broadcast_in_dim3A_1042 = arith.constant 0.000000e+00 : f32
    %broadcast_in_dim3A_1043 = vector.broadcast %broadcast_in_dim3A_1042 : f32 to vector<16xf32>
    %get3A_1044 = arith.constant 0 : i32
    %get3A_1045 = arith.index_cast %get3A_1044 : i32 to index
    %get3A_1046 = arith.constant 16 : index
    %get3A_1047 = tpu.vector_load %arg9[%get3A_1045, %get3A_1046] {strides = array<i32>} : memref<16x128xf32, #tpu.memory_space<vmem>>, vector<16xf32>,
    %add3A_1048 = arith.addf %broadcast_in_dim3A_1043, %get3A_1047 : vector<16xf32>
    %get3A_1049 = arith.constant 1 : i32
    %get3A_1050 = arith.index_cast %get3A_1049 : i32 to index
    %get3A_1051 = arith.constant 16 : index
    %get3A_1052 = tpu.vector_load %arg9[%get3A_1050, %get3A_1051] {strides = array<i32>} : memref<16x128xf32, #tpu.memory_space<vmem>>, vector<16xf32>,
    %add3A_1053 = arith.addf %add3A_1048, %get3A_1052 : vector<16xf32>
    %get3A_1054 = arith.constant 2 : i32
    %get3A_1055 = arith.index_cast %get3A_1054 : i32 to index
    %get3A_1056 = arith.constant 16 : index
    %get3A_1057 = tpu.vector_load %arg9[%get3A_1055, %get3A_1056] {strides = array<i32>} : memref<16x128xf32, #tpu.memory_space<vmem>>, vector<16xf32>,
    %add3A_1058 = arith.addf %add3A_1053, %get3A_1057 : vector<16xf32>
    %get3A_1059 = arith.constant 3 : i32
    %get3A_1060 = arith.index_cast %get3A_1059 : i32 to index
    %get3A_1061 = arith.constant 16 : index
    %get3A_1062 = tpu.vector_load %arg9[%get3A_1060, %get3A_1061] {strides = array<i32>} : memref<16x128xf32, #tpu.memory_space<vmem>>, vector<16xf32>,
    %add3A_1063 = arith.addf %add3A_1058, %get3A_1062 : vector<16xf32>
    %get3A_1064 = arith.constant 4 : i32
    %get3A_1065 = arith.index_cast %get3A_1064 : i32 to index
    %get3A_1066 = arith.constant 16 : index
    %get3A_1067 = tpu.vector_load %arg9[%get3A_1065, %get3A_1066] {strides = array<i32>} : memref<16x128xf32, #tpu.memory_space<vmem>>, vector<16xf32>,
    %add3A_1068 = arith.addf %add3A_1063, %get3A_1067 : vector<16xf32>
    %get3A_1069 = arith.constant 5 : i32
    %get3A_1070 = arith.index_cast %get3A_1069 : i32 to index
    %get3A_1071 = arith.constant 16 : index
    %get3A_1072 = tpu.vector_load %arg9[%get3A_1070, %get3A_1071] {strides = array<i32>} : memref<16x128xf32, #tpu.memory_space<vmem>>, vector<16xf32>,
    %add3A_1073 = arith.addf %add3A_1068, %get3A_1072 : vector<16xf32>
    %get3A_1074 = arith.constant 6 : i32
    %get3A_1075 = arith.index_cast %get3A_1074 : i32 to index
    %get3A_1076 = arith.constant 16 : index
    %get3A_1077 = tpu.vector_load %arg9[%get3A_1075, %get3A_1076] {strides = array<i32>} : memref<16x128xf32, #tpu.memory_space<vmem>>, vector<16xf32>,
    %add3A_1078 = arith.addf %add3A_1073, %get3A_1077 : vector<16xf32>
    %get3A_1079 = arith.constant 7 : i32
    %get3A_1080 = arith.index_cast %get3A_1079 : i32 to index
    %get3A_1081 = arith.constant 16 : index
    %get3A_1082 = tpu.vector_load %arg9[%get3A_1080, %get3A_1081] {strides = array<i32>} : memref<16x128xf32, #tpu.memory_space<vmem>>, vector<16xf32>,
    %add3A_1083 = arith.addf %add3A_1078, %get3A_1082 : vector<16xf32>
    %get3A_1084 = arith.constant 8 : i32
    %get3A_1085 = arith.index_cast %get3A_1084 : i32 to index
    %get3A_1086 = arith.constant 16 : index
    %get3A_1087 = tpu.vector_load %arg9[%get3A_1085, %get3A_1086] {strides = array<i32>} : memref<16x128xf32, #tpu.memory_space<vmem>>, vector<16xf32>,
    %add3A_1088 = arith.addf %add3A_1083, %get3A_1087 : vector<16xf32>
    %get3A_1089 = arith.constant 9 : i32
    %get3A_1090 = arith.index_cast %get3A_1089 : i32 to index
    %get3A_1091 = arith.constant 16 : index
    %get3A_1092 = tpu.vector_load %arg9[%get3A_1090, %get3A_1091] {strides = array<i32>} : memref<16x128xf32, #tpu.memory_space<vmem>>, vector<16xf32>,
    %add3A_1093 = arith.addf %add3A_1088, %get3A_1092 : vector<16xf32>
    %get3A_1094 = arith.constant 10 : i32
    %get3A_1095 = arith.index_cast %get3A_1094 : i32 to index
    %get3A_1096 = arith.constant 16 : index
    %get3A_1097 = tpu.vector_load %arg9[%get3A_1095, %get3A_1096] {strides = array<i32>} : memref<16x128xf32, #tpu.memory_space<vmem>>, vector<16xf32>,
    %add3A_1098 = arith.addf %add3A_1093, %get3A_1097 : vector<16xf32>
    %get3A_1099 = arith.constant 11 : i32
    %get3A_1100 = arith.index_cast %get3A_1099 : i32 to index
    %get3A_1101 = arith.constant 16 : index
    %get3A_1102 = tpu.vector_load %arg9[%get3A_1100, %get3A_1101] {strides = array<i32>} : memref<16x128xf32, #tpu.memory_space<vmem>>, vector<16xf32>,
    %add3A_1103 = arith.addf %add3A_1098, %get3A_1102 : vector<16xf32>
    %get3A_1104 = arith.constant 12 : i32
    %get3A_1105 = arith.index_cast %get3A_1104 : i32 to index
    %get3A_1106 = arith.constant 16 : index
    %get3A_1107 = tpu.vector_load %arg9[%get3A_1105, %get3A_1106] {strides = array<i32>} : memref<16x128xf32, #tpu.memory_space<vmem>>, vector<16xf32>,
    %add3A_1108 = arith.addf %add3A_1103, %get3A_1107 : vector<16xf32>
    %get3A_1109 = arith.constant 13 : i32
    %get3A_1110 = arith.index_cast %get3A_1109 : i32 to index
    %get3A_1111 = arith.constant 16 : index
    %get3A_1112 = tpu.vector_load %arg9[%get3A_1110, %get3A_1111] {strides = array<i32>} : memref<16x128xf32, #tpu.memory_space<vmem>>, vector<16xf32>,
    %add3A_1113 = arith.addf %add3A_1108, %get3A_1112 : vector<16xf32>
    %get3A_1114 = arith.constant 14 : i32
    %get3A_1115 = arith.index_cast %get3A_1114 : i32 to index
    %get3A_1116 = arith.constant 16 : index
    %get3A_1117 = tpu.vector_load %arg9[%get3A_1115, %get3A_1116] {strides = array<i32>} : memref<16x128xf32, #tpu.memory_space<vmem>>, vector<16xf32>,
    %add3A_1118 = arith.addf %add3A_1113, %get3A_1117 : vector<16xf32>
    %get3A_1119 = arith.constant 15 : i32
    %get3A_1120 = arith.index_cast %get3A_1119 : i32 to index
    %get3A_1121 = arith.constant 16 : index
    %get3A_1122 = tpu.vector_load %arg9[%get3A_1120, %get3A_1121] {strides = array<i32>} : memref<16x128xf32, #tpu.memory_space<vmem>>, vector<16xf32>,
    %add3A_1123 = arith.addf %add3A_1118, %get3A_1122 : vector<16xf32>
    %mul3A_1124 = arith.constant 6.250000e-02 : f32
    %mul3A_1125 = vector.broadcast %mul3A_1124 : f32 to vector<16xf32>
    %mul3A_1126 = arith.mulf %add3A_1123, %mul3A_1125 : vector<16xf32>
    %swap3A_1127 = arith.constant 16 : index
    %swap3A_1128 = tpu.vector_load %arg10[%swap3A_1127] {strides = array<i32>} : memref<128xf32, #tpu.memory_space<vmem>>, vector<16xf32>,
    tpu.vector_store %arg10[%swap3A_1127], %mul3A_1126 {strides = array<i32>} : memref<128xf32, #tpu.memory_space<vmem>>, vector<16xf32>,
    %broadcast_in_dim3A_1129 = arith.constant 0.000000e+00 : f32
    %broadcast_in_dim3A_1130 = vector.broadcast %broadcast_in_dim3A_1129 : f32 to vector<16xf32>
    %get3A_1131 = arith.constant 0 : i32
    %get3A_1132 = arith.index_cast %get3A_1131 : i32 to index
    %get3A_1133 = arith.constant 32 : index
    %get3A_1134 = tpu.vector_load %arg9[%get3A_1132, %get3A_1133] {strides = array<i32>} : memref<16x128xf32, #tpu.memory_space<vmem>>, vector<16xf32>,
    %add3A_1135 = arith.addf %broadcast_in_dim3A_1130, %get3A_1134 : vector<16xf32>
    %get3A_1136 = arith.constant 1 : i32
    %get3A_1137 = arith.index_cast %get3A_1136 : i32 to index
    %get3A_1138 = arith.constant 32 : index
    %get3A_1139 = tpu.vector_load %arg9[%get3A_1137, %get3A_1138] {strides = array<i32>} : memref<16x128xf32, #tpu.memory_space<vmem>>, vector<16xf32>,
    %add3A_1140 = arith.addf %add3A_1135, %get3A_1139 : vector<16xf32>
    %get3A_1141 = arith.constant 2 : i32
    %get3A_1142 = arith.index_cast %get3A_1141 : i32 to index
    %get3A_1143 = arith.constant 32 : index
    %get3A_1144 = tpu.vector_load %arg9[%get3A_1142, %get3A_1143] {strides = array<i32>} : memref<16x128xf32, #tpu.memory_space<vmem>>, vector<16xf32>,
    %add3A_1145 = arith.addf %add3A_1140, %get3A_1144 : vector<16xf32>
    %get3A_1146 = arith.constant 3 : i32
    %get3A_1147 = arith.index_cast %get3A_1146 : i32 to index
    %get3A_1148 = arith.constant 32 : index
    %get3A_1149 = tpu.vector_load %arg9[%get3A_1147, %get3A_1148] {strides = array<i32>} : memref<16x128xf32, #tpu.memory_space<vmem>>, vector<16xf32>,
    %add3A_1150 = arith.addf %add3A_1145, %get3A_1149 : vector<16xf32>
    %get3A_1151 = arith.constant 4 : i32
    %get3A_1152 = arith.index_cast %get3A_1151 : i32 to index
    %get3A_1153 = arith.constant 32 : index
    %get3A_1154 = tpu.vector_load %arg9[%get3A_1152, %get3A_1153] {strides = array<i32>} : memref<16x128xf32, #tpu.memory_space<vmem>>, vector<16xf32>,
    %add3A_1155 = arith.addf %add3A_1150, %get3A_1154 : vector<16xf32>
    %get3A_1156 = arith.constant 5 : i32
    %get3A_1157 = arith.index_cast %get3A_1156 : i32 to index
    %get3A_1158 = arith.constant 32 : index
    %get3A_1159 = tpu.vector_load %arg9[%get3A_1157, %get3A_1158] {strides = array<i32>} : memref<16x128xf32, #tpu.memory_space<vmem>>, vector<16xf32>,
    %add3A_1160 = arith.addf %add3A_1155, %get3A_1159 : vector<16xf32>
    %get3A_1161 = arith.constant 6 : i32
    %get3A_1162 = arith.index_cast %get3A_1161 : i32 to index
    %get3A_1163 = arith.constant 32 : index
    %get3A_1164 = tpu.vector_load %arg9[%get3A_1162, %get3A_1163] {strides = array<i32>} : memref<16x128xf32, #tpu.memory_space<vmem>>, vector<16xf32>,
    %add3A_1165 = arith.addf %add3A_1160, %get3A_1164 : vector<16xf32>
    %get3A_1166 = arith.constant 7 : i32
    %get3A_1167 = arith.index_cast %get3A_1166 : i32 to index
    %get3A_1168 = arith.constant 32 : index
    %get3A_1169 = tpu.vector_load %arg9[%get3A_1167, %get3A_1168] {strides = array<i32>} : memref<16x128xf32, #tpu.memory_space<vmem>>, vector<16xf32>,
    %add3A_1170 = arith.addf %add3A_1165, %get3A_1169 : vector<16xf32>
    %get3A_1171 = arith.constant 8 : i32
    %get3A_1172 = arith.index_cast %get3A_1171 : i32 to index
    %get3A_1173 = arith.constant 32 : index
    %get3A_1174 = tpu.vector_load %arg9[%get3A_1172, %get3A_1173] {strides = array<i32>} : memref<16x128xf32, #tpu.memory_space<vmem>>, vector<16xf32>,
    %add3A_1175 = arith.addf %add3A_1170, %get3A_1174 : vector<16xf32>
    %get3A_1176 = arith.constant 9 : i32
    %get3A_1177 = arith.index_cast %get3A_1176 : i32 to index
    %get3A_1178 = arith.constant 32 : index
    %get3A_1179 = tpu.vector_load %arg9[%get3A_1177, %get3A_1178] {strides = array<i32>} : memref<16x128xf32, #tpu.memory_space<vmem>>, vector<16xf32>,
    %add3A_1180 = arith.addf %add3A_1175, %get3A_1179 : vector<16xf32>
    %get3A_1181 = arith.constant 10 : i32
    %get3A_1182 = arith.index_cast %get3A_1181 : i32 to index
    %get3A_1183 = arith.constant 32 : index
    %get3A_1184 = tpu.vector_load %arg9[%get3A_1182, %get3A_1183] {strides = array<i32>} : memref<16x128xf32, #tpu.memory_space<vmem>>, vector<16xf32>,
    %add3A_1185 = arith.addf %add3A_1180, %get3A_1184 : vector<16xf32>
    %get3A_1186 = arith.constant 11 : i32
    %get3A_1187 = arith.index_cast %get3A_1186 : i32 to index
    %get3A_1188 = arith.constant 32 : index
    %get3A_1189 = tpu.vector_load %arg9[%get3A_1187, %get3A_1188] {strides = array<i32>} : memref<16x128xf32, #tpu.memory_space<vmem>>, vector<16xf32>,
    %add3A_1190 = arith.addf %add3A_1185, %get3A_1189 : vector<16xf32>
    %get3A_1191 = arith.constant 12 : i32
    %get3A_1192 = arith.index_cast %get3A_1191 : i32 to index
    %get3A_1193 = arith.constant 32 : index
    %get3A_1194 = tpu.vector_load %arg9[%get3A_1192, %get3A_1193] {strides = array<i32>} : memref<16x128xf32, #tpu.memory_space<vmem>>, vector<16xf32>,
    %add3A_1195 = arith.addf %add3A_1190, %get3A_1194 : vector<16xf32>
    %get3A_1196 = arith.constant 13 : i32
    %get3A_1197 = arith.index_cast %get3A_1196 : i32 to index
    %get3A_1198 = arith.constant 32 : index
    %get3A_1199 = tpu.vector_load %arg9[%get3A_1197, %get3A_1198] {strides = array<i32>} : memref<16x128xf32, #tpu.memory_space<vmem>>, vector<16xf32>,
    %add3A_1200 = arith.addf %add3A_1195, %get3A_1199 : vector<16xf32>
    %get3A_1201 = arith.constant 14 : i32
    %get3A_1202 = arith.index_cast %get3A_1201 : i32 to index
    %get3A_1203 = arith.constant 32 : index
    %get3A_1204 = tpu.vector_load %arg9[%get3A_1202, %get3A_1203] {strides = array<i32>} : memref<16x128xf32, #tpu.memory_space<vmem>>, vector<16xf32>,
    %add3A_1205 = arith.addf %add3A_1200, %get3A_1204 : vector<16xf32>
    %get3A_1206 = arith.constant 15 : i32
    %get3A_1207 = arith.index_cast %get3A_1206 : i32 to index
    %get3A_1208 = arith.constant 32 : index
    %get3A_1209 = tpu.vector_load %arg9[%get3A_1207, %get3A_1208] {strides = array<i32>} : memref<16x128xf32, #tpu.memory_space<vmem>>, vector<16xf32>,
    %add3A_1210 = arith.addf %add3A_1205, %get3A_1209 : vector<16xf32>
    %mul3A_1211 = arith.constant 6.250000e-02 : f32
    %mul3A_1212 = vector.broadcast %mul3A_1211 : f32 to vector<16xf32>
    %mul3A_1213 = arith.mulf %add3A_1210, %mul3A_1212 : vector<16xf32>
    %swap3A_1214 = arith.constant 32 : index
    %swap3A_1215 = tpu.vector_load %arg10[%swap3A_1214] {strides = array<i32>} : memref<128xf32, #tpu.memory_space<vmem>>, vector<16xf32>,
    tpu.vector_store %arg10[%swap3A_1214], %mul3A_1213 {strides = array<i32>} : memref<128xf32, #tpu.memory_space<vmem>>, vector<16xf32>,
    %broadcast_in_dim3A_1216 = arith.constant 0.000000e+00 : f32
    %broadcast_in_dim3A_1217 = vector.broadcast %broadcast_in_dim3A_1216 : f32 to vector<16xf32>
    %get3A_1218 = arith.constant 0 : i32
    %get3A_1219 = arith.index_cast %get3A_1218 : i32 to index
    %get3A_1220 = arith.constant 48 : index
    %get3A_1221 = tpu.vector_load %arg9[%get3A_1219, %get3A_1220] {strides = array<i32>} : memref<16x128xf32, #tpu.memory_space<vmem>>, vector<16xf32>,
    %add3A_1222 = arith.addf %broadcast_in_dim3A_1217, %get3A_1221 : vector<16xf32>
    %get3A_1223 = arith.constant 1 : i32
    %get3A_1224 = arith.index_cast %get3A_1223 : i32 to index
    %get3A_1225 = arith.constant 48 : index
    %get3A_1226 = tpu.vector_load %arg9[%get3A_1224, %get3A_1225] {strides = array<i32>} : memref<16x128xf32, #tpu.memory_space<vmem>>, vector<16xf32>,
    %add3A_1227 = arith.addf %add3A_1222, %get3A_1226 : vector<16xf32>
    %get3A_1228 = arith.constant 2 : i32
    %get3A_1229 = arith.index_cast %get3A_1228 : i32 to index
    %get3A_1230 = arith.constant 48 : index
    %get3A_1231 = tpu.vector_load %arg9[%get3A_1229, %get3A_1230] {strides = array<i32>} : memref<16x128xf32, #tpu.memory_space<vmem>>, vector<16xf32>,
    %add3A_1232 = arith.addf %add3A_1227, %get3A_1231 : vector<16xf32>
    %get3A_1233 = arith.constant 3 : i32
    %get3A_1234 = arith.index_cast %get3A_1233 : i32 to index
    %get3A_1235 = arith.constant 48 : index
    %get3A_1236 = tpu.vector_load %arg9[%get3A_1234, %get3A_1235] {strides = array<i32>} : memref<16x128xf32, #tpu.memory_space<vmem>>, vector<16xf32>,
    %add3A_1237 = arith.addf %add3A_1232, %get3A_1236 : vector<16xf32>
    %get3A_1238 = arith.constant 4 : i32
    %get3A_1239 = arith.index_cast %get3A_1238 : i32 to index
    %get3A_1240 = arith.constant 48 : index
    %get3A_1241 = tpu.vector_load %arg9[%get3A_1239, %get3A_1240] {strides = array<i32>} : memref<16x128xf32, #tpu.memory_space<vmem>>, vector<16xf32>,
    %add3A_1242 = arith.addf %add3A_1237, %get3A_1241 : vector<16xf32>
    %get3A_1243 = arith.constant 5 : i32
    %get3A_1244 = arith.index_cast %get3A_1243 : i32 to index
    %get3A_1245 = arith.constant 48 : index
    %get3A_1246 = tpu.vector_load %arg9[%get3A_1244, %get3A_1245] {strides = array<i32>} : memref<16x128xf32, #tpu.memory_space<vmem>>, vector<16xf32>,
    %add3A_1247 = arith.addf %add3A_1242, %get3A_1246 : vector<16xf32>
    %get3A_1248 = arith.constant 6 : i32
    %get3A_1249 = arith.index_cast %get3A_1248 : i32 to index
    %get3A_1250 = arith.constant 48 : index
    %get3A_1251 = tpu.vector_load %arg9[%get3A_1249, %get3A_1250] {strides = array<i32>} : memref<16x128xf32, #tpu.memory_space<vmem>>, vector<16xf32>,
    %add3A_1252 = arith.addf %add3A_1247, %get3A_1251 : vector<16xf32>
    %get3A_1253 = arith.constant 7 : i32
    %get3A_1254 = arith.index_cast %get3A_1253 : i32 to index
    %get3A_1255 = arith.constant 48 : index
    %get3A_1256 = tpu.vector_load %arg9[%get3A_1254, %get3A_1255] {strides = array<i32>} : memref<16x128xf32, #tpu.memory_space<vmem>>, vector<16xf32>,
    %add3A_1257 = arith.addf %add3A_1252, %get3A_1256 : vector<16xf32>
    %get3A_1258 = arith.constant 8 : i32
    %get3A_1259 = arith.index_cast %get3A_1258 : i32 to index
    %get3A_1260 = arith.constant 48 : index
    %get3A_1261 = tpu.vector_load %arg9[%get3A_1259, %get3A_1260] {strides = array<i32>} : memref<16x128xf32, #tpu.memory_space<vmem>>, vector<16xf32>,
    %add3A_1262 = arith.addf %add3A_1257, %get3A_1261 : vector<16xf32>
    %get3A_1263 = arith.constant 9 : i32
    %get3A_1264 = arith.index_cast %get3A_1263 : i32 to index
    %get3A_1265 = arith.constant 48 : index
    %get3A_1266 = tpu.vector_load %arg9[%get3A_1264, %get3A_1265] {strides = array<i32>} : memref<16x128xf32, #tpu.memory_space<vmem>>, vector<16xf32>,
    %add3A_1267 = arith.addf %add3A_1262, %get3A_1266 : vector<16xf32>
    %get3A_1268 = arith.constant 10 : i32
    %get3A_1269 = arith.index_cast %get3A_1268 : i32 to index
    %get3A_1270 = arith.constant 48 : index
    %get3A_1271 = tpu.vector_load %arg9[%get3A_1269, %get3A_1270] {strides = array<i32>} : memref<16x128xf32, #tpu.memory_space<vmem>>, vector<16xf32>,
    %add3A_1272 = arith.addf %add3A_1267, %get3A_1271 : vector<16xf32>
    %get3A_1273 = arith.constant 11 : i32
    %get3A_1274 = arith.index_cast %get3A_1273 : i32 to index
    %get3A_1275 = arith.constant 48 : index
    %get3A_1276 = tpu.vector_load %arg9[%get3A_1274, %get3A_1275] {strides = array<i32>} : memref<16x128xf32, #tpu.memory_space<vmem>>, vector<16xf32>,
    %add3A_1277 = arith.addf %add3A_1272, %get3A_1276 : vector<16xf32>
    %get3A_1278 = arith.constant 12 : i32
    %get3A_1279 = arith.index_cast %get3A_1278 : i32 to index
    %get3A_1280 = arith.constant 48 : index
    %get3A_1281 = tpu.vector_load %arg9[%get3A_1279, %get3A_1280] {strides = array<i32>} : memref<16x128xf32, #tpu.memory_space<vmem>>, vector<16xf32>,
    %add3A_1282 = arith.addf %add3A_1277, %get3A_1281 : vector<16xf32>
    %get3A_1283 = arith.constant 13 : i32
    %get3A_1284 = arith.index_cast %get3A_1283 : i32 to index
    %get3A_1285 = arith.constant 48 : index
    %get3A_1286 = tpu.vector_load %arg9[%get3A_1284, %get3A_1285] {strides = array<i32>} : memref<16x128xf32, #tpu.memory_space<vmem>>, vector<16xf32>,
    %add3A_1287 = arith.addf %add3A_1282, %get3A_1286 : vector<16xf32>
    %get3A_1288 = arith.constant 14 : i32
    %get3A_1289 = arith.index_cast %get3A_1288 : i32 to index
    %get3A_1290 = arith.constant 48 : index
    %get3A_1291 = tpu.vector_load %arg9[%get3A_1289, %get3A_1290] {strides = array<i32>} : memref<16x128xf32, #tpu.memory_space<vmem>>, vector<16xf32>,
    %add3A_1292 = arith.addf %add3A_1287, %get3A_1291 : vector<16xf32>
    %get3A_1293 = arith.constant 15 : i32
    %get3A_1294 = arith.index_cast %get3A_1293 : i32 to index
    %get3A_1295 = arith.constant 48 : index
    %get3A_1296 = tpu.vector_load %arg9[%get3A_1294, %get3A_1295] {strides = array<i32>} : memref<16x128xf32, #tpu.memory_space<vmem>>, vector<16xf32>,
    %add3A_1297 = arith.addf %add3A_1292, %get3A_1296 : vector<16xf32>
    %mul3A_1298 = arith.constant 6.250000e-02 : f32
    %mul3A_1299 = vector.broadcast %mul3A_1298 : f32 to vector<16xf32>
    %mul3A_1300 = arith.mulf %add3A_1297, %mul3A_1299 : vector<16xf32>
    %swap3A_1301 = arith.constant 48 : index
    %swap3A_1302 = tpu.vector_load %arg10[%swap3A_1301] {strides = array<i32>} : memref<128xf32, #tpu.memory_space<vmem>>, vector<16xf32>,
    tpu.vector_store %arg10[%swap3A_1301], %mul3A_1300 {strides = array<i32>} : memref<128xf32, #tpu.memory_space<vmem>>, vector<16xf32>,
    %broadcast_in_dim3A_1303 = arith.constant 0.000000e+00 : f32
    %broadcast_in_dim3A_1304 = vector.broadcast %broadcast_in_dim3A_1303 : f32 to vector<16xf32>
    %get3A_1305 = arith.constant 0 : i32
    %get3A_1306 = arith.index_cast %get3A_1305 : i32 to index
    %get3A_1307 = arith.constant 64 : index
    %get3A_1308 = tpu.vector_load %arg9[%get3A_1306, %get3A_1307] {strides = array<i32>} : memref<16x128xf32, #tpu.memory_space<vmem>>, vector<16xf32>,
    %add3A_1309 = arith.addf %broadcast_in_dim3A_1304, %get3A_1308 : vector<16xf32>
    %get3A_1310 = arith.constant 1 : i32
    %get3A_1311 = arith.index_cast %get3A_1310 : i32 to index
    %get3A_1312 = arith.constant 64 : index
    %get3A_1313 = tpu.vector_load %arg9[%get3A_1311, %get3A_1312] {strides = array<i32>} : memref<16x128xf32, #tpu.memory_space<vmem>>, vector<16xf32>,
    %add3A_1314 = arith.addf %add3A_1309, %get3A_1313 : vector<16xf32>
    %get3A_1315 = arith.constant 2 : i32
    %get3A_1316 = arith.index_cast %get3A_1315 : i32 to index
    %get3A_1317 = arith.constant 64 : index
    %get3A_1318 = tpu.vector_load %arg9[%get3A_1316, %get3A_1317] {strides = array<i32>} : memref<16x128xf32, #tpu.memory_space<vmem>>, vector<16xf32>,
    %add3A_1319 = arith.addf %add3A_1314, %get3A_1318 : vector<16xf32>
    %get3A_1320 = arith.constant 3 : i32
    %get3A_1321 = arith.index_cast %get3A_1320 : i32 to index
    %get3A_1322 = arith.constant 64 : index
    %get3A_1323 = tpu.vector_load %arg9[%get3A_1321, %get3A_1322] {strides = array<i32>} : memref<16x128xf32, #tpu.memory_space<vmem>>, vector<16xf32>,
    %add3A_1324 = arith.addf %add3A_1319, %get3A_1323 : vector<16xf32>
    %get3A_1325 = arith.constant 4 : i32
    %get3A_1326 = arith.index_cast %get3A_1325 : i32 to index
    %get3A_1327 = arith.constant 64 : index
    %get3A_1328 = tpu.vector_load %arg9[%get3A_1326, %get3A_1327] {strides = array<i32>} : memref<16x128xf32, #tpu.memory_space<vmem>>, vector<16xf32>,
    %add3A_1329 = arith.addf %add3A_1324, %get3A_1328 : vector<16xf32>
    %get3A_1330 = arith.constant 5 : i32
    %get3A_1331 = arith.index_cast %get3A_1330 : i32 to index
    %get3A_1332 = arith.constant 64 : index
    %get3A_1333 = tpu.vector_load %arg9[%get3A_1331, %get3A_1332] {strides = array<i32>} : memref<16x128xf32, #tpu.memory_space<vmem>>, vector<16xf32>,
    %add3A_1334 = arith.addf %add3A_1329, %get3A_1333 : vector<16xf32>
    %get3A_1335 = arith.constant 6 : i32
    %get3A_1336 = arith.index_cast %get3A_1335 : i32 to index
    %get3A_1337 = arith.constant 64 : index
    %get3A_1338 = tpu.vector_load %arg9[%get3A_1336, %get3A_1337] {strides = array<i32>} : memref<16x128xf32, #tpu.memory_space<vmem>>, vector<16xf32>,
    %add3A_1339 = arith.addf %add3A_1334, %get3A_1338 : vector<16xf32>
    %get3A_1340 = arith.constant 7 : i32
    %get3A_1341 = arith.index_cast %get3A_1340 : i32 to index
    %get3A_1342 = arith.constant 64 : index
    %get3A_1343 = tpu.vector_load %arg9[%get3A_1341, %get3A_1342] {strides = array<i32>} : memref<16x128xf32, #tpu.memory_space<vmem>>, vector<16xf32>,
    %add3A_1344 = arith.addf %add3A_1339, %get3A_1343 : vector<16xf32>
    %get3A_1345 = arith.constant 8 : i32
    %get3A_1346 = arith.index_cast %get3A_1345 : i32 to index
    %get3A_1347 = arith.constant 64 : index
    %get3A_1348 = tpu.vector_load %arg9[%get3A_1346, %get3A_1347] {strides = array<i32>} : memref<16x128xf32, #tpu.memory_space<vmem>>, vector<16xf32>,
    %add3A_1349 = arith.addf %add3A_1344, %get3A_1348 : vector<16xf32>
    %get3A_1350 = arith.constant 9 : i32
    %get3A_1351 = arith.index_cast %get3A_1350 : i32 to index
    %get3A_1352 = arith.constant 64 : index
    %get3A_1353 = tpu.vector_load %arg9[%get3A_1351, %get3A_1352] {strides = array<i32>} : memref<16x128xf32, #tpu.memory_space<vmem>>, vector<16xf32>,
    %add3A_1354 = arith.addf %add3A_1349, %get3A_1353 : vector<16xf32>
    %get3A_1355 = arith.constant 10 : i32
    %get3A_1356 = arith.index_cast %get3A_1355 : i32 to index
    %get3A_1357 = arith.constant 64 : index
    %get3A_1358 = tpu.vector_load %arg9[%get3A_1356, %get3A_1357] {strides = array<i32>} : memref<16x128xf32, #tpu.memory_space<vmem>>, vector<16xf32>,
    %add3A_1359 = arith.addf %add3A_1354, %get3A_1358 : vector<16xf32>
    %get3A_1360 = arith.constant 11 : i32
    %get3A_1361 = arith.index_cast %get3A_1360 : i32 to index
    %get3A_1362 = arith.constant 64 : index
    %get3A_1363 = tpu.vector_load %arg9[%get3A_1361, %get3A_1362] {strides = array<i32>} : memref<16x128xf32, #tpu.memory_space<vmem>>, vector<16xf32>,
    %add3A_1364 = arith.addf %add3A_1359, %get3A_1363 : vector<16xf32>
    %get3A_1365 = arith.constant 12 : i32
    %get3A_1366 = arith.index_cast %get3A_1365 : i32 to index
    %get3A_1367 = arith.constant 64 : index
    %get3A_1368 = tpu.vector_load %arg9[%get3A_1366, %get3A_1367] {strides = array<i32>} : memref<16x128xf32, #tpu.memory_space<vmem>>, vector<16xf32>,
    %add3A_1369 = arith.addf %add3A_1364, %get3A_1368 : vector<16xf32>
    %get3A_1370 = arith.constant 13 : i32
    %get3A_1371 = arith.index_cast %get3A_1370 : i32 to index
    %get3A_1372 = arith.constant 64 : index
    %get3A_1373 = tpu.vector_load %arg9[%get3A_1371, %get3A_1372] {strides = array<i32>} : memref<16x128xf32, #tpu.memory_space<vmem>>, vector<16xf32>,
    %add3A_1374 = arith.addf %add3A_1369, %get3A_1373 : vector<16xf32>
    %get3A_1375 = arith.constant 14 : i32
    %get3A_1376 = arith.index_cast %get3A_1375 : i32 to index
    %get3A_1377 = arith.constant 64 : index
    %get3A_1378 = tpu.vector_load %arg9[%get3A_1376, %get3A_1377] {strides = array<i32>} : memref<16x128xf32, #tpu.memory_space<vmem>>, vector<16xf32>,
    %add3A_1379 = arith.addf %add3A_1374, %get3A_1378 : vector<16xf32>
    %get3A_1380 = arith.constant 15 : i32
    %get3A_1381 = arith.index_cast %get3A_1380 : i32 to index
    %get3A_1382 = arith.constant 64 : index
    %get3A_1383 = tpu.vector_load %arg9[%get3A_1381, %get3A_1382] {strides = array<i32>} : memref<16x128xf32, #tpu.memory_space<vmem>>, vector<16xf32>,
    %add3A_1384 = arith.addf %add3A_1379, %get3A_1383 : vector<16xf32>
    %mul3A_1385 = arith.constant 6.250000e-02 : f32
    %mul3A_1386 = vector.broadcast %mul3A_1385 : f32 to vector<16xf32>
    %mul3A_1387 = arith.mulf %add3A_1384, %mul3A_1386 : vector<16xf32>
    %swap3A_1388 = arith.constant 64 : index
    %swap3A_1389 = tpu.vector_load %arg10[%swap3A_1388] {strides = array<i32>} : memref<128xf32, #tpu.memory_space<vmem>>, vector<16xf32>,
    tpu.vector_store %arg10[%swap3A_1388], %mul3A_1387 {strides = array<i32>} : memref<128xf32, #tpu.memory_space<vmem>>, vector<16xf32>,
    %broadcast_in_dim3A_1390 = arith.constant 0.000000e+00 : f32
    %broadcast_in_dim3A_1391 = vector.broadcast %broadcast_in_dim3A_1390 : f32 to vector<16xf32>
    %get3A_1392 = arith.constant 0 : i32
    %get3A_1393 = arith.index_cast %get3A_1392 : i32 to index
    %get3A_1394 = arith.constant 80 : index
    %get3A_1395 = tpu.vector_load %arg9[%get3A_1393, %get3A_1394] {strides = array<i32>} : memref<16x128xf32, #tpu.memory_space<vmem>>, vector<16xf32>,
    %add3A_1396 = arith.addf %broadcast_in_dim3A_1391, %get3A_1395 : vector<16xf32>
    %get3A_1397 = arith.constant 1 : i32
    %get3A_1398 = arith.index_cast %get3A_1397 : i32 to index
    %get3A_1399 = arith.constant 80 : index
    %get3A_1400 = tpu.vector_load %arg9[%get3A_1398, %get3A_1399] {strides = array<i32>} : memref<16x128xf32, #tpu.memory_space<vmem>>, vector<16xf32>,
    %add3A_1401 = arith.addf %add3A_1396, %get3A_1400 : vector<16xf32>
    %get3A_1402 = arith.constant 2 : i32
    %get3A_1403 = arith.index_cast %get3A_1402 : i32 to index
    %get3A_1404 = arith.constant 80 : index
    %get3A_1405 = tpu.vector_load %arg9[%get3A_1403, %get3A_1404] {strides = array<i32>} : memref<16x128xf32, #tpu.memory_space<vmem>>, vector<16xf32>,
    %add3A_1406 = arith.addf %add3A_1401, %get3A_1405 : vector<16xf32>
    %get3A_1407 = arith.constant 3 : i32
    %get3A_1408 = arith.index_cast %get3A_1407 : i32 to index
    %get3A_1409 = arith.constant 80 : index
    %get3A_1410 = tpu.vector_load %arg9[%get3A_1408, %get3A_1409] {strides = array<i32>} : memref<16x128xf32, #tpu.memory_space<vmem>>, vector<16xf32>,
    %add3A_1411 = arith.addf %add3A_1406, %get3A_1410 : vector<16xf32>
    %get3A_1412 = arith.constant 4 : i32
    %get3A_1413 = arith.index_cast %get3A_1412 : i32 to index
    %get3A_1414 = arith.constant 80 : index
    %get3A_1415 = tpu.vector_load %arg9[%get3A_1413, %get3A_1414] {strides = array<i32>} : memref<16x128xf32, #tpu.memory_space<vmem>>, vector<16xf32>,
    %add3A_1416 = arith.addf %add3A_1411, %get3A_1415 : vector<16xf32>
    %get3A_1417 = arith.constant 5 : i32
    %get3A_1418 = arith.index_cast %get3A_1417 : i32 to index
    %get3A_1419 = arith.constant 80 : index
    %get3A_1420 = tpu.vector_load %arg9[%get3A_1418, %get3A_1419] {strides = array<i32>} : memref<16x128xf32, #tpu.memory_space<vmem>>, vector<16xf32>,
    %add3A_1421 = arith.addf %add3A_1416, %get3A_1420 : vector<16xf32>
    %get3A_1422 = arith.constant 6 : i32
    %get3A_1423 = arith.index_cast %get3A_1422 : i32 to index
    %get3A_1424 = arith.constant 80 : index
    %get3A_1425 = tpu.vector_load %arg9[%get3A_1423, %get3A_1424] {strides = array<i32>} : memref<16x128xf32, #tpu.memory_space<vmem>>, vector<16xf32>,
    %add3A_1426 = arith.addf %add3A_1421, %get3A_1425 : vector<16xf32>
    %get3A_1427 = arith.constant 7 : i32
    %get3A_1428 = arith.index_cast %get3A_1427 : i32 to index
    %get3A_1429 = arith.constant 80 : index
    %get3A_1430 = tpu.vector_load %arg9[%get3A_1428, %get3A_1429] {strides = array<i32>} : memref<16x128xf32, #tpu.memory_space<vmem>>, vector<16xf32>,
    %add3A_1431 = arith.addf %add3A_1426, %get3A_1430 : vector<16xf32>
    %get3A_1432 = arith.constant 8 : i32
    %get3A_1433 = arith.index_cast %get3A_1432 : i32 to index
    %get3A_1434 = arith.constant 80 : index
    %get3A_1435 = tpu.vector_load %arg9[%get3A_1433, %get3A_1434] {strides = array<i32>} : memref<16x128xf32, #tpu.memory_space<vmem>>, vector<16xf32>,
    %add3A_1436 = arith.addf %add3A_1431, %get3A_1435 : vector<16xf32>
    %get3A_1437 = arith.constant 9 : i32
    %get3A_1438 = arith.index_cast %get3A_1437 : i32 to index
    %get3A_1439 = arith.constant 80 : index
    %get3A_1440 = tpu.vector_load %arg9[%get3A_1438, %get3A_1439] {strides = array<i32>} : memref<16x128xf32, #tpu.memory_space<vmem>>, vector<16xf32>,
    %add3A_1441 = arith.addf %add3A_1436, %get3A_1440 : vector<16xf32>
    %get3A_1442 = arith.constant 10 : i32
    %get3A_1443 = arith.index_cast %get3A_1442 : i32 to index
    %get3A_1444 = arith.constant 80 : index
    %get3A_1445 = tpu.vector_load %arg9[%get3A_1443, %get3A_1444] {strides = array<i32>} : memref<16x128xf32, #tpu.memory_space<vmem>>, vector<16xf32>,
    %add3A_1446 = arith.addf %add3A_1441, %get3A_1445 : vector<16xf32>
    %get3A_1447 = arith.constant 11 : i32
    %get3A_1448 = arith.index_cast %get3A_1447 : i32 to index
    %get3A_1449 = arith.constant 80 : index
    %get3A_1450 = tpu.vector_load %arg9[%get3A_1448, %get3A_1449] {strides = array<i32>} : memref<16x128xf32, #tpu.memory_space<vmem>>, vector<16xf32>,
    %add3A_1451 = arith.addf %add3A_1446, %get3A_1450 : vector<16xf32>
    %get3A_1452 = arith.constant 12 : i32
    %get3A_1453 = arith.index_cast %get3A_1452 : i32 to index
    %get3A_1454 = arith.constant 80 : index
    %get3A_1455 = tpu.vector_load %arg9[%get3A_1453, %get3A_1454] {strides = array<i32>} : memref<16x128xf32, #tpu.memory_space<vmem>>, vector<16xf32>,
    %add3A_1456 = arith.addf %add3A_1451, %get3A_1455 : vector<16xf32>
    %get3A_1457 = arith.constant 13 : i32
    %get3A_1458 = arith.index_cast %get3A_1457 : i32 to index
    %get3A_1459 = arith.constant 80 : index
    %get3A_1460 = tpu.vector_load %arg9[%get3A_1458, %get3A_1459] {strides = array<i32>} : memref<16x128xf32, #tpu.memory_space<vmem>>, vector<16xf32>,
    %add3A_1461 = arith.addf %add3A_1456, %get3A_1460 : vector<16xf32>
    %get3A_1462 = arith.constant 14 : i32
    %get3A_1463 = arith.index_cast %get3A_1462 : i32 to index
    %get3A_1464 = arith.constant 80 : index
    %get3A_1465 = tpu.vector_load %arg9[%get3A_1463, %get3A_1464] {strides = array<i32>} : memref<16x128xf32, #tpu.memory_space<vmem>>, vector<16xf32>,
    %add3A_1466 = arith.addf %add3A_1461, %get3A_1465 : vector<16xf32>
    %get3A_1467 = arith.constant 15 : i32
    %get3A_1468 = arith.index_cast %get3A_1467 : i32 to index
    %get3A_1469 = arith.constant 80 : index
    %get3A_1470 = tpu.vector_load %arg9[%get3A_1468, %get3A_1469] {strides = array<i32>} : memref<16x128xf32, #tpu.memory_space<vmem>>, vector<16xf32>,
    %add3A_1471 = arith.addf %add3A_1466, %get3A_1470 : vector<16xf32>
    %mul3A_1472 = arith.constant 6.250000e-02 : f32
    %mul3A_1473 = vector.broadcast %mul3A_1472 : f32 to vector<16xf32>
    %mul3A_1474 = arith.mulf %add3A_1471, %mul3A_1473 : vector<16xf32>
    %swap3A_1475 = arith.constant 80 : index
    %swap3A_1476 = tpu.vector_load %arg10[%swap3A_1475] {strides = array<i32>} : memref<128xf32, #tpu.memory_space<vmem>>, vector<16xf32>,
    tpu.vector_store %arg10[%swap3A_1475], %mul3A_1474 {strides = array<i32>} : memref<128xf32, #tpu.memory_space<vmem>>, vector<16xf32>,
    %broadcast_in_dim3A_1477 = arith.constant 0.000000e+00 : f32
    %broadcast_in_dim3A_1478 = vector.broadcast %broadcast_in_dim3A_1477 : f32 to vector<16xf32>
    %get3A_1479 = arith.constant 0 : i32
    %get3A_1480 = arith.index_cast %get3A_1479 : i32 to index
    %get3A_1481 = arith.constant 96 : index
    %get3A_1482 = tpu.vector_load %arg9[%get3A_1480, %get3A_1481] {strides = array<i32>} : memref<16x128xf32, #tpu.memory_space<vmem>>, vector<16xf32>,
    %add3A_1483 = arith.addf %broadcast_in_dim3A_1478, %get3A_1482 : vector<16xf32>
    %get3A_1484 = arith.constant 1 : i32
    %get3A_1485 = arith.index_cast %get3A_1484 : i32 to index
    %get3A_1486 = arith.constant 96 : index
    %get3A_1487 = tpu.vector_load %arg9[%get3A_1485, %get3A_1486] {strides = array<i32>} : memref<16x128xf32, #tpu.memory_space<vmem>>, vector<16xf32>,
    %add3A_1488 = arith.addf %add3A_1483, %get3A_1487 : vector<16xf32>
    %get3A_1489 = arith.constant 2 : i32
    %get3A_1490 = arith.index_cast %get3A_1489 : i32 to index
    %get3A_1491 = arith.constant 96 : index
    %get3A_1492 = tpu.vector_load %arg9[%get3A_1490, %get3A_1491] {strides = array<i32>} : memref<16x128xf32, #tpu.memory_space<vmem>>, vector<16xf32>,
    %add3A_1493 = arith.addf %add3A_1488, %get3A_1492 : vector<16xf32>
    %get3A_1494 = arith.constant 3 : i32
    %get3A_1495 = arith.index_cast %get3A_1494 : i32 to index
    %get3A_1496 = arith.constant 96 : index
    %get3A_1497 = tpu.vector_load %arg9[%get3A_1495, %get3A_1496] {strides = array<i32>} : memref<16x128xf32, #tpu.memory_space<vmem>>, vector<16xf32>,
    %add3A_1498 = arith.addf %add3A_1493, %get3A_1497 : vector<16xf32>
    %get3A_1499 = arith.constant 4 : i32
    %get3A_1500 = arith.index_cast %get3A_1499 : i32 to index
    %get3A_1501 = arith.constant 96 : index
    %get3A_1502 = tpu.vector_load %arg9[%get3A_1500, %get3A_1501] {strides = array<i32>} : memref<16x128xf32, #tpu.memory_space<vmem>>, vector<16xf32>,
    %add3A_1503 = arith.addf %add3A_1498, %get3A_1502 : vector<16xf32>
    %get3A_1504 = arith.constant 5 : i32
    %get3A_1505 = arith.index_cast %get3A_1504 : i32 to index
    %get3A_1506 = arith.constant 96 : index
    %get3A_1507 = tpu.vector_load %arg9[%get3A_1505, %get3A_1506] {strides = array<i32>} : memref<16x128xf32, #tpu.memory_space<vmem>>, vector<16xf32>,
    %add3A_1508 = arith.addf %add3A_1503, %get3A_1507 : vector<16xf32>
    %get3A_1509 = arith.constant 6 : i32
    %get3A_1510 = arith.index_cast %get3A_1509 : i32 to index
    %get3A_1511 = arith.constant 96 : index
    %get3A_1512 = tpu.vector_load %arg9[%get3A_1510, %get3A_1511] {strides = array<i32>} : memref<16x128xf32, #tpu.memory_space<vmem>>, vector<16xf32>,
    %add3A_1513 = arith.addf %add3A_1508, %get3A_1512 : vector<16xf32>
    %get3A_1514 = arith.constant 7 : i32
    %get3A_1515 = arith.index_cast %get3A_1514 : i32 to index
    %get3A_1516 = arith.constant 96 : index
    %get3A_1517 = tpu.vector_load %arg9[%get3A_1515, %get3A_1516] {strides = array<i32>} : memref<16x128xf32, #tpu.memory_space<vmem>>, vector<16xf32>,
    %add3A_1518 = arith.addf %add3A_1513, %get3A_1517 : vector<16xf32>
    %get3A_1519 = arith.constant 8 : i32
    %get3A_1520 = arith.index_cast %get3A_1519 : i32 to index
    %get3A_1521 = arith.constant 96 : index
    %get3A_1522 = tpu.vector_load %arg9[%get3A_1520, %get3A_1521] {strides = array<i32>} : memref<16x128xf32, #tpu.memory_space<vmem>>, vector<16xf32>,
    %add3A_1523 = arith.addf %add3A_1518, %get3A_1522 : vector<16xf32>
    %get3A_1524 = arith.constant 9 : i32
    %get3A_1525 = arith.index_cast %get3A_1524 : i32 to index
    %get3A_1526 = arith.constant 96 : index
    %get3A_1527 = tpu.vector_load %arg9[%get3A_1525, %get3A_1526] {strides = array<i32>} : memref<16x128xf32, #tpu.memory_space<vmem>>, vector<16xf32>,
    %add3A_1528 = arith.addf %add3A_1523, %get3A_1527 : vector<16xf32>
    %get3A_1529 = arith.constant 10 : i32
    %get3A_1530 = arith.index_cast %get3A_1529 : i32 to index
    %get3A_1531 = arith.constant 96 : index
    %get3A_1532 = tpu.vector_load %arg9[%get3A_1530, %get3A_1531] {strides = array<i32>} : memref<16x128xf32, #tpu.memory_space<vmem>>, vector<16xf32>,
    %add3A_1533 = arith.addf %add3A_1528, %get3A_1532 : vector<16xf32>
    %get3A_1534 = arith.constant 11 : i32
    %get3A_1535 = arith.index_cast %get3A_1534 : i32 to index
    %get3A_1536 = arith.constant 96 : index
    %get3A_1537 = tpu.vector_load %arg9[%get3A_1535, %get3A_1536] {strides = array<i32>} : memref<16x128xf32, #tpu.memory_space<vmem>>, vector<16xf32>,
    %add3A_1538 = arith.addf %add3A_1533, %get3A_1537 : vector<16xf32>
    %get3A_1539 = arith.constant 12 : i32
    %get3A_1540 = arith.index_cast %get3A_1539 : i32 to index
    %get3A_1541 = arith.constant 96 : index
    %get3A_1542 = tpu.vector_load %arg9[%get3A_1540, %get3A_1541] {strides = array<i32>} : memref<16x128xf32, #tpu.memory_space<vmem>>, vector<16xf32>,
    %add3A_1543 = arith.addf %add3A_1538, %get3A_1542 : vector<16xf32>
    %get3A_1544 = arith.constant 13 : i32
    %get3A_1545 = arith.index_cast %get3A_1544 : i32 to index
    %get3A_1546 = arith.constant 96 : index
    %get3A_1547 = tpu.vector_load %arg9[%get3A_1545, %get3A_1546] {strides = array<i32>} : memref<16x128xf32, #tpu.memory_space<vmem>>, vector<16xf32>,
    %add3A_1548 = arith.addf %add3A_1543, %get3A_1547 : vector<16xf32>
    %get3A_1549 = arith.constant 14 : i32
    %get3A_1550 = arith.index_cast %get3A_1549 : i32 to index
    %get3A_1551 = arith.constant 96 : index
    %get3A_1552 = tpu.vector_load %arg9[%get3A_1550, %get3A_1551] {strides = array<i32>} : memref<16x128xf32, #tpu.memory_space<vmem>>, vector<16xf32>,
    %add3A_1553 = arith.addf %add3A_1548, %get3A_1552 : vector<16xf32>
    %get3A_1554 = arith.constant 15 : i32
    %get3A_1555 = arith.index_cast %get3A_1554 : i32 to index
    %get3A_1556 = arith.constant 96 : index
    %get3A_1557 = tpu.vector_load %arg9[%get3A_1555, %get3A_1556] {strides = array<i32>} : memref<16x128xf32, #tpu.memory_space<vmem>>, vector<16xf32>,
    %add3A_1558 = arith.addf %add3A_1553, %get3A_1557 : vector<16xf32>
    %mul3A_1559 = arith.constant 6.250000e-02 : f32
    %mul3A_1560 = vector.broadcast %mul3A_1559 : f32 to vector<16xf32>
    %mul3A_1561 = arith.mulf %add3A_1558, %mul3A_1560 : vector<16xf32>
    %swap3A_1562 = arith.constant 96 : index
    %swap3A_1563 = tpu.vector_load %arg10[%swap3A_1562] {strides = array<i32>} : memref<128xf32, #tpu.memory_space<vmem>>, vector<16xf32>,
    tpu.vector_store %arg10[%swap3A_1562], %mul3A_1561 {strides = array<i32>} : memref<128xf32, #tpu.memory_space<vmem>>, vector<16xf32>,
    %broadcast_in_dim3A_1564 = arith.constant 0.000000e+00 : f32
    %broadcast_in_dim3A_1565 = vector.broadcast %broadcast_in_dim3A_1564 : f32 to vector<16xf32>
    %get3A_1566 = arith.constant 0 : i32
    %get3A_1567 = arith.index_cast %get3A_1566 : i32 to index
    %get3A_1568 = arith.constant 112 : index
    %get3A_1569 = tpu.vector_load %arg9[%get3A_1567, %get3A_1568] {strides = array<i32>} : memref<16x128xf32, #tpu.memory_space<vmem>>, vector<16xf32>,
    %add3A_1570 = arith.addf %broadcast_in_dim3A_1565, %get3A_1569 : vector<16xf32>
    %get3A_1571 = arith.constant 1 : i32
    %get3A_1572 = arith.index_cast %get3A_1571 : i32 to index
    %get3A_1573 = arith.constant 112 : index
    %get3A_1574 = tpu.vector_load %arg9[%get3A_1572, %get3A_1573] {strides = array<i32>} : memref<16x128xf32, #tpu.memory_space<vmem>>, vector<16xf32>,
    %add3A_1575 = arith.addf %add3A_1570, %get3A_1574 : vector<16xf32>
    %get3A_1576 = arith.constant 2 : i32
    %get3A_1577 = arith.index_cast %get3A_1576 : i32 to index
    %get3A_1578 = arith.constant 112 : index
    %get3A_1579 = tpu.vector_load %arg9[%get3A_1577, %get3A_1578] {strides = array<i32>} : memref<16x128xf32, #tpu.memory_space<vmem>>, vector<16xf32>,
    %add3A_1580 = arith.addf %add3A_1575, %get3A_1579 : vector<16xf32>
    %get3A_1581 = arith.constant 3 : i32
    %get3A_1582 = arith.index_cast %get3A_1581 : i32 to index
    %get3A_1583 = arith.constant 112 : index
    %get3A_1584 = tpu.vector_load %arg9[%get3A_1582, %get3A_1583] {strides = array<i32>} : memref<16x128xf32, #tpu.memory_space<vmem>>, vector<16xf32>,
    %add3A_1585 = arith.addf %add3A_1580, %get3A_1584 : vector<16xf32>
    %get3A_1586 = arith.constant 4 : i32
    %get3A_1587 = arith.index_cast %get3A_1586 : i32 to index
    %get3A_1588 = arith.constant 112 : index
    %get3A_1589 = tpu.vector_load %arg9[%get3A_1587, %get3A_1588] {strides = array<i32>} : memref<16x128xf32, #tpu.memory_space<vmem>>, vector<16xf32>,
    %add3A_1590 = arith.addf %add3A_1585, %get3A_1589 : vector<16xf32>
    %get3A_1591 = arith.constant 5 : i32
    %get3A_1592 = arith.index_cast %get3A_1591 : i32 to index
    %get3A_1593 = arith.constant 112 : index
    %get3A_1594 = tpu.vector_load %arg9[%get3A_1592, %get3A_1593] {strides = array<i32>} : memref<16x128xf32, #tpu.memory_space<vmem>>, vector<16xf32>,
    %add3A_1595 = arith.addf %add3A_1590, %get3A_1594 : vector<16xf32>
    %get3A_1596 = arith.constant 6 : i32
    %get3A_1597 = arith.index_cast %get3A_1596 : i32 to index
    %get3A_1598 = arith.constant 112 : index
    %get3A_1599 = tpu.vector_load %arg9[%get3A_1597, %get3A_1598] {strides = array<i32>} : memref<16x128xf32, #tpu.memory_space<vmem>>, vector<16xf32>,
    %add3A_1600 = arith.addf %add3A_1595, %get3A_1599 : vector<16xf32>
    %get3A_1601 = arith.constant 7 : i32
    %get3A_1602 = arith.index_cast %get3A_1601 : i32 to index
    %get3A_1603 = arith.constant 112 : index
    %get3A_1604 = tpu.vector_load %arg9[%get3A_1602, %get3A_1603] {strides = array<i32>} : memref<16x128xf32, #tpu.memory_space<vmem>>, vector<16xf32>,
    %add3A_1605 = arith.addf %add3A_1600, %get3A_1604 : vector<16xf32>
    %get3A_1606 = arith.constant 8 : i32
    %get3A_1607 = arith.index_cast %get3A_1606 : i32 to index
    %get3A_1608 = arith.constant 112 : index
    %get3A_1609 = tpu.vector_load %arg9[%get3A_1607, %get3A_1608] {strides = array<i32>} : memref<16x128xf32, #tpu.memory_space<vmem>>, vector<16xf32>,
    %add3A_1610 = arith.addf %add3A_1605, %get3A_1609 : vector<16xf32>
    %get3A_1611 = arith.constant 9 : i32
    %get3A_1612 = arith.index_cast %get3A_1611 : i32 to index
    %get3A_1613 = arith.constant 112 : index
    %get3A_1614 = tpu.vector_load %arg9[%get3A_1612, %get3A_1613] {strides = array<i32>} : memref<16x128xf32, #tpu.memory_space<vmem>>, vector<16xf32>,
    %add3A_1615 = arith.addf %add3A_1610, %get3A_1614 : vector<16xf32>
    %get3A_1616 = arith.constant 10 : i32
    %get3A_1617 = arith.index_cast %get3A_1616 : i32 to index
    %get3A_1618 = arith.constant 112 : index
    %get3A_1619 = tpu.vector_load %arg9[%get3A_1617, %get3A_1618] {strides = array<i32>} : memref<16x128xf32, #tpu.memory_space<vmem>>, vector<16xf32>,
    %add3A_1620 = arith.addf %add3A_1615, %get3A_1619 : vector<16xf32>
    %get3A_1621 = arith.constant 11 : i32
    %get3A_1622 = arith.index_cast %get3A_1621 : i32 to index
    %get3A_1623 = arith.constant 112 : index
    %get3A_1624 = tpu.vector_load %arg9[%get3A_1622, %get3A_1623] {strides = array<i32>} : memref<16x128xf32, #tpu.memory_space<vmem>>, vector<16xf32>,
    %add3A_1625 = arith.addf %add3A_1620, %get3A_1624 : vector<16xf32>
    %get3A_1626 = arith.constant 12 : i32
    %get3A_1627 = arith.index_cast %get3A_1626 : i32 to index
    %get3A_1628 = arith.constant 112 : index
    %get3A_1629 = tpu.vector_load %arg9[%get3A_1627, %get3A_1628] {strides = array<i32>} : memref<16x128xf32, #tpu.memory_space<vmem>>, vector<16xf32>,
    %add3A_1630 = arith.addf %add3A_1625, %get3A_1629 : vector<16xf32>
    %get3A_1631 = arith.constant 13 : i32
    %get3A_1632 = arith.index_cast %get3A_1631 : i32 to index
    %get3A_1633 = arith.constant 112 : index
    %get3A_1634 = tpu.vector_load %arg9[%get3A_1632, %get3A_1633] {strides = array<i32>} : memref<16x128xf32, #tpu.memory_space<vmem>>, vector<16xf32>,
    %add3A_1635 = arith.addf %add3A_1630, %get3A_1634 : vector<16xf32>
    %get3A_1636 = arith.constant 14 : i32
    %get3A_1637 = arith.index_cast %get3A_1636 : i32 to index
    %get3A_1638 = arith.constant 112 : index
    %get3A_1639 = tpu.vector_load %arg9[%get3A_1637, %get3A_1638] {strides = array<i32>} : memref<16x128xf32, #tpu.memory_space<vmem>>, vector<16xf32>,
    %add3A_1640 = arith.addf %add3A_1635, %get3A_1639 : vector<16xf32>
    %get3A_1641 = arith.constant 15 : i32
    %get3A_1642 = arith.index_cast %get3A_1641 : i32 to index
    %get3A_1643 = arith.constant 112 : index
    %get3A_1644 = tpu.vector_load %arg9[%get3A_1642, %get3A_1643] {strides = array<i32>} : memref<16x128xf32, #tpu.memory_space<vmem>>, vector<16xf32>,
    %add3A_1645 = arith.addf %add3A_1640, %get3A_1644 : vector<16xf32>
    %mul3A_1646 = arith.constant 6.250000e-02 : f32
    %mul3A_1647 = vector.broadcast %mul3A_1646 : f32 to vector<16xf32>
    %mul3A_1648 = arith.mulf %add3A_1645, %mul3A_1647 : vector<16xf32>
    %swap3A_1649 = arith.constant 112 : index
    %swap3A_1650 = tpu.vector_load %arg10[%swap3A_1649] {strides = array<i32>} : memref<128xf32, #tpu.memory_space<vmem>>, vector<16xf32>,
    tpu.vector_store %arg10[%swap3A_1649], %mul3A_1648 {strides = array<i32>} : memref<128xf32, #tpu.memory_space<vmem>>, vector<16xf32>,
    "tpu.region"() ({
      %run_scoped3A = tpu.sem_alloc : memref<!tpu.dma_semaphore, #tpu.memory_space<semaphore_mem>>
      %dma_start3A_1651 = arith.constant 0 : i32
      %dma_start3A_1652 = tpu.memref_slice %arg4[%add3A, %dma_start3A_1651] : memref<32x128xf32, #tpu.memory_space<hbm>> -> memref<1x128xf32, #tpu.memory_space<hbm>>
      %dma_start3A_1653 = tpu.memref_squeeze %dma_start3A_1652 : memref<1x128xf32, #tpu.memory_space<hbm>> -> memref<128xf32, #tpu.memory_space<hbm>>
      %dma_start3A_1654 = arith.constant 0 : i32
      %dma_start3A_1655 = tpu.memref_slice %arg4[%add3A, %dma_start3A_1654] : memref<32x128xf32, #tpu.memory_space<hbm>> -> memref<1x128xf32, #tpu.memory_space<hbm>>
      %dma_start3A_1656 = tpu.memref_squeeze %dma_start3A_1655 : memref<1x128xf32, #tpu.memory_space<hbm>> -> memref<128xf32, #tpu.memory_space<hbm>>
      tpu.enqueue_dma source(%arg10 : memref<128xf32, #tpu.memory_space<vmem>>) target(%dma_start3A_1656 : memref<128xf32, #tpu.memory_space<hbm>>) target_semaphore(%run_scoped3A : memref<!tpu.dma_semaphore, #tpu.memory_space<semaphore_mem>>)
      %dma_wait3A_1657 = arith.constant 0 : i32
      %dma_wait3A_1658 = tpu.memref_slice %arg4[%add3A, %dma_wait3A_1657] : memref<32x128xf32, #tpu.memory_space<hbm>> -> memref<1x128xf32, #tpu.memory_space<hbm>>
      %dma_wait3A_1659 = tpu.memref_squeeze %dma_wait3A_1658 : memref<1x128xf32, #tpu.memory_space<hbm>> -> memref<128xf32, #tpu.memory_space<hbm>>
      %dma_wait3A_1660 = arith.constant 0 : i32
      %dma_wait3A_1661 = tpu.memref_slice %arg4[%add3A, %dma_wait3A_1660] : memref<32x128xf32, #tpu.memory_space<hbm>> -> memref<1x128xf32, #tpu.memory_space<hbm>>
      %dma_wait3A_1662 = tpu.memref_squeeze %dma_wait3A_1661 : memref<1x128xf32, #tpu.memory_space<hbm>> -> memref<128xf32, #tpu.memory_space<hbm>>
      tpu.wait_dma2 semaphore(%run_scoped3A : memref<!tpu.dma_semaphore, #tpu.memory_space<semaphore_mem>>) src(%arg10 : memref<128xf32, #tpu.memory_space<vmem>>) dst(%dma_wait3A_1662 : memref<128xf32, #tpu.memory_space<hbm>>)
      tpu.yield
    }) : () -> ()
    return
  }
}

module attributes {stable_mosaic.version = 14 : i64} {
  func.func @_scores_body(%arg0: i32, %arg1: i32, %arg2: memref<8x1024x128xf32, #tpu.memory_space<vmem>>, %arg3: memref<8x1024xf32, #tpu.memory_space<vmem>>) attributes {dimension_semantics = [#tpu.dimension_semantics<arbitrary>, #tpu.dimension_semantics<arbitrary>], iteration_bounds = array<i64: 4, 8>, scalar_prefetch = 0 : i64, scratch_operands = 0 : i64, tpu.core_type = #tpu.core_type<tc>, window_params = [{transform_indices = @transform_0, window_bounds = array<i64: 8, 1024, 128>}, {transform_indices = @transform_1, window_bounds = array<i64: 8, 1024>}]} {
    %get3A = arith.constant 0 : index
    %get3A_0 = arith.constant 0 : index
    %get3A_1 = arith.constant 0 : index
    %get3A_2 = vector.load %arg2[%get3A, %get3A_0, %get3A_1] : memref<8x1024x128xf32, #tpu.memory_space<vmem>>, vector<8x1024x128xf32>
    %reduce_max3A = arith.constant dense<0xFF800000> : vector<8x1024xf32>
    %reduce_max3A_3 = vector.multi_reduction <maximumf>, %get3A_2, %reduce_max3A [2] : vector<8x1024x128xf32> to vector<8x1024xf32>
    %swap3A = arith.constant 0 : index
    %swap3A_4 = arith.constant 0 : index
    %swap3A_5 = vector.load %arg3[%swap3A, %swap3A_4] : memref<8x1024xf32, #tpu.memory_space<vmem>>, vector<8x1024xf32>
    tpu.vector_store %arg3[%swap3A, %swap3A_4], %reduce_max3A_3 {strides = array<i32>} : memref<8x1024xf32, #tpu.memory_space<vmem>>, vector<8x1024xf32>,
    return
  }
  func.func @transform_0(%arg0: i32, %arg1: i32) -> (i32, i32, i32) {
    %c0_i32 = arith.constant 0 : i32
    %c0_i32_0 = arith.constant 0 : i32
    return %arg0, %arg1, %c0_i32 : i32, i32, i32
  }
  func.func @transform_1(%arg0: i32, %arg1: i32) -> (i32, i32) {
    %c0_i32 = arith.constant 0 : i32
    return %arg0, %arg1 : i32, i32
  }
}

</mosaic_0001>

<sc_bundles>
// kernel: kernel.4.cloned.1.call-start
scs
__scs_entry_jumppad:
0x0: {  	(pc) =	sbr.rel $0x88, $3  }
0x1: {  	(tag) =	ssettag $0x0;
	lr =	simm.s32 $0x1  }
0x2: {  	[smem:$0x3FA0] =	sst lr;
	_ =	strace $0xD0000000  }
0x3: {  	_ = 	snop  }
0x4: {  	_ = 	snop  }
0x5: {  	_ = 	snop  }
0x6: {  	_ = 	snop  }
0x7: {  	_ = 	snop  }
__scs_overlays_trampoline_lowered:
0x8: {  	[smem:$0x3FAF] =	sst s0  }
0x9: {  	[smem:$0x3FB0] =	sst s1  }
0xa: {  	[smem:$0x3FB1] =	sst s2  }
0xb: {  	[smem:$0x3FB2] =	sst s3  }
0xc: {  	[smem:$0x3FB3] =	sst s4  }
0xd: {  	[smem:$0x3FB4] =	sst s5  }
0xe: {  	[smem:$0x3FB5] =	sst s6  }
0xf: {  	[smem:$0x3FB6] =	sst s7  }
0x10: {  	[smem:$0x3FB7] =	sst s8  }
0x11: {  	[smem:$0x3FB8] =	sst s9;
	s0 =	simm.s32 @!p0 $0x0  }
0x12: {  	s1 =	sld [smem:$0x3F9E];
	s0 =	simm.s32 @p0 $0x1  }
0x13: {  	[smem:$0x3FB9] =	sst s0;
	s0 =	simm.s32 @!p1 $0x0  }
0x14: {  	s2 =	sld [smem:$0x3F9D];
	s0 =	simm.s32 @p1 $0x1  }
0x15: {  	[smem:$0x3FBA] =	sst s0;
	s0 =	simm.s32 @!p2 $0x0  }
0x16: {  	s3 =	sld [smem:$0x3FDB];
	s0 =	simm.s32 @p2 $0x1  }
0x17: {  	s4 =	simm.s32 $0x1BF5;
	[smem:$0x3FBC] =	sst s0  }
0x18: {  	s0 =	sld [smem:$0x3F9F];
	_ =	swait.ge [sflag:s4], $0x0  }
0x19: {  	s7 =	sld [smem:$0x3FA0]  }
0x1a: {  	s8 =	sadd.s32 $0xFFFFE003, lr  }
0x1b: {  	s9 =	sadd.s32 $0xFFFFFEF7, lr;
	s5 =	simm.s32 $0xFFFFFFFF;
	p2 =	slt.u32 s8, $0xFFFFF086  }
0x1c: {  	p1 =	slt.u32 s9, $0xF7A;
	s5 =	simm.s32 @!p2 $0x0  }
0x1d: {  	s5 =	simm.s32 @p1 $0x1;
	p0 =	seq.s32 s7, s2  }
0x1e: {  	s7 =	smul.u32 @!p0 $0xF7A, s2;
	p2 =	seq.s32 @!p0 s5, $0x0  }
0x1f: {  	s9 =	smul.u32 $0xF7A, s1;
	s8 =	simm.s32 @!p0 $0x1BF5;
	p2 =	por !p2, p0  }
0x20: {  	[sflag:s8] =	ssyncset.s32 @!p0 $0xFFFFF086;
	s6 =	sadd.s32 @!p0 s3, s7;
	s7 =	simm.s32 @!p0 $0x108  }
0x21: {  	s3 =	sadd.s32 s3, s9;
	s6 =	sadd.s32 @!p0 $0x88, s6;
	s7 =	simm.s32 @p2 $0x1082  }
0x22: {  	[simem:s7], [sflag:s8] =	dma.local @!p0 [hbm:s6], $0xF7A  }
0x23: {  	s9 =	sor.u32 $0xD0000000, s2;
	s6 =	simm.s32 $0x108;
	_ =	swait.ge @!p0 [sflag:s8], $0x0  }
0x24: {  	s3 =	sadd.s32 $0x88, s3;
	s6 =	simm.s32 @!p1 $0x1082;
	[sflag:s4] =	ssyncset.s32 $0xFFFFF086  }
0x25: {  	[simem:s6], [sflag:s4] =	dma.local [hbm:s3], $0xF7A  }
0x26: {  	[smem:$0x3FA0] =	sst s1;
	(tag) =	ssettag s2;
	_ =	strace s9  }
0x27: {  	s1 =	sld [smem:$0x3FB0]  }
0x28: {  	s2 =	sld [smem:$0x3FB1]  }
0x29: {  	s4 =	sld [smem:$0x3FB3]  }
0x2a: {  	p0 =	seq.s32 s5, $0x0;
	s5 =	sld [smem:$0x3FB4]  }
0x2b: {  	s6 =	sld [smem:$0x3FB5]  }
0x2c: {  	s7 =	sld [smem:$0x3FB6]  }
0x2d: {  	s3 =	simm.s32 $0x108;
	s8 =	sld [smem:$0x3FB7]  }
0x2e: {  	s3 =	simm.s32 @!p0 $0x1082;
	s9 =	sld [smem:$0x3FB8]  }
0x2f: {  	lr =	sadd.s32 s0, s3;
	s0 =	sld [smem:$0x3FAF]  }
0x30: {  	s3 =	sld [smem:$0x3FB2]  }
0x31: {  	[smem:$0x3FBB] =	sst s10  }
0x32: {  	s10 =	sld [smem:$0x3FB9];
	_ =	sdelay $0x3  }
0x33: {  	p0 =	seq.s32 s10, $0x1;
	s10 =	sld [smem:$0x3FBB];
	_ =	sdelay $0x3  }
0x34: {  	[smem:$0x3FBB] =	sst s10  }
0x35: {  	s10 =	sld [smem:$0x3FBA];
	_ =	sdelay $0x3  }
0x36: {  	p1 =	seq.s32 s10, $0x1;
	s10 =	sld [smem:$0x3FBB];
	_ =	sdelay $0x3  }
0x37: {  	[smem:$0x3FBB] =	sst s10  }
0x38: {  	s10 =	sld [smem:$0x3FBC]  }
0x39: {  	_ = 	snop;
	(pc) =	sbr.ind lr, $3  }
0x3a: {  	_ = 	snop  }
0x3b: {  	_ = 	snop  }
0x3c: {  	p2 =	seq.s32 s10, $0x1;
	s10 =	sld [smem:$0x3FBB]  }
0x3d: {  	_ =	shalt  }
0x3e: {  	_ =	shalt  }
0x3f: {  	_ =	shalt  }
0x40: {  	_ =	shalt  }
0x41: {  	_ =	shalt  }
0x42: {  	_ =	shalt  }
0x43: {  	_ =	shalt  }
0x44: {  	_ =	shalt  }
0x45: {  	_ =	shalt  }
0x46: {  	_ =	shalt  }
0x47: {  	_ =	shalt  }
0x48: {  	_ =	shalt  }
0x49: {  	_ =	shalt  }
0x4a: {  	_ =	shalt  }
0x4b: {  	_ =	shalt  }
0x4c: {  	_ =	shalt  }
0x4d: {  	_ =	shalt  }
0x4e: {  	_ =	shalt  }
0x4f: {  	_ =	shalt  }
0x50: {  	_ =	shalt  }
0x51: {  	_ =	shalt  }
0x52: {  	_ =	shalt  }
0x53: {  	_ =	shalt  }
0x54: {  	_ =	shalt  }
0x55: {  	_ =	shalt  }
0x56: {  	_ =	shalt  }
0x57: {  	_ =	shalt  }
0x58: {  	_ =	shalt  }
0x59: {  	_ =	shalt  }
0x5a: {  	_ =	shalt  }
0x5b: {  	_ =	shalt  }
0x5c: {  	_ =	shalt  }
0x5d: {  	_ =	shalt  }
0x5e: {  	_ =	shalt  }
0x5f: {  	_ =	shalt  }
0x60: {  	_ =	shalt  }
0x61: {  	_ =	shalt  }
0x62: {  	_ =	shalt  }
0x63: {  	_ =	shalt  }
0x64: {  	_ =	shalt  }
0x65: {  	_ =	shalt  }
0x66: {  	_ =	shalt  }
0x67: {  	_ =	shalt  }
0x68: {  	_ =	shalt  }
0x69: {  	_ =	shalt  }
0x6a: {  	_ =	shalt  }
0x6b: {  	_ =	shalt  }
0x6c: {  	_ =	shalt  }
0x6d: {  	_ =	shalt  }
0x6e: {  	_ =	shalt  }
0x6f: {  	_ =	shalt  }
0x70: {  	_ =	shalt  }
0x71: {  	_ =	shalt  }
0x72: {  	_ =	shalt  }
0x73: {  	_ =	shalt  }
0x74: {  	_ =	shalt  }
0x75: {  	_ =	shalt  }
0x76: {  	_ =	shalt  }
0x77: {  	_ =	shalt  }
0x78: {  	_ =	shalt  }
0x79: {  	_ =	shalt  }
0x7a: {  	_ =	shalt  }
0x7b: {  	_ =	shalt  }
0x7c: {  	_ =	shalt  }
0x7d: {  	_ =	shalt  }
0x7e: {  	_ =	shalt  }
0x7f: {  	_ =	shalt  }
0x80: {  	_ =	shalt  }
0x81: {  	_ =	shalt  }
0x82: {  	_ =	shalt  }
0x83: {  	_ =	shalt  }
0x84: {  	_ =	shalt  }
0x85: {  	_ =	shalt  }
0x86: {  	_ =	shalt  }
0x87: {  	_ =	shalt  }
.Lfunc_end0:
.L_simem_size_0:
called_computation_lowered:
.L_overlay_start_0:
0x88: {  	s2 =	sld [smem:$0x3FD9]  }
0x89: {  	s3 =	sld [smem:$0x3FFE];
	_ =	sdelay $0x1  }
0x8a: {  	s1 =	srdreg.scid  }
0x8b: {  	s0 =	sand.u32 $0x1, s1  }
0x8c: {  	s17 =	sshll.u32 s0, $0xA;
	s2 =	sadd.s32 s3, s2  }
0x8d: {  	s2 =	sadd.s32 s2, s17  }
0x8e: {  	[smem:$0x3FC7] =	sst s2  }
0x8f: {  	_ = 	snop  }
0x90: {  	s2 =	sld [smem:$0x3FC9]  }
0x91: {  	s18 =	sld [smem:$0x3FD0];
	(tm) =	ssettm $0x1  }
0x92: {  	s4 =	sld [smem:$0x3FFB];
	_ =	sdelay $0x3  }
0x93: {  	_ =	strace s4  }
0x94: {  	s4 =	sld [smem:$0x3FFC];
	_ =	sdelay $0x3  }
0x95: {  	_ =	strace s4  }
0x96: {  	s4 =	sld [smem:$0x3FFD];
	_ =	sdelay $0x3  }
0x97: {  	_ =	strace s4  }
0x98: {  	_ =	strace $0x8FFFFFFF  }
0x99: {  	s19 =	sld [smem:$0x3FDB];
	_ =	sdelay $0x1  }
0x9a: {  	s5 =	simm.s32 $_scs_section_size  }
0x9b: {  	s6 =	simm.s32 $_size__tile_overlayer_lowered;
	s7 =	simm.s32 $_tile_overlayer_lowered  }
0x9c: {  	s22 =	simm.s32 $0x1BFF;
	s21 =	sshll.u32 s7, $0x1;
	s4 =	sadd.s32 s5, s19  }
0x9d: {  	s8 =	simm.s32 $0x0;
	s20 =	sshll.u32 s6, $0x1;
	s6 =	sadd.s32 s21, s4  }
0x9e: {  	[timem:s8], [sflag:s22] =	dma.local [hbm:s6], s20  }
0x9f: {  	_ =	swait.ge [sflag:s22], s20  }
0xa0: {  	s5 =	ssub.s32 $0x0, s20;
	[sflag:s22] =	ssyncset.done $0x0  }
0xa1: {  	[sflag:s22] =	ssyncadd.s32 s5;
	_ =	sdelay $0x1  }
0xa2: {  	s23 =	simm.s32 $0x1B8B  }
0xa3: {  	_ =	swait.ge [sflag:s23], $0x1  }
0xa4: {  	[sflag:s23] =	ssyncset.done $0x0  }
0xa5: {  	s25 =	simm.s32 $0x1B8E;
	s24 =	sld [smem:$0x3FFE];
	[sflag:s23] =	ssyncadd.s32 $0xFFFFFFFF  }
0xa6: {  	s26 =	simm.s32 $execute0_lowered;
	[smem:$0x3FD2] =	sst s25  }
0xa7: {  	s6 =	sshll.u32 s26, $0x1;
	_ =	strace $0x80000046;
	[dreg:$0x1] =	wrdreg $0xFFFFFFFF  }
0xa8: {  	s28 =	simm.s32 $_size_execute0_lowered;
	s4 =	sadd.s32 s4, s6;
	[dreg:$0x0] =	wrdreg $0x0  }
0xa9: {  	s6 =	sshll.u32 s28, $0x1;
	[dreg:$0x2] =	wrdreg s4  }
0xaa: {  	[dreg:$0x3] =	wrdreg s6  }
0xab: {  	[dreg:$0x4] =	wrdreg $0xC0  }
0xac: {  	_ =	task [dreg:s8], $0x5FFFF  }
0xad: {  	[dreg:$0x1] =	wrdreg $0xFFFFFFFF  }
0xae: {  	[dreg:$0x0] =	wrdreg $0x60  }
0xaf: {  	[dreg:$0x2] =	wrdreg s24  }
0xb0: {  	[dreg:$0x3] =	wrdreg s2  }
0xb1: {  	[dreg:$0x4] =	wrdreg s18  }
0xb2: {  	[dreg:$0x5] =	wrdreg $0x9  }
0xb3: {  	_ =	task.clear_ibuf [dreg:s8], $0x6FFFF;
	_ =	strace $0x90000046  }
0xb4: {  	s29 =	simm.s32 $0x9;
	_ =	strace $0x80000048  }
0xb5: {  	_ =	swait.ge [sflag:s29], $0x1  }
0xb6: {  	[sflag:s29] =	ssyncadd.s32 $0xFFFFFFFF  }
0xb7: {  	_ =	strace $0x90000048  }
0xb8: {  	_ =	sfence  }
0xb9: {  	s30 =	sld [smem:$0x0];
	_ =	sdelay $0x2  }
0xba: {  	s31 =	sshll.u32 s1, $0xD;
	s1 =	sshrl.u32 s1, $0x2  }
0xbb: {  	s3 =	sand.u32 $0x4000, s31;
	s1 =	sadd.s32 s1, s30  }
0xbc: {  	s0 =	sor.u32 s3, s0;
	s1 =	sshll.u32 s1, $0x11  }
0xbd: {  	s0 =	sor.u32 s1, s0  }
0xbe: {  	s0 =	sadd.s32 $0x8F2B, s0  }
0xbf: {  	[sflag:s0] =	ssyncadd.remote.s32 $0x1  }
0xc0: {  	_ =	sfence.sel $0xFFFF  }
0xc1: {  	[dreg:$0x0] =	wrdreg $0xFFFFFFFF;
	(pc) =	sbr.abs _section_cstart, $3  }
0xc2: {  	[dreg:$0x1] =	wrdreg $0xFFFFFFFF  }
0xc3: {  	_ =	task.clear_ibuf [dreg:s8], $0x2FFFF;
	_ =	strace $0x9FFFFFFF  }
0xc4: {  	(tm) =	ssettm $0x7FFFFFFF  }
0xc5: {  	_ =	shalt  }
tec
execute0_lowered:
.L_overlay_start_1:
0x0: {  	(tag) =	ssettag $0x1  }
0x1: {  	s4 =	rddreg [dreg:$0x0]  }
0x2: {  	s2 =	rddreg [dreg:$0x1];
	s1 =	srdreg.scid  }
0x3: {  	s0 =	stileid.u32;
	s6 =	rddreg [dreg:$0x2]  }
0x4: {  	s3 =	simm.s32 $0x0;
	s12 =	simm.s32 $0x4080;
	s13 =	simm.s32 $0x1  }
0x5: {  	s14 =	simm.s32 $0x6100;
	s15 =	simm.s32 $0x10;
	s16 =	simm.s32 $0x6180  }
0x6: {  	s17 =	simm.s32 $0x6980;
	s5 =	sand.u32 $0x1, s1;
	s1 =	rddreg [dreg:$0x3]  }
0x7: {  	s18 =	simm.s32 $0x0;
	s7 =	sshll.u32 s0, $0x1;
	[smem:$0x7FF] =	sst s3  }
0x8: {  	s8 =	sshrl.u32 s0, $0x2;
	s7 =	sor.u32 s5, s7;
	_ =	strace $0x80000047  }
0x9: {  	s10 =	sshll.u32 s8, $0x10;
	s5 =	ssub.s32 $0x2, s5;
	s9 =	sshll.u32 s7, $0x7  }
0xa: {  	s8 =	sshll.u32 s8, $0xA;
	s11 =	sshrl.u32 s5, $0x1;
	s9 =	sand.u32 $0x380, s9  }
.Ltmp0:
0xb: {  	s31 =	ssub.s32 s5, s11;
	s5 =	sshll.u32 s7, $0xD;
	(pc) =	sbr.rel .LBB2_1-.Ltmp0, $4  }
0xc: {  	s11 =	simm.s32 $0x2000;
	s10 =	sor.u32 s10, s9;
	s8 =	sor.u32 s8, s9  }
0xd: {  	s7 =	smax.u32 s31, $0x1;
	s10 =	sshrl.u32 s10, $0x3;
	s8 =	sshrl.u32 s8, $0x3  }
0xe: {  	s9 =	simm.s32 $0x400;
	s4 =	sadd.s32 s10, s4;
	s6 =	sadd.s32 s6, s8  }
0xf: {  	v0 =	vimm.s32 $0x0;
	v1 =	vlaneseq.u32;
	s8 =	simm.s32 $0x80;
	s10 =	simm.s32 $0x2;
	s4 =	sadd.s32 $0x600, s4  }
.LBB2_68:
0x10: {  	v22 =	vsel vm0, v23, v22  }
0x11: {  	v19 =	vsel vm0, v20, v19;
	v18 =	vsel vm0, v21, v18;
	v20 =	vxor.u32 $0x80000000, v22  }
.LBB2_69:
0x12: {  	(xrf0) =	vmax.scan.msk.f32 $0xffff, v19;
	_ =	sdelay $0x5  }
0x13: {  	v21, _, _ =	vpop (xrf0)  }
0x14: {  	v21 =	vbroadcast v21, $0xF;
	_ =	sdelay $0x1  }
0x15: {  	vm0 =	veq.f32 v19, v21;
	v21 =	vxor.u32 $0x80000000, v18  }
0x16: {  	v19 =	vnsel vm0, $0xFFFFFFFF, v21  }
0x17: {  	(xrf0) =	vmin.scan.msk.u32 $0xffff, v19;
	_ =	sdelay $0x5  }
0x18: {  	v19, _, _ =	vpop (xrf0)  }
0x19: {  	(v2sf) =	vpush v19, $0xF;
	_ =	sdelay $0xe  }
0x1a: {  	s19 =	spop (v2sf)  }
0x1b: {  	s19 =	sxor.u32 $0x80000000, s19  }
0x1c: {  	vm1 =	veq.s32 v18, s19  }
0x1d: {  	vm0 =	vmand vm0, vm1  }
0x1e: {  	v22 =	vnsel vm0, $0xFFFFFFFF, v20  }
0x1f: {  	(xrf0) =	vmin.scan.msk.u32 $0xffff, v22;
	_ =	sdelay $0x5  }
0x20: {  	v18, _, _ =	vpop (xrf0)  }
0x21: {  	(v2sf) =	vpush v18, $0xF;
	_ =	sdelay $0xe  }
0x22: {  	s20 =	spop (v2sf)  }
0x23: {  	v2 =	vimm.s32 $0xF;
	s20 =	sxor.u32 $0x80000000, s20  }
0x24: {  	v23 =	vmov s20;
	_ =	sdelay $0x1  }
0x25: {  	s19 =	sadd.s32 s5, s19  }
0x26: {  	v24 =	vmov s19  }
0x27: {  	[tilespmem:v2+s14+$0x0] =	vst.idx.msk $0x1, v24;
	v2 =	vimm.f32 $-Inf  }
0x28: {  	[tilespmem:v23+s11+$0x0] =	vst.idx.msk $0x1, v2  }
0x29: {  	[tilespmem:s16], [sflag:$0x1] =	stream.indirect.gather [hbm4b:s2+s15], $0x80, s14, s15, $0xb8;
	[tilespmem:$0x6A00] =	vst v63  }
0x2a: {  	_ =	swait.ge [sflag:s13], $0x800  }
0x2b: {  	[sflag:s13] =	ssyncset.done $0x0  }
0x2c: {  	[sflag:s13] =	ssyncadd.s32 $0xFFFFF800  }
0x2d: {  	v18 =	vld [tilespmem:$0x6180]  }
0x2e: {  	v19 =	vld [tilespmem:$0x6200]  }
0x2f: {  	v20 =	vld [tilespmem:$0x6280]  }
0x30: {  	v22 =	vld [tilespmem:$0x6300]  }
0x31: {  	v23 =	vld [tilespmem:$0x6380]  }
0x32: {  	v28 =	vld [tilespmem:$0x6400]  }
0x33: {  	v29 =	vld [tilespmem:$0x6480]  }
0x34: {  	v30 =	vld [tilespmem:$0x6500]  }
0x35: {  	v31 =	vld [tilespmem:$0x6580]  }
0x36: {  	v32 =	vld [tilespmem:$0x6600]  }
0x37: {  	v47 =	vld [tilespmem:$0x6680]  }
0x38: {  	v2 =	vld [tilespmem:$0x6700]  }
0x39: {  	v25 =	vld [tilespmem:$0x6190]  }
0x3a: {  	v27 =	vld [tilespmem:$0x6210]  }
0x3b: {  	v36 =	vld [tilespmem:$0x6290]  }
0x3c: {  	v37 =	vld [tilespmem:$0x6310]  }
0x3d: {  	v38 =	vld [tilespmem:$0x6390]  }
0x3e: {  	v39 =	vld [tilespmem:$0x6410]  }
0x3f: {  	v40 =	vld [tilespmem:$0x6490]  }
0x40: {  	v41 =	vld [tilespmem:$0x6510]  }
0x41: {  	v42 =	vld [tilespmem:$0x6590]  }
0x42: {  	v43 =	vld [tilespmem:$0x6610]  }
0x43: {  	v44 =	vld [tilespmem:$0x6690]  }
0x44: {  	v45 =	vld [tilespmem:$0x6710]  }
0x45: {  	v46 =	vld [tilespmem:$0x6790]  }
0x46: {  	v49 =	vld [tilespmem:$0x6810]  }
0x47: {  	v50 =	vld [tilespmem:$0x61A0]  }
0x48: {  	v51 =	vld [tilespmem:$0x6220]  }
0x49: {  	v52 =	vld [tilespmem:$0x62A0]  }
0x4a: {  	v53 =	vld [tilespmem:$0x6320]  }
0x4b: {  	v54 =	vld [tilespmem:$0x63A0]  }
0x4c: {  	v55 =	vld [tilespmem:$0x6420]  }
0x4d: {  	v56 =	vld [tilespmem:$0x64A0]  }
0x4e: {  	v57 =	vld [tilespmem:$0x6520]  }
0x4f: {  	v58 =	vld [tilespmem:$0x65A0]  }
0x50: {  	v59 =	vld [tilespmem:$0x6620]  }
0x51: {  	v60 =	vld [tilespmem:$0x66A0]  }
0x52: {  	v61 =	vld [tilespmem:$0x6720]  }
0x53: {  	v62 =	vld [tilespmem:$0x67A0]  }
0x54: {  	v63 =	vld [tilespmem:$0x6820]  }
0x55: {  	v33 =	vld [tilespmem:$0x68A0]  }
0x56: {  	v35 =	vld [tilespmem:$0x6920]  }
0x57: {  	v4 =	vld [tilespmem:$0x61B0]  }
0x58: {  	v5 =	vld [tilespmem:$0x6230]  }
0x59: {  	v6 =	vld [tilespmem:$0x62B0]  }
0x5a: {  	v7 =	vld [tilespmem:$0x6330]  }
0x5b: {  	v8 =	vld [tilespmem:$0x63B0]  }
0x5c: {  	v9 =	vld [tilespmem:$0x6430]  }
0x5d: {  	v10 =	vld [tilespmem:$0x64B0]  }
0x5e: {  	v11 =	vld [tilespmem:$0x6530]  }
0x5f: {  	v12 =	vld [tilespmem:$0x65B0]  }
0x60: {  	v13 =	vld [tilespmem:$0x6630]  }
0x61: {  	v14 =	vld [tilespmem:$0x66B0]  }
0x62: {  	v15 =	vld [tilespmem:$0x6730]  }
0x63: {  	v16 =	vld [tilespmem:$0x67B0]  }
0x64: {  	v17 =	vld [tilespmem:$0x6830]  }
0x65: {  	v21 =	vld [tilespmem:$0x6930]  }
0x66: {  	v3 =	vld [tilespmem:$0x61C0]  }
0x67: {  	v24 =	vld [tilespmem:$0x6240]  }
0x68: {  	v26 =	vld [tilespmem:$0x62C0]  }
0x69: {  	v34 =	vld [tilespmem:$0x6340]  }
0x6a: {  	v48 =	vld [tilespmem:$0x63C0];
	v18 =	vadd.f32 $0.0e+00, v18  }
0x6b: {  	[tilespmem:$0x1FF90] =	vst v2;
	v2 =	vld [tilespmem:$0x6780];
	v25 =	vadd.f32 $0.0e+00, v25;
	v4 =	vadd.f32 $0.0e+00, v4  }
0x6c: {  	v18 =	vadd.f32 v19, v18;
	v19 =	vadd.f32 $0.0e+00, v50;
	v50 =	vld [tilespmem:$0x6440]  }
0x6d: {  	v25 =	vadd.f32 v27, v25;
	v27 =	vld [tilespmem:$0x64C0]  }
0x6e: {  	v3 =	vadd.f32 $0.0e+00, v3;
	v5 =	vadd.f32 v5, v4;
	v4 =	vld [tilespmem:$0x6640]  }
0x6f: {  	v19 =	vadd.f32 v51, v19;
	v51 =	vld [tilespmem:$0x6540]  }
0x70: {  	v3 =	vadd.f32 v24, v3;
	v25 =	vadd.f32 v36, v25;
	v36 =	vld [tilespmem:$0x65C0]  }
0x71: {  	v18 =	vadd.f32 v20, v18;
	[tilespmem:$0x1FFA0] =	vst v2;
	v2 =	vld [tilespmem:$0x6800]  }
0x72: {  	v3 =	vadd.f32 v26, v3;
	v20 =	vadd.f32 v37, v25;
	v25 =	vld [tilespmem:$0x66C0]  }
0x73: {  	v18 =	vadd.f32 v22, v18;
	v22 =	vld [tilespmem:$0x67C0]  }
0x74: {  	v5 =	vadd.f32 v6, v5;
	v3 =	vadd.f32 v34, v3;
	v34 =	vld [tilespmem:$0x6460]  }
0x75: {  	v19 =	vadd.f32 v52, v19;
	v52 =	vadd.f32 v23, v18;
	v23 =	vld [tilespmem:$0x6740]  }
0x76: {  	v37 =	vadd.f32 v38, v20;
	v20 =	vld [tilespmem:$0x6840]  }
0x77: {  	v5 =	vadd.f32 v7, v5;
	v53 =	vadd.f32 v53, v19;
	v19 =	vld [tilespmem:$0x68C0]  }
0x78: {  	v18 =	vld [tilespmem:$0x6940]  }
0x79: {  	v5 =	vadd.f32 v8, v5;
	v3 =	vadd.f32 v48, v3;
	v48 =	vld [tilespmem:$0x66E0]  }
0x7a: {  	[tilespmem:$0x1FFB0] =	vst v2;
	v2 =	vld [tilespmem:$0x6880]  }
0x7b: {  	v5 =	vadd.f32 v9, v5;
	v9 =	vld [tilespmem:$0x61D0]  }
0x7c: {  	v6 =	vadd.f32 v28, v52;
	v28 =	vld [tilespmem:$0x6250]  }
0x7d: {  	v39 =	vadd.f32 v39, v37;
	v37 =	vld [tilespmem:$0x6750]  }
0x7e: {  	v52 =	vld [tilespmem:$0x61E0]  }
0x7f: {  	v38 =	vadd.f32 v54, v53;
	v54 =	vld [tilespmem:$0x61F0]  }
0x80: {  	v3 =	vadd.f32 v50, v3;
	v50 =	vld [tilespmem:$0x66F0]  }
0x81: {  	v5 =	vadd.f32 v10, v5;
	v10 =	vld [tilespmem:$0x62D0]  }
0x82: {  	v6 =	vadd.f32 v29, v6;
	v29 =	vld [tilespmem:$0x6350]  }
0x83: {  	v7 =	vadd.f32 v55, v38;
	v38 =	vld [tilespmem:$0x6850]  }
0x84: {  	v40 =	vadd.f32 v40, v39;
	v39 =	vld [tilespmem:$0x6950]  }
0x85: {  	v5 =	vadd.f32 v11, v5;
	v11 =	vld [tilespmem:$0x63D0]  }
0x86: {  	v6 =	vadd.f32 v30, v6;
	v30 =	vld [tilespmem:$0x6450]  }
0x87: {  	v7 =	vadd.f32 v56, v7;
	v56 =	vld [tilespmem:$0x6260]  }
0x88: {  	v3 =	vadd.f32 v27, v3;
	[tilespmem:$0x1FFC0] =	vst v2;
	v2 =	vld [tilespmem:$0x6900]  }
0x89: {  	v8 =	vadd.f32 v41, v40;
	v40 =	vld [tilespmem:$0x64E0]  }
0x8a: {  	v41 =	vld [tilespmem:$0x64F0];
	v3 =	vadd.f32 v51, v3  }
0x8b: {  	v51 =	vld [tilespmem:$0x6760];
	v9 =	vadd.f32 $0.0e+00, v9;
	v7 =	vadd.f32 v57, v7  }
0x8c: {  	v6 =	vadd.f32 v31, v6;
	v5 =	vadd.f32 v12, v5;
	v12 =	vld [tilespmem:$0x64D0]  }
0x8d: {  	v8 =	vadd.f32 v42, v8;
	v7 =	vadd.f32 v58, v7;
	[tilespmem:$0x1FFE0] =	vst v2;
	v2 =	vld [tilespmem:$0x6890]  }
0x8e: {  	v31 =	vld [tilespmem:$0x6550];
	v3 =	vadd.f32 v36, v3;
	v9 =	vadd.f32 v28, v9  }
0x8f: {  	v57 =	vld [tilespmem:$0x6270];
	v6 =	vadd.f32 v32, v6;
	v7 =	vadd.f32 v59, v7  }
0x90: {  	v42 =	vld [tilespmem:$0x6560];
	v8 =	vadd.f32 v43, v8;
	v5 =	vadd.f32 v13, v5  }
0x91: {  	v13 =	vld [tilespmem:$0x65D0];
	v3 =	vadd.f32 v4, v3;
	v7 =	vadd.f32 v60, v7  }
0x92: {  	v9 =	vadd.f32 v10, v9;
	v6 =	vadd.f32 v47, v6;
	[tilespmem:$0x1FFD0] =	vst v2;
	v2 =	vld [tilespmem:$0x6910]  }
0x93: {  	v32 =	vld [tilespmem:$0x6650];
	v8 =	vadd.f32 v44, v8;
	v7 =	vadd.f32 v61, v7  }
0x94: {  	v58 =	vld [tilespmem:$0x62E0];
	v5 =	vadd.f32 v14, v5;
	v3 =	vadd.f32 v25, v3  }
0x95: {  	v43 =	vld [tilespmem:$0x6570];
	v9 =	vadd.f32 v29, v9;
	v7 =	vadd.f32 v62, v7  }
0x96: {  	v44 =	vld [tilespmem:$0x1FF90];
	v8 =	vadd.f32 v45, v8;
	v5 =	vadd.f32 v15, v5  }
0x97: {  	v3 =	vadd.f32 v23, v3;
	v7 =	vadd.f32 v63, v7;
	[tilespmem:$0x1FFF0] =	vst v2;
	v2 =	vld [tilespmem:$0x68B0]  }
0x98: {  	v59 =	vld [tilespmem:$0x62F0];
	v9 =	vadd.f32 v11, v9;
	v5 =	vadd.f32 v16, v5  }
0x99: {  	v45 =	vld [tilespmem:$0x1FFA0];
	v7 =	vadd.f32 v33, v7;
	v33 =	vadd.f32 $0.0e+00, v54  }
0x9a: {  	v61 =	vld [tilespmem:$0x6370];
	v5 =	vadd.f32 v17, v5;
	v17 =	vadd.f32 $0.0e+00, v52  }
0x9b: {  	v60 =	vld [tilespmem:$0x6360];
	v8 =	vadd.f32 v46, v8;
	v62 =	vadd.f32 v57, v33  }
0x9c: {  	v33 =	vld [tilespmem:$0x63F0];
	v2 =	vadd.f32 v2, v5;
	v5 =	vadd.f32 v56, v17  }
0x9d: {  	v3 =	vadd.f32 v22, v3;
	v63 =	vld [tilespmem:$0x63E0];
	v10 =	vadd.f32 v59, v62  }
0x9e: {  	v7 =	vadd.f32 v35, v7;
	v35 =	vld [tilespmem:$0x6470];
	v5 =	vadd.f32 v58, v5  }
0x9f: {  	v46 =	vld [tilespmem:$0x1FFB0];
	v6 =	vadd.f32 v44, v6;
	v10 =	vadd.f32 v61, v10  }
0xa0: {  	v14 =	vld [tilespmem:$0x66D0];
	v9 =	vadd.f32 v30, v9;
	v5 =	vadd.f32 v60, v5  }
0xa1: {  	v47 =	vld [tilespmem:$0x1FFC0];
	v8 =	vadd.f32 v49, v8;
	v10 =	vadd.f32 v33, v10  }
0xa2: {  	v53 =	vld [tilespmem:$0x1FFE0];
	v6 =	vadd.f32 v45, v6;
	v5 =	vadd.f32 v63, v5  }
0xa3: {  	v49 =	vld [tilespmem:$0x1FFD0];
	v9 =	vadd.f32 v12, v9;
	v10 =	vadd.f32 v35, v10  }
0xa4: {  	v45 =	vld [tilespmem:$0x65F0];
	v6 =	vadd.f32 v46, v6;
	v5 =	vadd.f32 v34, v5  }
0xa5: {  	v44 =	vld [tilespmem:$0x65E0];
	v9 =	vadd.f32 v31, v9;
	v10 =	vadd.f32 v41, v10  }
0xa6: {  	v6 =	vadd.f32 v47, v6;
	v47 =	vld [tilespmem:$0x6670];
	v5 =	vadd.f32 v40, v5  }
0xa7: {  	v3 =	vadd.f32 v20, v3;
	v46 =	vld [tilespmem:$0x6660];
	v10 =	vadd.f32 v43, v10  }
0xa8: {  	v15 =	vld [tilespmem:$0x67D0];
	v9 =	vadd.f32 v13, v9;
	v5 =	vadd.f32 v42, v5  }
0xa9: {  	v52 =	vld [tilespmem:$0x6770];
	v8 =	vadd.f32 v49, v8;
	v10 =	vadd.f32 v45, v10  }
0xaa: {  	v55 =	vld [tilespmem:$0x1FFF0];
	v9 =	vadd.f32 v32, v9;
	v49 =	vadd.f32 v44, v5  }
0xab: {  	v16 =	vld [tilespmem:$0x68D0];
	v3 =	vadd.f32 v19, v3;
	v10 =	vadd.f32 v47, v10  }
0xac: {  	v54 =	vld [tilespmem:$0x67F0];
	v9 =	vadd.f32 v14, v9;
	v4 =	vadd.f32 v46, v49  }
0xad: {  	v6 =	vadd.f32 v53, v6;
	v53 =	vld [tilespmem:$0x67E0];
	v5 =	vadd.f32 v50, v10  }
0xae: {  	v56 =	vld [tilespmem:$0x6870];
	v9 =	vadd.f32 v37, v9;
	v4 =	vadd.f32 v48, v4  }
0xaf: {  	v8 =	vadd.f32 v55, v8;
	v55 =	vld [tilespmem:$0x6860];
	v5 =	vadd.f32 v52, v5  }
0xb0: {  	v58 =	vld [tilespmem:$0x68F0];
	v9 =	vadd.f32 v15, v9;
	v4 =	vadd.f32 v51, v4  }
0xb1: {  	v3 =	vadd.f32 v18, v3;
	v57 =	vld [tilespmem:$0x68E0];
	v5 =	vadd.f32 v54, v5  }
0xb2: {  	v60 =	vld [tilespmem:$0x6970];
	v9 =	vadd.f32 v38, v9;
	v4 =	vadd.f32 v53, v4  }
0xb3: {  	v3 =	vmul.f32 $6.250000000e-02, v3;
	v59 =	vld [tilespmem:$0x6960];
	v2 =	vadd.f32 v21, v2;
	v5 =	vadd.f32 v56, v5  }
0xb4: {  	v6 =	vmul.f32 $6.250000000e-02, v6;
	v9 =	vadd.f32 v16, v9;
	v4 =	vadd.f32 v55, v4  }
0xb5: {  	[tilespmem:$0x69C0] =	vst v3;
	v2 =	vmul.f32 $6.250000000e-02, v2;
	v5 =	vadd.f32 v58, v5  }
0xb6: {  	v61 =	vmul.f32 $6.250000000e-02, v7;
	[tilespmem:$0x6980] =	vst v6;
	v62 =	vadd.f32 v39, v9;
	v4 =	vadd.f32 v57, v4  }
0xb7: {  	v8 =	vmul.f32 $6.250000000e-02, v8;
	[tilespmem:$0x69B0] =	vst v2;
	v2 =	vadd.f32 v60, v5  }
0xb8: {  	[tilespmem:$0x69A0] =	vst v61;
	v63 =	vmul.f32 $6.250000000e-02, v62;
	v4 =	vadd.f32 v59, v4  }
0xb9: {  	[tilespmem:$0x6990] =	vst v8;
	v2 =	vmul.f32 $6.250000000e-02, v2  }
0xba: {  	s18 =	sadd.s32 $0x1, s18;
	[tilespmem:$0x69D0] =	vst v63;
	v3 =	vmul.f32 $6.250000000e-02, v4  }
0xbb: {  	p0 =	sne.s32 s18, s7;
	[tilespmem:$0x69F0] =	vst v2  }
.Ltmp1:
0xbc: {  	[tilespmem:$0x69E0] =	vst v3;
	(pc) =	sbr.rel @!p0 .LBB2_70-.Ltmp1, $4  }
0xbd: {  	[hbm4b:s6+s3] =	stream.linear.scatter [tilespmem:s17], [sflag:$0x2], $0x80, $0x38;
	[tilespmem:$0x6A00] =	vst v63  }
0xbe: {  	_ =	swait.ge [sflag:s10], $0x80  }
0xbf: {  	[sflag:s10] =	ssyncset.done $0x0  }
0xc0: {  	[sflag:s10] =	ssyncadd.s32 $0xFFFFFF80  }
.LBB2_1:
0xc1: {  	[tilespmem:s3], [sflag:$0x2] =	stream.strided.gather [hbm4b:s4+s8], $0x2000, s9, s8, $0x38;
	[tilespmem:$0x6A00] =	vst v63  }
0xc2: {  	_ =	swait.ge [sflag:s10], $0x2000  }
0xc3: {  	[sflag:s10] =	ssyncset.done $0x0  }
0xc4: {  	s20 =	simm.s32 $0x0;
	[sflag:s10] =	ssyncadd.s32 $0xFFFFE000  }
0xc5: {  	s19 =	simm.s32 $0x40;
	v18 =	vimm.f32 $-Inf;
	v19 =	vld [tilespmem:s20+$0x0]  }
.LBB2_2:
0xc6: {  	p0 =	sne.s32 s19, $0x7FC0  }
.Ltmp2:
0xc7: {  	_ = 	snop;
	(pc) =	sbr.rel @p0 .LBB2_2-.Ltmp2, $3  }
0xc8: {  	_ =	sdelay $0x1  }
0xc9: {  	s20 =	sshra.s32 s19, $0x2;
	s19 =	sadd.s32 $0x40, s19;
	v18 =	vmax.f32 v18, v19  }
0xca: {  	v19 =	vld [tilespmem:s20+$0x0]  }
0xcb: {  	_ =	sdelay $0x3  }
0xcc: {  	v18 =	vmax.f32 v18, v19  }
0xcd: {  	(xrf0) =	vmin.scan.msk.f32 $0xffff, v18;
	_ =	sdelay $0x2  }
0xce: {  	s20 =	simm.s32 $0x0  }
0xcf: {  	v18 =	vld [tilespmem:s20+$0x0];
	_ =	sdelay $0x1  }
0xd0: {  	v19, _, _ =	vpop (xrf0)  }
0xd1: {  	v19 =	vbroadcast v19, $0xF;
	_ =	sdelay $0x1  }
0xd2: {  	vm0 =	vge.f32 v18, v19  }
0xd3: {  	v20 =	vsel vm0, $0x1, v0  }
0xd4: {  	(xrf0) =	vadd.scan.msk.s32 $0xffff, v20;
	_ =	sdelay $0x2  }
0xd5: {  	v21 =	vmpcnt.ones.xlane vm0;
	v20 =	vmov s20  }
0xd6: {  	v20 =	vadd.s32 $0xFFFFFFFF, v20  }
0xd7: {  	v21 =	vxor.u32 $0x80000000, v21;
	v20 =	vbroadcast v20, $0x0  }
0xd8: {  	v22, _, _ =	vpop (xrf0);
	(xrf0) =	vmax.scan.msk.u32 $0xffff, v21  }
0xd9: {  	v20 =	vadd.s32 v22, v20;
	_ =	sdelay $0x4  }
0xda: {  	[tilespmem:v20+s11+$0x0] =	vst.idx.msk vm0, v18;
	v18, _, _ =	vpop (xrf0)  }
0xdb: {  	(v2sf) =	vpush v18, $0xF;
	_ =	sdelay $0x4  }
0xdc: {  	v63 =	vor.u32 s20, v1  }
0xdd: {  	s19 =	simm.s32 $0x10;
	[tilespmem:v20+s12+$0x0] =	vst.idx.msk vm0, v63  }
0xde: {  	s21 =	simm.s32 $0x20;
	s22 =	simm.s32 $0x10;
	v18 =	vld [tilespmem:s19+$0x0]  }
.LBB2_4:
0xdf: {  	p0 =	sne.s32 s21, $0x1FF0;
	_ =	sdelay $0x3  }
0xe0: {  	vm0 =	vge.f32 v18, v19  }
0xe1: {  	v20 =	vsel vm0, $0x1, v0;
	v21 =	vmpcnt.ones.xlane vm0;
	_ =	sdelay $0x1  }
0xe2: {  	v21 =	vxor.u32 $0x80000000, v21;
	(xrf0) =	vadd.scan.msk.s32 $0xffff, v20;
	s23 =	spop (v2sf)  }
0xe3: {  	(xrf0) =	vmax.scan.msk.u32 $0xffff, v21;
	s20 =	sadd.s32 s23, s20  }
0xe4: {  	s20 =	sadd.s32 $0x80000000, s20  }
0xe5: {  	v20 =	vmov s20  }
0xe6: {  	v20 =	vadd.s32 $0xFFFFFFFF, v20  }
0xe7: {  	v20 =	vbroadcast v20, $0x0  }
0xe8: {  	v21, _, _ =	vpop (xrf0)  }
0xe9: {  	v20 =	vadd.s32 v21, v20;
	v21, _, _ =	vpop (xrf0)  }
0xea: {  	(v2sf) =	vpush v21, $0xF;
	_ =	sdelay $0x2  }
.Ltmp3:
0xeb: {  	(pc) =	sbr.rel @p0 .LBB2_4-.Ltmp3, $4  }
0xec: {  	v21 =	vor.u32 s19, v1;
	s19 =	smov.u32 s21;
	[tilespmem:v20+s11+$0x0] =	vst.idx.msk vm0, v18  }
0xed: {  	[tilespmem:v20+s12+$0x0] =	vst.idx.msk vm0, v21  }
0xee: {  	s22 =	sadd.s32 $0x10, s22  }
0xef: {  	s21 =	sadd.s32 $0x10, s21;
	v18 =	vld [tilespmem:s22+$0x0]  }
0xf0: {  	_ =	sdelay $0x3  }
0xf1: {  	vm0 =	vge.f32 v18, v19  }
0xf2: {  	v19 =	vmpcnt.ones.xlane vm0  }
0xf3: {  	v20 =	vsel vm0, $0x1, v0  }
0xf4: {  	(xrf0) =	vadd.scan.msk.s32 $0xffff, v20;
	v19 =	vxor.u32 $0x80000000, v19  }
0xf5: {  	(xrf0) =	vmax.scan.msk.u32 $0xffff, v19;
	_ =	sdelay $0x4  }
0xf6: {  	v19, _, _ =	vpop (xrf0)  }
0xf7: {  	v20, _, _ =	vpop (xrf0)  }
0xf8: {  	(v2sf) =	vpush v20, $0xF;
	_ =	sdelay $0xc  }
0xf9: {  	s21 =	spop (v2sf)  }
0xfa: {  	s20 =	sadd.s32 s21, s20  }
0xfb: {  	s20 =	sadd.s32 $0x80000000, s20;
	s28 =	spop (v2sf)  }
0xfc: {  	v20 =	vmov s20;
	s20 =	sadd.s32 s28, s20  }
0xfd: {  	s20 =	sadd.s32 $0x80000000, s20  }
0xfe: {  	s29 =	sadd.s32 $0xF, s20  }
0xff: {  	v20 =	vadd.s32 $0xFFFFFFFF, v20;
	s22 =	sand.u32 $0xF, s29  }
0x100: {  	v20 =	vbroadcast v20, $0x0;
	s30 =	sshra.s32 s29, $0x1F;
	p0 =	slt.s32 s29, $0x1;
	p1 =	sne.s32 s22, $0x0  }
0x101: {  	v21 =	vadd.s32 s20, v1;
	s20 =	sshrl.u32 s30, $0x1C;
	p0 =	por !p0, !p1  }
0x102: {  	s21 =	simm.s32 $0x1;
	v19 =	vadd.s32 v19, v20;
	s20 =	sadd.s32 s20, s29;
	p0 =	por !p0, !p0  }
0x103: {  	s31 =	sshra.s32 s20, $0x4;
	s21 =	simm.s32 @!p0 $0x0  }
0x104: {  	v20 =	vor.u32 s19, v1;
	s19 =	ssub.s32 s31, s21  }
0x105: {  	p0 =	slt.s32 s19, $0x1  }
.Ltmp4:
0x106: {  	_ = 	snop;
	(pc) =	sbr.rel @p0 .LBB2_9-.Ltmp4, $4  }
0x107: {  	[tilespmem:v19+s11+$0x0] =	vst.idx.msk vm0, v18  }
0x108: {  	s23 =	simm.s32 $0x2000;
	[tilespmem:v19+s12+$0x0] =	vst.idx.msk vm0, v20;
	v19 =	vimm.f32 $-Inf  }
0x109: {  	v25 =	vimm.f32 $-Inf;
	v18 =	vimm.s32 $0x7FFFFFFF;
	s20 =	simm.s32 $0x4080;
	[tilespmem:v21+s23+$0x0] =	vst.idx.msk $0xffff, v19  }
0x10a: {  	v22 =	vimm.s32 $0xFFFFFFFF;
	v20 =	vimm.s32 $0xFFFFFFFF;
	[tilespmem:v21+s20+$0x0] =	vst.idx.msk $0xffff, v18;
	s21 =	simm.s32 $0x0;
	v21 =	vimm.s32 $0x7FFFFFFF  }
0x10b: {  	v21 =	vld [tilespmem:s23+$0x0];
	p1 =	sne.s32 s19, $0x1  }
.Ltmp5:
0x10c: {  	v24 =	vld [tilespmem:s20+$0x0];
	(pc) =	sbr.rel @!p1 .LBB2_8-.Ltmp5, $3  }
0x10d: {  	_ =	sdelay $0x1  }
0x10e: {  	v26 =	vor.u32 s21, v1;
	v22 =	vimm.f32 $-Inf  }
0x10f: {  	s22 =	sadd.s32 $0xFFFFFFFF, s19;
	s23 =	sadd.s32 $0x10, s23;
	v23 =	vimm.s32 $0x7FFFFFFF;
	v25 =	vimm.s32 $0x7FFFFFFF;
	vm0 =	vgt.f32 v21, v19  }
.LBB2_7:
0x110: {  	p1 =	sne.s32 s22, $0x1;
	s22 =	sadd.s32 $0xFFFFFFFF, s22;
	v22 =	vsel vm0, v21, v22;
	v21 =	vld [tilespmem:s23+$0x0];
	v23 =	vsel vm0, v24, v23;
	v25 =	vsel vm0, v26, v25;
	s20 =	sadd.s32 $0x10, s20  }
.Ltmp6:
0x111: {  	v24 =	vld [tilespmem:s20+$0x0];
	(pc) =	sbr.rel @p1 .LBB2_7-.Ltmp6, $3  }
0x112: {  	_ =	sdelay $0x1  }
0x113: {  	s21 =	sadd.s32 $0x10, s21  }
0x114: {  	s23 =	sadd.s32 $0x10, s23;
	v26 =	vor.u32 s21, v1;
	vm0 =	vgt.f32 v21, v22  }
.LBB2_8:
0x115: {  	v26 =	vsel vm0, v26, v25  }
0x116: {  	v25 =	vsel vm0, v21, v22;
	v21 =	vsel vm0, v24, v23;
	v22 =	vxor.u32 $0x80000000, v26  }
.LBB2_9:
0x117: {  	(xrf0) =	vmax.scan.msk.f32 $0xffff, v25;
	_ =	sdelay $0x5  }
0x118: {  	v23, _, _ =	vpop (xrf0)  }
0x119: {  	v23 =	vbroadcast v23, $0xF;
	_ =	sdelay $0x1  }
0x11a: {  	vm0 =	veq.f32 v25, v23;
	v23 =	vxor.u32 $0x80000000, v21  }
0x11b: {  	v23 =	vnsel vm0, $0xFFFFFFFF, v23  }
0x11c: {  	(xrf0) =	vmin.scan.msk.u32 $0xffff, v23;
	_ =	sdelay $0x5  }
0x11d: {  	v23, _, _ =	vpop (xrf0)  }
0x11e: {  	(v2sf) =	vpush v23, $0xF;
	_ =	sdelay $0xe  }
0x11f: {  	s20 =	spop (v2sf)  }
0x120: {  	s20 =	sxor.u32 $0x80000000, s20  }
0x121: {  	vm1 =	veq.s32 v21, s20  }
0x122: {  	vm0 =	vmand vm0, vm1  }
0x123: {  	v21 =	vnsel vm0, $0xFFFFFFFF, v22  }
0x124: {  	(xrf0) =	vmin.scan.msk.u32 $0xffff, v21;
	_ =	sdelay $0x5  }
0x125: {  	v21, _, _ =	vpop (xrf0)  }
0x126: {  	(v2sf) =	vpush v21, $0xF;
	_ =	sdelay $0xe  }
0x127: {  	s21 =	spop (v2sf)  }
0x128: {  	s21 =	sxor.u32 $0x80000000, s21  }
0x129: {  	v21 =	vmov s21  }
.Ltmp7:
0x12a: {  	_ = 	snop;
	(pc) =	sbr.rel @p0 .LBB2_13-.Ltmp7, $4  }
0x12b: {  	s20 =	sadd.s32 s5, s20  }
0x12c: {  	v22 =	vmov s20  }
0x12d: {  	s20 =	simm.s32 $0x2000;
	[tilespmem:v0+s14+$0x0] =	vst.idx.msk $0x1, v22  }
0x12e: {  	[tilespmem:v21+s20+$0x0] =	vst.idx.msk $0x1, v19  }
0x12f: {  	v20 =	vld [tilespmem:s20+$0x0];
	s21 =	simm.s32 $0x4080;
	p1 =	sne.s32 s19, $0x1  }
.Ltmp8:
0x130: {  	v21 =	vld [tilespmem:s21+$0x0];
	(pc) =	sbr.rel @!p1 .LBB2_12-.Ltmp8, $3  }
0x131: {  	_ =	sdelay $0x1  }
0x132: {  	s22 =	simm.s32 $0x0  }
0x133: {  	s23 =	sadd.s32 $0xFFFFFFFF, s19;
	s24 =	simm.s32 $0x2010;
	v22 =	vimm.s32 $0x7FFFFFFF;
	v23 =	vor.u32 s22, v1;
	vm0 =	vgt.f32 v20, v19  }
.LBB2_11:
0x134: {  	p1 =	sne.s32 s23, $0x1;
	s23 =	sadd.s32 $0xFFFFFFFF, s23;
	v19 =	vsel vm0, v20, v19;
	v20 =	vld [tilespmem:s24+$0x0];
	v18 =	vsel vm0, v21, v18;
	v22 =	vsel vm0, v23, v22;
	s21 =	sadd.s32 $0x10, s21  }
.Ltmp9:
0x135: {  	v21 =	vld [tilespmem:s21+$0x0];
	(pc) =	sbr.rel @p1 .LBB2_11-.Ltmp9, $3  }
0x136: {  	_ =	sdelay $0x1  }
0x137: {  	s22 =	sadd.s32 $0x10, s22  }
0x138: {  	s24 =	sadd.s32 $0x10, s24;
	v23 =	vor.u32 s22, v1;
	vm0 =	vgt.f32 v20, v19  }
.LBB2_12:
0x139: {  	v22 =	vsel vm0, v23, v22  }
0x13a: {  	v19 =	vsel vm0, v20, v19;
	v18 =	vsel vm0, v21, v18;
	v20 =	vxor.u32 $0x80000000, v22  }
.LBB2_13:
0x13b: {  	(xrf0) =	vmax.scan.msk.f32 $0xffff, v19;
	_ =	sdelay $0x5  }
0x13c: {  	v21, _, _ =	vpop (xrf0)  }
0x13d: {  	v21 =	vbroadcast v21, $0xF;
	_ =	sdelay $0x1  }
0x13e: {  	vm0 =	veq.f32 v19, v21;
	v19 =	vxor.u32 $0x80000000, v18  }
0x13f: {  	v19 =	vnsel vm0, $0xFFFFFFFF, v19  }
0x140: {  	(xrf0) =	vmin.scan.msk.u32 $0xffff, v19;
	_ =	sdelay $0x5  }
0x141: {  	v19, _, _ =	vpop (xrf0)  }
0x142: {  	(v2sf) =	vpush v19, $0xF;
	_ =	sdelay $0xe  }
0x143: {  	s21 =	spop (v2sf)  }
0x144: {  	s21 =	sxor.u32 $0x80000000, s21  }
0x145: {  	vm1 =	veq.s32 v18, s21  }
0x146: {  	vm0 =	vmand vm0, vm1  }
0x147: {  	v18 =	vnsel vm0, $0xFFFFFFFF, v20  }
0x148: {  	(xrf0) =	vmin.scan.msk.u32 $0xffff, v18;
	_ =	sdelay $0x5  }
0x149: {  	v18, _, _ =	vpop (xrf0)  }
0x14a: {  	(v2sf) =	vpush v18, $0xF;
	_ =	sdelay $0xe  }
0x14b: {  	s22 =	spop (v2sf)  }
0x14c: {  	v2 =	vimm.s32 $0x1;
	s22 =	sxor.u32 $0x80000000, s22  }
0x14d: {  	v21 =	vmov s22  }
.Ltmp10:
0x14e: {  	_ = 	snop;
	(pc) =	sbr.rel @p0 .LBB2_17-.Ltmp10, $4  }
0x14f: {  	s21 =	sadd.s32 s5, s21  }
0x150: {  	v18 =	vmov s21  }
0x151: {  	v25 =	vimm.f32 $-Inf;
	v22 =	vimm.s32 $0xFFFFFFFF;
	v19 =	vimm.f32 $-Inf;
	[tilespmem:v2+s14+$0x0] =	vst.idx.msk $0x1, v18  }
0x152: {  	v20 =	vimm.s32 $0xFFFFFFFF;
	v18 =	vimm.s32 $0x7FFFFFFF;
	[tilespmem:v21+s20+$0x0] =	vst.idx.msk $0x1, v19;
	v21 =	vimm.s32 $0x7FFFFFFF  }
0x153: {  	v21 =	vld [tilespmem:s20+$0x0];
	s21 =	simm.s32 $0x4080;
	p1 =	sne.s32 s19, $0x1  }
.Ltmp11:
0x154: {  	v24 =	vld [tilespmem:s21+$0x0];
	(pc) =	sbr.rel @!p1 .LBB2_16-.Ltmp11, $3  }
0x155: {  	_ =	sdelay $0x1  }
0x156: {  	s20 =	simm.s32 $0x0;
	v22 =	vimm.f32 $-Inf;
	v23 =	vimm.s32 $0x7FFFFFFF  }
0x157: {  	s22 =	sadd.s32 $0xFFFFFFFF, s19;
	s23 =	simm.s32 $0x2010;
	v25 =	vimm.s32 $0x7FFFFFFF;
	v26 =	vor.u32 s20, v1;
	vm0 =	vgt.f32 v21, v19  }
.LBB2_15:
0x158: {  	p1 =	sne.s32 s22, $0x1;
	s22 =	sadd.s32 $0xFFFFFFFF, s22;
	v22 =	vsel vm0, v21, v22;
	v21 =	vld [tilespmem:s23+$0x0];
	v23 =	vsel vm0, v24, v23;
	v25 =	vsel vm0, v26, v25;
	s21 =	sadd.s32 $0x10, s21  }
.Ltmp12:
0x159: {  	v24 =	vld [tilespmem:s21+$0x0];
	(pc) =	sbr.rel @p1 .LBB2_15-.Ltmp12, $3  }
0x15a: {  	_ =	sdelay $0x1  }
0x15b: {  	s20 =	sadd.s32 $0x10, s20  }
0x15c: {  	s23 =	sadd.s32 $0x10, s23;
	v26 =	vor.u32 s20, v1;
	vm0 =	vgt.f32 v21, v22  }
.LBB2_16:
0x15d: {  	v26 =	vsel vm0, v26, v25  }
0x15e: {  	v25 =	vsel vm0, v21, v22;
	v21 =	vsel vm0, v24, v23;
	v22 =	vxor.u32 $0x80000000, v26  }
.LBB2_17:
0x15f: {  	(xrf0) =	vmax.scan.msk.f32 $0xffff, v25;
	_ =	sdelay $0x5  }
0x160: {  	v23, _, _ =	vpop (xrf0)  }
0x161: {  	v23 =	vbroadcast v23, $0xF;
	_ =	sdelay $0x1  }
0x162: {  	vm0 =	veq.f32 v25, v23;
	v23 =	vxor.u32 $0x80000000, v21  }
0x163: {  	v23 =	vnsel vm0, $0xFFFFFFFF, v23  }
0x164: {  	(xrf0) =	vmin.scan.msk.u32 $0xffff, v23;
	_ =	sdelay $0x5  }
0x165: {  	v23, _, _ =	vpop (xrf0)  }
0x166: {  	(v2sf) =	vpush v23, $0xF;
	_ =	sdelay $0xe  }
0x167: {  	s20 =	spop (v2sf)  }
0x168: {  	s20 =	sxor.u32 $0x80000000, s20  }
0x169: {  	vm1 =	veq.s32 v21, s20  }
0x16a: {  	vm0 =	vmand vm0, vm1  }
0x16b: {  	v21 =	vnsel vm0, $0xFFFFFFFF, v22  }
0x16c: {  	(xrf0) =	vmin.scan.msk.u32 $0xffff, v21;
	_ =	sdelay $0x5  }
0x16d: {  	v21, _, _ =	vpop (xrf0)  }
0x16e: {  	(v2sf) =	vpush v21, $0xF;
	_ =	sdelay $0xe  }
0x16f: {  	s21 =	spop (v2sf)  }
0x170: {  	v2 =	vimm.s32 $0x2;
	s21 =	sxor.u32 $0x80000000, s21  }
0x171: {  	v21 =	vmov s21  }
.Ltmp13:
0x172: {  	_ = 	snop;
	(pc) =	sbr.rel @p0 .LBB2_21-.Ltmp13, $4  }
0x173: {  	s20 =	sadd.s32 s5, s20  }
0x174: {  	v22 =	vmov s20  }
0x175: {  	s20 =	simm.s32 $0x2000;
	[tilespmem:v2+s14+$0x0] =	vst.idx.msk $0x1, v22  }
0x176: {  	[tilespmem:v21+s20+$0x0] =	vst.idx.msk $0x1, v19  }
0x177: {  	v20 =	vld [tilespmem:s20+$0x0];
	s21 =	simm.s32 $0x4080;
	p1 =	sne.s32 s19, $0x1  }
.Ltmp14:
0x178: {  	v21 =	vld [tilespmem:s21+$0x0];
	(pc) =	sbr.rel @!p1 .LBB2_20-.Ltmp14, $3  }
0x179: {  	_ =	sdelay $0x1  }
0x17a: {  	s22 =	simm.s32 $0x0  }
0x17b: {  	s23 =	sadd.s32 $0xFFFFFFFF, s19;
	s24 =	simm.s32 $0x2010;
	v22 =	vimm.s32 $0x7FFFFFFF;
	v23 =	vor.u32 s22, v1;
	vm0 =	vgt.f32 v20, v19  }
.LBB2_19:
0x17c: {  	p1 =	sne.s32 s23, $0x1;
	s23 =	sadd.s32 $0xFFFFFFFF, s23;
	v19 =	vsel vm0, v20, v19;
	v20 =	vld [tilespmem:s24+$0x0];
	v18 =	vsel vm0, v21, v18;
	v22 =	vsel vm0, v23, v22;
	s21 =	sadd.s32 $0x10, s21  }
.Ltmp15:
0x17d: {  	v21 =	vld [tilespmem:s21+$0x0];
	(pc) =	sbr.rel @p1 .LBB2_19-.Ltmp15, $3  }
0x17e: {  	_ =	sdelay $0x1  }
0x17f: {  	s22 =	sadd.s32 $0x10, s22  }
0x180: {  	s24 =	sadd.s32 $0x10, s24;
	v23 =	vor.u32 s22, v1;
	vm0 =	vgt.f32 v20, v19  }
.LBB2_20:
0x181: {  	v22 =	vsel vm0, v23, v22  }
0x182: {  	v19 =	vsel vm0, v20, v19;
	v18 =	vsel vm0, v21, v18;
	v20 =	vxor.u32 $0x80000000, v22  }
.LBB2_21:
0x183: {  	(xrf0) =	vmax.scan.msk.f32 $0xffff, v19;
	_ =	sdelay $0x5  }
0x184: {  	v21, _, _ =	vpop (xrf0)  }
0x185: {  	v21 =	vbroadcast v21, $0xF;
	_ =	sdelay $0x1  }
0x186: {  	vm0 =	veq.f32 v19, v21;
	v19 =	vxor.u32 $0x80000000, v18  }
0x187: {  	v19 =	vnsel vm0, $0xFFFFFFFF, v19  }
0x188: {  	(xrf0) =	vmin.scan.msk.u32 $0xffff, v19;
	_ =	sdelay $0x5  }
0x189: {  	v19, _, _ =	vpop (xrf0)  }
0x18a: {  	(v2sf) =	vpush v19, $0xF;
	_ =	sdelay $0xe  }
0x18b: {  	s21 =	spop (v2sf)  }
0x18c: {  	s21 =	sxor.u32 $0x80000000, s21  }
0x18d: {  	vm1 =	veq.s32 v18, s21  }
0x18e: {  	vm0 =	vmand vm0, vm1  }
0x18f: {  	v18 =	vnsel vm0, $0xFFFFFFFF, v20  }
0x190: {  	(xrf0) =	vmin.scan.msk.u32 $0xffff, v18;
	_ =	sdelay $0x5  }
0x191: {  	v18, _, _ =	vpop (xrf0)  }
0x192: {  	(v2sf) =	vpush v18, $0xF;
	_ =	sdelay $0xe  }
0x193: {  	s22 =	spop (v2sf)  }
0x194: {  	v2 =	vimm.s32 $0x3;
	s22 =	sxor.u32 $0x80000000, s22  }
0x195: {  	v21 =	vmov s22  }
.Ltmp16:
0x196: {  	_ = 	snop;
	(pc) =	sbr.rel @p0 .LBB2_25-.Ltmp16, $4  }
0x197: {  	s21 =	sadd.s32 s5, s21  }
0x198: {  	v18 =	vmov s21  }
0x199: {  	v25 =	vimm.f32 $-Inf;
	v22 =	vimm.s32 $0xFFFFFFFF;
	v19 =	vimm.f32 $-Inf;
	[tilespmem:v2+s14+$0x0] =	vst.idx.msk $0x1, v18  }
0x19a: {  	v20 =	vimm.s32 $0xFFFFFFFF;
	v18 =	vimm.s32 $0x7FFFFFFF;
	[tilespmem:v21+s20+$0x0] =	vst.idx.msk $0x1, v19;
	v21 =	vimm.s32 $0x7FFFFFFF  }
0x19b: {  	v21 =	vld [tilespmem:s20+$0x0];
	s21 =	simm.s32 $0x4080;
	p1 =	sne.s32 s19, $0x1  }
.Ltmp17:
0x19c: {  	v24 =	vld [tilespmem:s21+$0x0];
	(pc) =	sbr.rel @!p1 .LBB2_24-.Ltmp17, $3  }
0x19d: {  	_ =	sdelay $0x1  }
0x19e: {  	s20 =	simm.s32 $0x0;
	v22 =	vimm.f32 $-Inf;
	v23 =	vimm.s32 $0x7FFFFFFF  }
0x19f: {  	s22 =	sadd.s32 $0xFFFFFFFF, s19;
	s23 =	simm.s32 $0x2010;
	v25 =	vimm.s32 $0x7FFFFFFF;
	v26 =	vor.u32 s20, v1;
	vm0 =	vgt.f32 v21, v19  }
.LBB2_23:
0x1a0: {  	p1 =	sne.s32 s22, $0x1;
	s22 =	sadd.s32 $0xFFFFFFFF, s22;
	v22 =	vsel vm0, v21, v22;
	v21 =	vld [tilespmem:s23+$0x0];
	v23 =	vsel vm0, v24, v23;
	v25 =	vsel vm0, v26, v25;
	s21 =	sadd.s32 $0x10, s21  }
.Ltmp18:
0x1a1: {  	v24 =	vld [tilespmem:s21+$0x0];
	(pc) =	sbr.rel @p1 .LBB2_23-.Ltmp18, $3  }
0x1a2: {  	_ =	sdelay $0x1  }
0x1a3: {  	s20 =	sadd.s32 $0x10, s20  }
0x1a4: {  	s23 =	sadd.s32 $0x10, s23;
	v26 =	vor.u32 s20, v1;
	vm0 =	vgt.f32 v21, v22  }
.LBB2_24:
0x1a5: {  	v26 =	vsel vm0, v26, v25  }
0x1a6: {  	v25 =	vsel vm0, v21, v22;
	v21 =	vsel vm0, v24, v23;
	v22 =	vxor.u32 $0x80000000, v26  }
.LBB2_25:
0x1a7: {  	(xrf0) =	vmax.scan.msk.f32 $0xffff, v25;
	_ =	sdelay $0x5  }
0x1a8: {  	v23, _, _ =	vpop (xrf0)  }
0x1a9: {  	v23 =	vbroadcast v23, $0xF;
	_ =	sdelay $0x1  }
0x1aa: {  	vm0 =	veq.f32 v25, v23;
	v23 =	vxor.u32 $0x80000000, v21  }
0x1ab: {  	v23 =	vnsel vm0, $0xFFFFFFFF, v23  }
0x1ac: {  	(xrf0) =	vmin.scan.msk.u32 $0xffff, v23;
	_ =	sdelay $0x5  }
0x1ad: {  	v23, _, _ =	vpop (xrf0)  }
0x1ae: {  	(v2sf) =	vpush v23, $0xF;
	_ =	sdelay $0xe  }
0x1af: {  	s20 =	spop (v2sf)  }
0x1b0: {  	s20 =	sxor.u32 $0x80000000, s20  }
0x1b1: {  	vm1 =	veq.s32 v21, s20  }
0x1b2: {  	vm0 =	vmand vm0, vm1  }
0x1b3: {  	v21 =	vnsel vm0, $0xFFFFFFFF, v22  }
0x1b4: {  	(xrf0) =	vmin.scan.msk.u32 $0xffff, v21;
	_ =	sdelay $0x5  }
0x1b5: {  	v21, _, _ =	vpop (xrf0)  }
0x1b6: {  	(v2sf) =	vpush v21, $0xF;
	_ =	sdelay $0xe  }
0x1b7: {  	s21 =	spop (v2sf)  }
0x1b8: {  	v2 =	vimm.s32 $0x4;
	s21 =	sxor.u32 $0x80000000, s21  }
0x1b9: {  	v21 =	vmov s21  }
.Ltmp19:
0x1ba: {  	_ = 	snop;
	(pc) =	sbr.rel @p0 .LBB2_29-.Ltmp19, $4  }
0x1bb: {  	s20 =	sadd.s32 s5, s20  }
0x1bc: {  	v22 =	vmov s20  }
0x1bd: {  	s20 =	simm.s32 $0x2000;
	[tilespmem:v2+s14+$0x0] =	vst.idx.msk $0x1, v22  }
0x1be: {  	[tilespmem:v21+s20+$0x0] =	vst.idx.msk $0x1, v19  }
0x1bf: {  	v20 =	vld [tilespmem:s20+$0x0];
	s21 =	simm.s32 $0x4080;
	p1 =	sne.s32 s19, $0x1  }
.Ltmp20:
0x1c0: {  	v21 =	vld [tilespmem:s21+$0x0];
	(pc) =	sbr.rel @!p1 .LBB2_28-.Ltmp20, $3  }
0x1c1: {  	_ =	sdelay $0x1  }
0x1c2: {  	s22 =	simm.s32 $0x0  }
0x1c3: {  	s23 =	sadd.s32 $0xFFFFFFFF, s19;
	s24 =	simm.s32 $0x2010;
	v22 =	vimm.s32 $0x7FFFFFFF;
	v23 =	vor.u32 s22, v1;
	vm0 =	vgt.f32 v20, v19  }
.LBB2_27:
0x1c4: {  	p1 =	sne.s32 s23, $0x1;
	s23 =	sadd.s32 $0xFFFFFFFF, s23;
	v19 =	vsel vm0, v20, v19;
	v20 =	vld [tilespmem:s24+$0x0];
	v18 =	vsel vm0, v21, v18;
	v22 =	vsel vm0, v23, v22;
	s21 =	sadd.s32 $0x10, s21  }
.Ltmp21:
0x1c5: {  	v21 =	vld [tilespmem:s21+$0x0];
	(pc) =	sbr.rel @p1 .LBB2_27-.Ltmp21, $3  }
0x1c6: {  	_ =	sdelay $0x1  }
0x1c7: {  	s22 =	sadd.s32 $0x10, s22  }
0x1c8: {  	s24 =	sadd.s32 $0x10, s24;
	v23 =	vor.u32 s22, v1;
	vm0 =	vgt.f32 v20, v19  }
.LBB2_28:
0x1c9: {  	v22 =	vsel vm0, v23, v22  }
0x1ca: {  	v19 =	vsel vm0, v20, v19;
	v18 =	vsel vm0, v21, v18;
	v20 =	vxor.u32 $0x80000000, v22  }
.LBB2_29:
0x1cb: {  	(xrf0) =	vmax.scan.msk.f32 $0xffff, v19;
	_ =	sdelay $0x5  }
0x1cc: {  	v21, _, _ =	vpop (xrf0)  }
0x1cd: {  	v21 =	vbroadcast v21, $0xF;
	_ =	sdelay $0x1  }
0x1ce: {  	vm0 =	veq.f32 v19, v21;
	v19 =	vxor.u32 $0x80000000, v18  }
0x1cf: {  	v19 =	vnsel vm0, $0xFFFFFFFF, v19  }
0x1d0: {  	(xrf0) =	vmin.scan.msk.u32 $0xffff, v19;
	_ =	sdelay $0x5  }
0x1d1: {  	v19, _, _ =	vpop (xrf0)  }
0x1d2: {  	(v2sf) =	vpush v19, $0xF;
	_ =	sdelay $0xe  }
0x1d3: {  	s21 =	spop (v2sf)  }
0x1d4: {  	s21 =	sxor.u32 $0x80000000, s21  }
0x1d5: {  	vm1 =	veq.s32 v18, s21  }
0x1d6: {  	vm0 =	vmand vm0, vm1  }
0x1d7: {  	v18 =	vnsel vm0, $0xFFFFFFFF, v20  }
0x1d8: {  	(xrf0) =	vmin.scan.msk.u32 $0xffff, v18;
	_ =	sdelay $0x5  }
0x1d9: {  	v18, _, _ =	vpop (xrf0)  }
0x1da: {  	(v2sf) =	vpush v18, $0xF;
	_ =	sdelay $0xe  }
0x1db: {  	s22 =	spop (v2sf)  }
0x1dc: {  	v2 =	vimm.s32 $0x5;
	s22 =	sxor.u32 $0x80000000, s22  }
0x1dd: {  	v21 =	vmov s22  }
.Ltmp22:
0x1de: {  	_ = 	snop;
	(pc) =	sbr.rel @p0 .LBB2_33-.Ltmp22, $4  }
0x1df: {  	s21 =	sadd.s32 s5, s21  }
0x1e0: {  	v18 =	vmov s21  }
0x1e1: {  	v25 =	vimm.f32 $-Inf;
	v22 =	vimm.s32 $0xFFFFFFFF;
	v19 =	vimm.f32 $-Inf;
	[tilespmem:v2+s14+$0x0] =	vst.idx.msk $0x1, v18  }
0x1e2: {  	v20 =	vimm.s32 $0xFFFFFFFF;
	v18 =	vimm.s32 $0x7FFFFFFF;
	[tilespmem:v21+s20+$0x0] =	vst.idx.msk $0x1, v19;
	v21 =	vimm.s32 $0x7FFFFFFF  }
0x1e3: {  	v21 =	vld [tilespmem:s20+$0x0];
	s21 =	simm.s32 $0x4080;
	p1 =	sne.s32 s19, $0x1  }
.Ltmp23:
0x1e4: {  	v24 =	vld [tilespmem:s21+$0x0];
	(pc) =	sbr.rel @!p1 .LBB2_32-.Ltmp23, $3  }
0x1e5: {  	_ =	sdelay $0x1  }
0x1e6: {  	s20 =	simm.s32 $0x0;
	v22 =	vimm.f32 $-Inf;
	v23 =	vimm.s32 $0x7FFFFFFF  }
0x1e7: {  	s22 =	sadd.s32 $0xFFFFFFFF, s19;
	s23 =	simm.s32 $0x2010;
	v25 =	vimm.s32 $0x7FFFFFFF;
	v26 =	vor.u32 s20, v1;
	vm0 =	vgt.f32 v21, v19  }
.LBB2_31:
0x1e8: {  	p1 =	sne.s32 s22, $0x1;
	s22 =	sadd.s32 $0xFFFFFFFF, s22;
	v22 =	vsel vm0, v21, v22;
	v21 =	vld [tilespmem:s23+$0x0];
	v23 =	vsel vm0, v24, v23;
	v25 =	vsel vm0, v26, v25;
	s21 =	sadd.s32 $0x10, s21  }
.Ltmp24:
0x1e9: {  	v24 =	vld [tilespmem:s21+$0x0];
	(pc) =	sbr.rel @p1 .LBB2_31-.Ltmp24, $3  }
0x1ea: {  	_ =	sdelay $0x1  }
0x1eb: {  	s20 =	sadd.s32 $0x10, s20  }
0x1ec: {  	s23 =	sadd.s32 $0x10, s23;
	v26 =	vor.u32 s20, v1;
	vm0 =	vgt.f32 v21, v22  }
.LBB2_32:
0x1ed: {  	v26 =	vsel vm0, v26, v25  }
0x1ee: {  	v25 =	vsel vm0, v21, v22;
	v21 =	vsel vm0, v24, v23;
	v22 =	vxor.u32 $0x80000000, v26  }
.LBB2_33:
0x1ef: {  	(xrf0) =	vmax.scan.msk.f32 $0xffff, v25;
	_ =	sdelay $0x5  }
0x1f0: {  	v23, _, _ =	vpop (xrf0)  }
0x1f1: {  	v23 =	vbroadcast v23, $0xF;
	_ =	sdelay $0x1  }
0x1f2: {  	vm0 =	veq.f32 v25, v23;
	v23 =	vxor.u32 $0x80000000, v21  }
0x1f3: {  	v23 =	vnsel vm0, $0xFFFFFFFF, v23  }
0x1f4: {  	(xrf0) =	vmin.scan.msk.u32 $0xffff, v23;
	_ =	sdelay $0x5  }
0x1f5: {  	v23, _, _ =	vpop (xrf0)  }
0x1f6: {  	(v2sf) =	vpush v23, $0xF;
	_ =	sdelay $0xe  }
0x1f7: {  	s20 =	spop (v2sf)  }
0x1f8: {  	s20 =	sxor.u32 $0x80000000, s20  }
0x1f9: {  	vm1 =	veq.s32 v21, s20  }
0x1fa: {  	vm0 =	vmand vm0, vm1  }
0x1fb: {  	v21 =	vnsel vm0, $0xFFFFFFFF, v22  }
0x1fc: {  	(xrf0) =	vmin.scan.msk.u32 $0xffff, v21;
	_ =	sdelay $0x5  }
0x1fd: {  	v21, _, _ =	vpop (xrf0)  }
0x1fe: {  	(v2sf) =	vpush v21, $0xF;
	_ =	sdelay $0xe  }
0x1ff: {  	s21 =	spop (v2sf)  }
0x200: {  	v2 =	vimm.s32 $0x6;
	s21 =	sxor.u32 $0x80000000, s21  }
0x201: {  	v21 =	vmov s21  }
.Ltmp25:
0x202: {  	_ = 	snop;
	(pc) =	sbr.rel @p0 .LBB2_37-.Ltmp25, $4  }
0x203: {  	s20 =	sadd.s32 s5, s20  }
0x204: {  	v22 =	vmov s20  }
0x205: {  	s20 =	simm.s32 $0x2000;
	[tilespmem:v2+s14+$0x0] =	vst.idx.msk $0x1, v22  }
0x206: {  	[tilespmem:v21+s20+$0x0] =	vst.idx.msk $0x1, v19  }
0x207: {  	v20 =	vld [tilespmem:s20+$0x0];
	s21 =	simm.s32 $0x4080;
	p1 =	sne.s32 s19, $0x1  }
.Ltmp26:
0x208: {  	v21 =	vld [tilespmem:s21+$0x0];
	(pc) =	sbr.rel @!p1 .LBB2_36-.Ltmp26, $3  }
0x209: {  	_ =	sdelay $0x1  }
0x20a: {  	s22 =	simm.s32 $0x0  }
0x20b: {  	s23 =	sadd.s32 $0xFFFFFFFF, s19;
	s24 =	simm.s32 $0x2010;
	v22 =	vimm.s32 $0x7FFFFFFF;
	v23 =	vor.u32 s22, v1;
	vm0 =	vgt.f32 v20, v19  }
.LBB2_35:
0x20c: {  	p1 =	sne.s32 s23, $0x1;
	s23 =	sadd.s32 $0xFFFFFFFF, s23;
	v19 =	vsel vm0, v20, v19;
	v20 =	vld [tilespmem:s24+$0x0];
	v18 =	vsel vm0, v21, v18;
	v22 =	vsel vm0, v23, v22;
	s21 =	sadd.s32 $0x10, s21  }
.Ltmp27:
0x20d: {  	v21 =	vld [tilespmem:s21+$0x0];
	(pc) =	sbr.rel @p1 .LBB2_35-.Ltmp27, $3  }
0x20e: {  	_ =	sdelay $0x1  }
0x20f: {  	s22 =	sadd.s32 $0x10, s22  }
0x210: {  	s24 =	sadd.s32 $0x10, s24;
	v23 =	vor.u32 s22, v1;
	vm0 =	vgt.f32 v20, v19  }
.LBB2_36:
0x211: {  	v22 =	vsel vm0, v23, v22  }
0x212: {  	v19 =	vsel vm0, v20, v19;
	v18 =	vsel vm0, v21, v18;
	v20 =	vxor.u32 $0x80000000, v22  }
.LBB2_37:
0x213: {  	(xrf0) =	vmax.scan.msk.f32 $0xffff, v19;
	_ =	sdelay $0x5  }
0x214: {  	v21, _, _ =	vpop (xrf0)  }
0x215: {  	v21 =	vbroadcast v21, $0xF;
	_ =	sdelay $0x1  }
0x216: {  	vm0 =	veq.f32 v19, v21;
	v19 =	vxor.u32 $0x80000000, v18  }
0x217: {  	v19 =	vnsel vm0, $0xFFFFFFFF, v19  }
0x218: {  	(xrf0) =	vmin.scan.msk.u32 $0xffff, v19;
	_ =	sdelay $0x5  }
0x219: {  	v19, _, _ =	vpop (xrf0)  }
0x21a: {  	(v2sf) =	vpush v19, $0xF;
	_ =	sdelay $0xe  }
0x21b: {  	s21 =	spop (v2sf)  }
0x21c: {  	s21 =	sxor.u32 $0x80000000, s21  }
0x21d: {  	vm1 =	veq.s32 v18, s21  }
0x21e: {  	vm0 =	vmand vm0, vm1  }
0x21f: {  	v18 =	vnsel vm0, $0xFFFFFFFF, v20  }
0x220: {  	(xrf0) =	vmin.scan.msk.u32 $0xffff, v18;
	_ =	sdelay $0x5  }
0x221: {  	v18, _, _ =	vpop (xrf0)  }
0x222: {  	(v2sf) =	vpush v18, $0xF;
	_ =	sdelay $0xe  }
0x223: {  	s22 =	spop (v2sf)  }
0x224: {  	v2 =	vimm.s32 $0x7;
	s22 =	sxor.u32 $0x80000000, s22  }
0x225: {  	v21 =	vmov s22  }
.Ltmp28:
0x226: {  	_ = 	snop;
	(pc) =	sbr.rel @p0 .LBB2_41-.Ltmp28, $4  }
0x227: {  	s21 =	sadd.s32 s5, s21  }
0x228: {  	v18 =	vmov s21  }
0x229: {  	v25 =	vimm.f32 $-Inf;
	v22 =	vimm.s32 $0xFFFFFFFF;
	v19 =	vimm.f32 $-Inf;
	[tilespmem:v2+s14+$0x0] =	vst.idx.msk $0x1, v18  }
0x22a: {  	v20 =	vimm.s32 $0xFFFFFFFF;
	v18 =	vimm.s32 $0x7FFFFFFF;
	[tilespmem:v21+s20+$0x0] =	vst.idx.msk $0x1, v19;
	v21 =	vimm.s32 $0x7FFFFFFF  }
0x22b: {  	v21 =	vld [tilespmem:s20+$0x0];
	s21 =	simm.s32 $0x4080;
	p1 =	sne.s32 s19, $0x1  }
.Ltmp29:
0x22c: {  	v24 =	vld [tilespmem:s21+$0x0];
	(pc) =	sbr.rel @!p1 .LBB2_40-.Ltmp29, $3  }
0x22d: {  	_ =	sdelay $0x1  }
0x22e: {  	s20 =	simm.s32 $0x0;
	v22 =	vimm.f32 $-Inf;
	v23 =	vimm.s32 $0x7FFFFFFF  }
0x22f: {  	s22 =	sadd.s32 $0xFFFFFFFF, s19;
	s23 =	simm.s32 $0x2010;
	v25 =	vimm.s32 $0x7FFFFFFF;
	v26 =	vor.u32 s20, v1;
	vm0 =	vgt.f32 v21, v19  }
.LBB2_39:
0x230: {  	p1 =	sne.s32 s22, $0x1;
	s22 =	sadd.s32 $0xFFFFFFFF, s22;
	v22 =	vsel vm0, v21, v22;
	v21 =	vld [tilespmem:s23+$0x0];
	v23 =	vsel vm0, v24, v23;
	v25 =	vsel vm0, v26, v25;
	s21 =	sadd.s32 $0x10, s21  }
.Ltmp30:
0x231: {  	v24 =	vld [tilespmem:s21+$0x0];
	(pc) =	sbr.rel @p1 .LBB2_39-.Ltmp30, $3  }
0x232: {  	_ =	sdelay $0x1  }
0x233: {  	s20 =	sadd.s32 $0x10, s20  }
0x234: {  	s23 =	sadd.s32 $0x10, s23;
	v26 =	vor.u32 s20, v1;
	vm0 =	vgt.f32 v21, v22  }
.LBB2_40:
0x235: {  	v26 =	vsel vm0, v26, v25  }
0x236: {  	v25 =	vsel vm0, v21, v22;
	v21 =	vsel vm0, v24, v23;
	v22 =	vxor.u32 $0x80000000, v26  }
.LBB2_41:
0x237: {  	(xrf0) =	vmax.scan.msk.f32 $0xffff, v25;
	_ =	sdelay $0x5  }
0x238: {  	v23, _, _ =	vpop (xrf0)  }
0x239: {  	v23 =	vbroadcast v23, $0xF;
	_ =	sdelay $0x1  }
0x23a: {  	vm0 =	veq.f32 v25, v23;
	v23 =	vxor.u32 $0x80000000, v21  }
0x23b: {  	v23 =	vnsel vm0, $0xFFFFFFFF, v23  }
0x23c: {  	(xrf0) =	vmin.scan.msk.u32 $0xffff, v23;
	_ =	sdelay $0x5  }
0x23d: {  	v23, _, _ =	vpop (xrf0)  }
0x23e: {  	(v2sf) =	vpush v23, $0xF;
	_ =	sdelay $0xe  }
0x23f: {  	s20 =	spop (v2sf)  }
0x240: {  	s20 =	sxor.u32 $0x80000000, s20  }
0x241: {  	vm1 =	veq.s32 v21, s20  }
0x242: {  	vm0 =	vmand vm0, vm1  }
0x243: {  	v21 =	vnsel vm0, $0xFFFFFFFF, v22  }
0x244: {  	(xrf0) =	vmin.scan.msk.u32 $0xffff, v21;
	_ =	sdelay $0x5  }
0x245: {  	v21, _, _ =	vpop (xrf0)  }
0x246: {  	(v2sf) =	vpush v21, $0xF;
	_ =	sdelay $0xe  }
0x247: {  	s21 =	spop (v2sf)  }
0x248: {  	v2 =	vimm.s32 $0x8;
	s21 =	sxor.u32 $0x80000000, s21  }
0x249: {  	v21 =	vmov s21  }
.Ltmp31:
0x24a: {  	_ = 	snop;
	(pc) =	sbr.rel @p0 .LBB2_45-.Ltmp31, $4  }
0x24b: {  	s20 =	sadd.s32 s5, s20  }
0x24c: {  	v22 =	vmov s20  }
0x24d: {  	s20 =	simm.s32 $0x2000;
	[tilespmem:v2+s14+$0x0] =	vst.idx.msk $0x1, v22  }
0x24e: {  	[tilespmem:v21+s20+$0x0] =	vst.idx.msk $0x1, v19  }
0x24f: {  	v20 =	vld [tilespmem:s20+$0x0];
	s21 =	simm.s32 $0x4080;
	p1 =	sne.s32 s19, $0x1  }
.Ltmp32:
0x250: {  	v21 =	vld [tilespmem:s21+$0x0];
	(pc) =	sbr.rel @!p1 .LBB2_44-.Ltmp32, $3  }
0x251: {  	_ =	sdelay $0x1  }
0x252: {  	s22 =	simm.s32 $0x0  }
0x253: {  	s23 =	sadd.s32 $0xFFFFFFFF, s19;
	s24 =	simm.s32 $0x2010;
	v22 =	vimm.s32 $0x7FFFFFFF;
	v23 =	vor.u32 s22, v1;
	vm0 =	vgt.f32 v20, v19  }
.LBB2_43:
0x254: {  	p1 =	sne.s32 s23, $0x1;
	s23 =	sadd.s32 $0xFFFFFFFF, s23;
	v19 =	vsel vm0, v20, v19;
	v20 =	vld [tilespmem:s24+$0x0];
	v18 =	vsel vm0, v21, v18;
	v22 =	vsel vm0, v23, v22;
	s21 =	sadd.s32 $0x10, s21  }
.Ltmp33:
0x255: {  	v21 =	vld [tilespmem:s21+$0x0];
	(pc) =	sbr.rel @p1 .LBB2_43-.Ltmp33, $3  }
0x256: {  	_ =	sdelay $0x1  }
0x257: {  	s22 =	sadd.s32 $0x10, s22  }
0x258: {  	s24 =	sadd.s32 $0x10, s24;
	v23 =	vor.u32 s22, v1;
	vm0 =	vgt.f32 v20, v19  }
.LBB2_44:
0x259: {  	v22 =	vsel vm0, v23, v22  }
0x25a: {  	v19 =	vsel vm0, v20, v19;
	v18 =	vsel vm0, v21, v18;
	v20 =	vxor.u32 $0x80000000, v22  }
.LBB2_45:
0x25b: {  	(xrf0) =	vmax.scan.msk.f32 $0xffff, v19;
	_ =	sdelay $0x5  }
0x25c: {  	v21, _, _ =	vpop (xrf0)  }
0x25d: {  	v21 =	vbroadcast v21, $0xF;
	_ =	sdelay $0x1  }
0x25e: {  	vm0 =	veq.f32 v19, v21;
	v19 =	vxor.u32 $0x80000000, v18  }
0x25f: {  	v19 =	vnsel vm0, $0xFFFFFFFF, v19  }
0x260: {  	(xrf0) =	vmin.scan.msk.u32 $0xffff, v19;
	_ =	sdelay $0x5  }
0x261: {  	v19, _, _ =	vpop (xrf0)  }
0x262: {  	(v2sf) =	vpush v19, $0xF;
	_ =	sdelay $0xe  }
0x263: {  	s21 =	spop (v2sf)  }
0x264: {  	s21 =	sxor.u32 $0x80000000, s21  }
0x265: {  	vm1 =	veq.s32 v18, s21  }
0x266: {  	vm0 =	vmand vm0, vm1  }
0x267: {  	v18 =	vnsel vm0, $0xFFFFFFFF, v20  }
0x268: {  	(xrf0) =	vmin.scan.msk.u32 $0xffff, v18;
	_ =	sdelay $0x5  }
0x269: {  	v18, _, _ =	vpop (xrf0)  }
0x26a: {  	(v2sf) =	vpush v18, $0xF;
	_ =	sdelay $0xe  }
0x26b: {  	s22 =	spop (v2sf)  }
0x26c: {  	v2 =	vimm.s32 $0x9;
	s22 =	sxor.u32 $0x80000000, s22  }
0x26d: {  	v21 =	vmov s22  }
.Ltmp34:
0x26e: {  	_ = 	snop;
	(pc) =	sbr.rel @p0 .LBB2_49-.Ltmp34, $4  }
0x26f: {  	s21 =	sadd.s32 s5, s21  }
0x270: {  	v18 =	vmov s21  }
0x271: {  	v25 =	vimm.f32 $-Inf;
	v22 =	vimm.s32 $0xFFFFFFFF;
	v19 =	vimm.f32 $-Inf;
	[tilespmem:v2+s14+$0x0] =	vst.idx.msk $0x1, v18  }
0x272: {  	v20 =	vimm.s32 $0xFFFFFFFF;
	v18 =	vimm.s32 $0x7FFFFFFF;
	[tilespmem:v21+s20+$0x0] =	vst.idx.msk $0x1, v19;
	v21 =	vimm.s32 $0x7FFFFFFF  }
0x273: {  	v21 =	vld [tilespmem:s20+$0x0];
	s21 =	simm.s32 $0x4080;
	p1 =	sne.s32 s19, $0x1  }
.Ltmp35:
0x274: {  	v24 =	vld [tilespmem:s21+$0x0];
	(pc) =	sbr.rel @!p1 .LBB2_48-.Ltmp35, $3  }
0x275: {  	_ =	sdelay $0x1  }
0x276: {  	s20 =	simm.s32 $0x0;
	v22 =	vimm.f32 $-Inf;
	v23 =	vimm.s32 $0x7FFFFFFF  }
0x277: {  	s22 =	sadd.s32 $0xFFFFFFFF, s19;
	s23 =	simm.s32 $0x2010;
	v25 =	vimm.s32 $0x7FFFFFFF;
	v26 =	vor.u32 s20, v1;
	vm0 =	vgt.f32 v21, v19  }
.LBB2_47:
0x278: {  	p1 =	sne.s32 s22, $0x1;
	s22 =	sadd.s32 $0xFFFFFFFF, s22;
	v22 =	vsel vm0, v21, v22;
	v21 =	vld [tilespmem:s23+$0x0];
	v23 =	vsel vm0, v24, v23;
	v25 =	vsel vm0, v26, v25;
	s21 =	sadd.s32 $0x10, s21  }
.Ltmp36:
0x279: {  	v24 =	vld [tilespmem:s21+$0x0];
	(pc) =	sbr.rel @p1 .LBB2_47-.Ltmp36, $3  }
0x27a: {  	_ =	sdelay $0x1  }
0x27b: {  	s20 =	sadd.s32 $0x10, s20  }
0x27c: {  	s23 =	sadd.s32 $0x10, s23;
	v26 =	vor.u32 s20, v1;
	vm0 =	vgt.f32 v21, v22  }
.LBB2_48:
0x27d: {  	v26 =	vsel vm0, v26, v25  }
0x27e: {  	v25 =	vsel vm0, v21, v22;
	v21 =	vsel vm0, v24, v23;
	v22 =	vxor.u32 $0x80000000, v26  }
.LBB2_49:
0x27f: {  	(xrf0) =	vmax.scan.msk.f32 $0xffff, v25;
	_ =	sdelay $0x5  }
0x280: {  	v23, _, _ =	vpop (xrf0)  }
0x281: {  	v23 =	vbroadcast v23, $0xF;
	_ =	sdelay $0x1  }
0x282: {  	vm0 =	veq.f32 v25, v23;
	v23 =	vxor.u32 $0x80000000, v21  }
0x283: {  	v23 =	vnsel vm0, $0xFFFFFFFF, v23  }
0x284: {  	(xrf0) =	vmin.scan.msk.u32 $0xffff, v23;
	_ =	sdelay $0x5  }
0x285: {  	v23, _, _ =	vpop (xrf0)  }
0x286: {  	(v2sf) =	vpush v23, $0xF;
	_ =	sdelay $0xe  }
0x287: {  	s20 =	spop (v2sf)  }
0x288: {  	s20 =	sxor.u32 $0x80000000, s20  }
0x289: {  	vm1 =	veq.s32 v21, s20  }
0x28a: {  	vm0 =	vmand vm0, vm1  }
0x28b: {  	v21 =	vnsel vm0, $0xFFFFFFFF, v22  }
0x28c: {  	(xrf0) =	vmin.scan.msk.u32 $0xffff, v21;
	_ =	sdelay $0x5  }
0x28d: {  	v21, _, _ =	vpop (xrf0)  }
0x28e: {  	(v2sf) =	vpush v21, $0xF;
	_ =	sdelay $0xe  }
0x28f: {  	s21 =	spop (v2sf)  }
0x290: {  	v2 =	vimm.s32 $0xA;
	s21 =	sxor.u32 $0x80000000, s21  }
0x291: {  	v21 =	vmov s21  }
.Ltmp37:
0x292: {  	_ = 	snop;
	(pc) =	sbr.rel @p0 .LBB2_53-.Ltmp37, $4  }
0x293: {  	s20 =	sadd.s32 s5, s20  }
0x294: {  	v22 =	vmov s20  }
0x295: {  	s20 =	simm.s32 $0x2000;
	[tilespmem:v2+s14+$0x0] =	vst.idx.msk $0x1, v22  }
0x296: {  	[tilespmem:v21+s20+$0x0] =	vst.idx.msk $0x1, v19  }
0x297: {  	v20 =	vld [tilespmem:s20+$0x0];
	s21 =	simm.s32 $0x4080;
	p1 =	sne.s32 s19, $0x1  }
.Ltmp38:
0x298: {  	v21 =	vld [tilespmem:s21+$0x0];
	(pc) =	sbr.rel @!p1 .LBB2_52-.Ltmp38, $3  }
0x299: {  	_ =	sdelay $0x1  }
0x29a: {  	s22 =	simm.s32 $0x0  }
0x29b: {  	s23 =	sadd.s32 $0xFFFFFFFF, s19;
	s24 =	simm.s32 $0x2010;
	v22 =	vimm.s32 $0x7FFFFFFF;
	v23 =	vor.u32 s22, v1;
	vm0 =	vgt.f32 v20, v19  }
.LBB2_51:
0x29c: {  	p1 =	sne.s32 s23, $0x1;
	s23 =	sadd.s32 $0xFFFFFFFF, s23;
	v19 =	vsel vm0, v20, v19;
	v20 =	vld [tilespmem:s24+$0x0];
	v18 =	vsel vm0, v21, v18;
	v22 =	vsel vm0, v23, v22;
	s21 =	sadd.s32 $0x10, s21  }
.Ltmp39:
0x29d: {  	v21 =	vld [tilespmem:s21+$0x0];
	(pc) =	sbr.rel @p1 .LBB2_51-.Ltmp39, $3  }
0x29e: {  	_ =	sdelay $0x1  }
0x29f: {  	s22 =	sadd.s32 $0x10, s22  }
0x2a0: {  	s24 =	sadd.s32 $0x10, s24;
	v23 =	vor.u32 s22, v1;
	vm0 =	vgt.f32 v20, v19  }
.LBB2_52:
0x2a1: {  	v22 =	vsel vm0, v23, v22  }
0x2a2: {  	v19 =	vsel vm0, v20, v19;
	v18 =	vsel vm0, v21, v18;
	v20 =	vxor.u32 $0x80000000, v22  }
.LBB2_53:
0x2a3: {  	(xrf0) =	vmax.scan.msk.f32 $0xffff, v19;
	_ =	sdelay $0x5  }
0x2a4: {  	v21, _, _ =	vpop (xrf0)  }
0x2a5: {  	v21 =	vbroadcast v21, $0xF;
	_ =	sdelay $0x1  }
0x2a6: {  	vm0 =	veq.f32 v19, v21;
	v19 =	vxor.u32 $0x80000000, v18  }
0x2a7: {  	v19 =	vnsel vm0, $0xFFFFFFFF, v19  }
0x2a8: {  	(xrf0) =	vmin.scan.msk.u32 $0xffff, v19;
	_ =	sdelay $0x5  }
0x2a9: {  	v19, _, _ =	vpop (xrf0)  }
0x2aa: {  	(v2sf) =	vpush v19, $0xF;
	_ =	sdelay $0xe  }
0x2ab: {  	s21 =	spop (v2sf)  }
0x2ac: {  	s21 =	sxor.u32 $0x80000000, s21  }
0x2ad: {  	vm1 =	veq.s32 v18, s21  }
0x2ae: {  	vm0 =	vmand vm0, vm1  }
0x2af: {  	v18 =	vnsel vm0, $0xFFFFFFFF, v20  }
0x2b0: {  	(xrf0) =	vmin.scan.msk.u32 $0xffff, v18;
	_ =	sdelay $0x5  }
0x2b1: {  	v18, _, _ =	vpop (xrf0)  }
0x2b2: {  	(v2sf) =	vpush v18, $0xF;
	_ =	sdelay $0xe  }
0x2b3: {  	s22 =	spop (v2sf)  }
0x2b4: {  	v2 =	vimm.s32 $0xB;
	s22 =	sxor.u32 $0x80000000, s22  }
0x2b5: {  	v21 =	vmov s22  }
.Ltmp40:
0x2b6: {  	_ = 	snop;
	(pc) =	sbr.rel @p0 .LBB2_57-.Ltmp40, $4  }
0x2b7: {  	s21 =	sadd.s32 s5, s21  }
0x2b8: {  	v18 =	vmov s21  }
0x2b9: {  	v25 =	vimm.f32 $-Inf;
	v22 =	vimm.s32 $0xFFFFFFFF;
	v19 =	vimm.f32 $-Inf;
	[tilespmem:v2+s14+$0x0] =	vst.idx.msk $0x1, v18  }
0x2ba: {  	v20 =	vimm.s32 $0xFFFFFFFF;
	v18 =	vimm.s32 $0x7FFFFFFF;
	[tilespmem:v21+s20+$0x0] =	vst.idx.msk $0x1, v19;
	v21 =	vimm.s32 $0x7FFFFFFF  }
0x2bb: {  	v21 =	vld [tilespmem:s20+$0x0];
	s21 =	simm.s32 $0x4080;
	p1 =	sne.s32 s19, $0x1  }
.Ltmp41:
0x2bc: {  	v24 =	vld [tilespmem:s21+$0x0];
	(pc) =	sbr.rel @!p1 .LBB2_56-.Ltmp41, $3  }
0x2bd: {  	_ =	sdelay $0x1  }
0x2be: {  	s20 =	simm.s32 $0x0;
	v22 =	vimm.f32 $-Inf;
	v23 =	vimm.s32 $0x7FFFFFFF  }
0x2bf: {  	s22 =	sadd.s32 $0xFFFFFFFF, s19;
	s23 =	simm.s32 $0x2010;
	v25 =	vimm.s32 $0x7FFFFFFF;
	v26 =	vor.u32 s20, v1;
	vm0 =	vgt.f32 v21, v19  }
.LBB2_55:
0x2c0: {  	p1 =	sne.s32 s22, $0x1;
	s22 =	sadd.s32 $0xFFFFFFFF, s22;
	v22 =	vsel vm0, v21, v22;
	v21 =	vld [tilespmem:s23+$0x0];
	v23 =	vsel vm0, v24, v23;
	v25 =	vsel vm0, v26, v25;
	s21 =	sadd.s32 $0x10, s21  }
.Ltmp42:
0x2c1: {  	v24 =	vld [tilespmem:s21+$0x0];
	(pc) =	sbr.rel @p1 .LBB2_55-.Ltmp42, $3  }
0x2c2: {  	_ =	sdelay $0x1  }
0x2c3: {  	s20 =	sadd.s32 $0x10, s20  }
0x2c4: {  	s23 =	sadd.s32 $0x10, s23;
	v26 =	vor.u32 s20, v1;
	vm0 =	vgt.f32 v21, v22  }
.LBB2_56:
0x2c5: {  	v26 =	vsel vm0, v26, v25  }
0x2c6: {  	v25 =	vsel vm0, v21, v22;
	v21 =	vsel vm0, v24, v23;
	v22 =	vxor.u32 $0x80000000, v26  }
.LBB2_57:
0x2c7: {  	(xrf0) =	vmax.scan.msk.f32 $0xffff, v25;
	_ =	sdelay $0x5  }
0x2c8: {  	v23, _, _ =	vpop (xrf0)  }
0x2c9: {  	v23 =	vbroadcast v23, $0xF;
	_ =	sdelay $0x1  }
0x2ca: {  	vm0 =	veq.f32 v25, v23;
	v23 =	vxor.u32 $0x80000000, v21  }
0x2cb: {  	v23 =	vnsel vm0, $0xFFFFFFFF, v23  }
0x2cc: {  	(xrf0) =	vmin.scan.msk.u32 $0xffff, v23;
	_ =	sdelay $0x5  }
0x2cd: {  	v23, _, _ =	vpop (xrf0)  }
0x2ce: {  	(v2sf) =	vpush v23, $0xF;
	_ =	sdelay $0xe  }
0x2cf: {  	s20 =	spop (v2sf)  }
0x2d0: {  	s20 =	sxor.u32 $0x80000000, s20  }
0x2d1: {  	vm1 =	veq.s32 v21, s20  }
0x2d2: {  	vm0 =	vmand vm0, vm1  }
0x2d3: {  	v21 =	vnsel vm0, $0xFFFFFFFF, v22  }
0x2d4: {  	(xrf0) =	vmin.scan.msk.u32 $0xffff, v21;
	_ =	sdelay $0x5  }
0x2d5: {  	v21, _, _ =	vpop (xrf0)  }
0x2d6: {  	(v2sf) =	vpush v21, $0xF;
	_ =	sdelay $0xe  }
0x2d7: {  	s21 =	spop (v2sf)  }
0x2d8: {  	v2 =	vimm.s32 $0xC;
	s21 =	sxor.u32 $0x80000000, s21  }
0x2d9: {  	v21 =	vmov s21  }
.Ltmp43:
0x2da: {  	_ = 	snop;
	(pc) =	sbr.rel @p0 .LBB2_61-.Ltmp43, $4  }
0x2db: {  	s20 =	sadd.s32 s5, s20  }
0x2dc: {  	v22 =	vmov s20  }
0x2dd: {  	s20 =	simm.s32 $0x2000;
	[tilespmem:v2+s14+$0x0] =	vst.idx.msk $0x1, v22  }
0x2de: {  	[tilespmem:v21+s20+$0x0] =	vst.idx.msk $0x1, v19  }
0x2df: {  	v20 =	vld [tilespmem:s20+$0x0];
	s21 =	simm.s32 $0x4080;
	p1 =	sne.s32 s19, $0x1  }
.Ltmp44:
0x2e0: {  	v21 =	vld [tilespmem:s21+$0x0];
	(pc) =	sbr.rel @!p1 .LBB2_60-.Ltmp44, $3  }
0x2e1: {  	_ =	sdelay $0x1  }
0x2e2: {  	s22 =	simm.s32 $0x0  }
0x2e3: {  	s23 =	sadd.s32 $0xFFFFFFFF, s19;
	s24 =	simm.s32 $0x2010;
	v22 =	vimm.s32 $0x7FFFFFFF;
	v23 =	vor.u32 s22, v1;
	vm0 =	vgt.f32 v20, v19  }
.LBB2_59:
0x2e4: {  	p1 =	sne.s32 s23, $0x1;
	s23 =	sadd.s32 $0xFFFFFFFF, s23;
	v19 =	vsel vm0, v20, v19;
	v20 =	vld [tilespmem:s24+$0x0];
	v18 =	vsel vm0, v21, v18;
	v22 =	vsel vm0, v23, v22;
	s21 =	sadd.s32 $0x10, s21  }
.Ltmp45:
0x2e5: {  	v21 =	vld [tilespmem:s21+$0x0];
	(pc) =	sbr.rel @p1 .LBB2_59-.Ltmp45, $3  }
0x2e6: {  	_ =	sdelay $0x1  }
0x2e7: {  	s22 =	sadd.s32 $0x10, s22  }
0x2e8: {  	s24 =	sadd.s32 $0x10, s24;
	v23 =	vor.u32 s22, v1;
	vm0 =	vgt.f32 v20, v19  }
.LBB2_60:
0x2e9: {  	v22 =	vsel vm0, v23, v22  }
0x2ea: {  	v19 =	vsel vm0, v20, v19;
	v18 =	vsel vm0, v21, v18;
	v20 =	vxor.u32 $0x80000000, v22  }
.LBB2_61:
0x2eb: {  	(xrf0) =	vmax.scan.msk.f32 $0xffff, v19;
	_ =	sdelay $0x5  }
0x2ec: {  	v21, _, _ =	vpop (xrf0)  }
0x2ed: {  	v21 =	vbroadcast v21, $0xF;
	_ =	sdelay $0x1  }
0x2ee: {  	vm0 =	veq.f32 v19, v21;
	v19 =	vxor.u32 $0x80000000, v18  }
0x2ef: {  	v19 =	vnsel vm0, $0xFFFFFFFF, v19  }
0x2f0: {  	(xrf0) =	vmin.scan.msk.u32 $0xffff, v19;
	_ =	sdelay $0x5  }
0x2f1: {  	v19, _, _ =	vpop (xrf0)  }
0x2f2: {  	(v2sf) =	vpush v19, $0xF;
	_ =	sdelay $0xe  }
0x2f3: {  	s21 =	spop (v2sf)  }
0x2f4: {  	s21 =	sxor.u32 $0x80000000, s21  }
0x2f5: {  	vm1 =	veq.s32 v18, s21  }
0x2f6: {  	vm0 =	vmand vm0, vm1  }
0x2f7: {  	v18 =	vnsel vm0, $0xFFFFFFFF, v20  }
0x2f8: {  	(xrf0) =	vmin.scan.msk.u32 $0xffff, v18;
	_ =	sdelay $0x5  }
0x2f9: {  	v18, _, _ =	vpop (xrf0)  }
0x2fa: {  	(v2sf) =	vpush v18, $0xF;
	_ =	sdelay $0xe  }
0x2fb: {  	s22 =	spop (v2sf)  }
0x2fc: {  	v2 =	vimm.s32 $0xD;
	s22 =	sxor.u32 $0x80000000, s22  }
0x2fd: {  	v21 =	vmov s22  }
.Ltmp46:
0x2fe: {  	_ = 	snop;
	(pc) =	sbr.rel @p0 .LBB2_65-.Ltmp46, $4  }
0x2ff: {  	s21 =	sadd.s32 s5, s21  }
0x300: {  	v18 =	vmov s21  }
0x301: {  	v25 =	vimm.f32 $-Inf;
	v22 =	vimm.s32 $0xFFFFFFFF;
	v19 =	vimm.f32 $-Inf;
	[tilespmem:v2+s14+$0x0] =	vst.idx.msk $0x1, v18  }
0x302: {  	v20 =	vimm.s32 $0xFFFFFFFF;
	v18 =	vimm.s32 $0x7FFFFFFF;
	[tilespmem:v21+s20+$0x0] =	vst.idx.msk $0x1, v19;
	v21 =	vimm.s32 $0x7FFFFFFF  }
0x303: {  	v21 =	vld [tilespmem:s20+$0x0];
	s21 =	simm.s32 $0x4080;
	p1 =	sne.s32 s19, $0x1  }
.Ltmp47:
0x304: {  	v24 =	vld [tilespmem:s21+$0x0];
	(pc) =	sbr.rel @!p1 .LBB2_64-.Ltmp47, $3  }
0x305: {  	_ =	sdelay $0x1  }
0x306: {  	s20 =	simm.s32 $0x0;
	v22 =	vimm.f32 $-Inf;
	v23 =	vimm.s32 $0x7FFFFFFF  }
0x307: {  	s22 =	sadd.s32 $0xFFFFFFFF, s19;
	s23 =	simm.s32 $0x2010;
	v25 =	vimm.s32 $0x7FFFFFFF;
	v26 =	vor.u32 s20, v1;
	vm0 =	vgt.f32 v21, v19  }
.LBB2_63:
0x308: {  	p1 =	sne.s32 s22, $0x1;
	s22 =	sadd.s32 $0xFFFFFFFF, s22;
	v22 =	vsel vm0, v21, v22;
	v21 =	vld [tilespmem:s23+$0x0];
	v23 =	vsel vm0, v24, v23;
	v25 =	vsel vm0, v26, v25;
	s21 =	sadd.s32 $0x10, s21  }
.Ltmp48:
0x309: {  	v24 =	vld [tilespmem:s21+$0x0];
	(pc) =	sbr.rel @p1 .LBB2_63-.Ltmp48, $3  }
0x30a: {  	_ =	sdelay $0x1  }
0x30b: {  	s20 =	sadd.s32 $0x10, s20  }
0x30c: {  	s23 =	sadd.s32 $0x10, s23;
	v26 =	vor.u32 s20, v1;
	vm0 =	vgt.f32 v21, v22  }
.LBB2_64:
0x30d: {  	v26 =	vsel vm0, v26, v25  }
0x30e: {  	v25 =	vsel vm0, v21, v22;
	v21 =	vsel vm0, v24, v23;
	v22 =	vxor.u32 $0x80000000, v26  }
.LBB2_65:
0x30f: {  	(xrf0) =	vmax.scan.msk.f32 $0xffff, v25;
	_ =	sdelay $0x5  }
0x310: {  	v23, _, _ =	vpop (xrf0)  }
0x311: {  	v23 =	vbroadcast v23, $0xF;
	_ =	sdelay $0x1  }
0x312: {  	vm0 =	veq.f32 v25, v23;
	v23 =	vxor.u32 $0x80000000, v21  }
0x313: {  	v23 =	vnsel vm0, $0xFFFFFFFF, v23  }
0x314: {  	(xrf0) =	vmin.scan.msk.u32 $0xffff, v23;
	_ =	sdelay $0x5  }
0x315: {  	v23, _, _ =	vpop (xrf0)  }
0x316: {  	(v2sf) =	vpush v23, $0xF;
	_ =	sdelay $0xe  }
0x317: {  	s20 =	spop (v2sf)  }
0x318: {  	s20 =	sxor.u32 $0x80000000, s20  }
0x319: {  	vm1 =	veq.s32 v21, s20  }
0x31a: {  	vm0 =	vmand vm0, vm1  }
0x31b: {  	v21 =	vnsel vm0, $0xFFFFFFFF, v22  }
0x31c: {  	(xrf0) =	vmin.scan.msk.u32 $0xffff, v21;
	_ =	sdelay $0x5  }
0x31d: {  	v21, _, _ =	vpop (xrf0)  }
0x31e: {  	(v2sf) =	vpush v21, $0xF;
	_ =	sdelay $0xe  }
0x31f: {  	s21 =	spop (v2sf)  }
0x320: {  	v2 =	vimm.s32 $0xE;
	s21 =	sxor.u32 $0x80000000, s21  }
0x321: {  	v21 =	vmov s21  }
.Ltmp49:
0x322: {  	_ = 	snop;
	(pc) =	sbr.rel @p0 .LBB2_69-.Ltmp49, $4  }
0x323: {  	s20 =	sadd.s32 s5, s20  }
0x324: {  	v22 =	vmov s20  }
0x325: {  	s20 =	simm.s32 $0x2000;
	[tilespmem:v2+s14+$0x0] =	vst.idx.msk $0x1, v22  }
0x326: {  	[tilespmem:v21+s20+$0x0] =	vst.idx.msk $0x1, v19  }
0x327: {  	v20 =	vld [tilespmem:s20+$0x0];
	s20 =	simm.s32 $0x4080;
	p0 =	sne.s32 s19, $0x1  }
.Ltmp50:
0x328: {  	v21 =	vld [tilespmem:s20+$0x0];
	(pc) =	sbr.rel @!p0 .LBB2_68-.Ltmp50, $3  }
0x329: {  	_ =	sdelay $0x1  }
0x32a: {  	s21 =	simm.s32 $0x0  }
0x32b: {  	s19 =	sadd.s32 $0xFFFFFFFF, s19;
	s22 =	simm.s32 $0x2010;
	v22 =	vimm.s32 $0x7FFFFFFF;
	v23 =	vor.u32 s21, v1;
	vm0 =	vgt.f32 v20, v19  }
.LBB2_67:
0x32c: {  	p0 =	sne.s32 s19, $0x1;
	s19 =	sadd.s32 $0xFFFFFFFF, s19;
	v19 =	vsel vm0, v20, v19;
	v20 =	vld [tilespmem:s22+$0x0];
	v18 =	vsel vm0, v21, v18;
	v22 =	vsel vm0, v23, v22;
	s20 =	sadd.s32 $0x10, s20  }
.Ltmp51:
0x32d: {  	v21 =	vld [tilespmem:s20+$0x0];
	(pc) =	sbr.rel @p0 .LBB2_67-.Ltmp51, $3  }
0x32e: {  	_ =	sdelay $0x1  }
0x32f: {  	s21 =	sadd.s32 $0x10, s21  }
0x330: {  	s22 =	sadd.s32 $0x10, s22;
	v23 =	vor.u32 s21, v1;
	vm0 =	vgt.f32 v20, v19  }
.Ltmp52:
0x331: {  	_ = 	snop;
	(pc) =	sbr.rel .LBB2_68-.Ltmp52, $1  }
0x332: {  	_ =	sdelay $0x3  }
.LBB2_70:
0x333: {  	_ =	sfence.sel $0x180000  }
0x334: {  	[bflag:$0x0] =	sbarrier.arrive $0xFFFF  }
0x335: {  	p0 =	sne.s32 s0, $0x0;
	_ =	strace $0x90000047  }
0x336: {  	s0 =	sadd.s32 @!p0 $0x100000, s1;
	[bflag:$0x2] =	sbarrier.arrive $0xFFFF  }
0x337: {  	[sflag:s0] =	ssyncadd.tile.s32 @!p0 $0x1;
	_ =	shalt  }
.Lfunc_end2:
_tile_overlayer_lowered:
.L_overlay_start_2:
0x338: {  	(tag) =	ssettag $0x2  }
0x339: {  	s0 =	rddreg [dreg:$0x0];
	s2 =	stileid.u32  }
0x33a: {  	s1 =	rddreg [dreg:$0x1];
	p0 =	sne.s32 s2, $0x0  }
0x33b: {  	s3 =	rddreg [dreg:$0x2];
	[bflag:$0x3] =	sbarrier.arrive $0xFFFF;
	s2 =	simm.s32 @!p0 $0x1C02  }
0x33c: {  	[timem:s3], [sflag:s2] =	dma.local @!p0 [hbm:s0], s1  }
0x33d: {  	s0 =	simm.s32 @!p0 $0x2  }
0x33e: {  	_ =	swait.ge @!p0 [sflag:s0], s1  }
0x33f: {  	s1 =	ssub.s32 @!p0 $0x0, s1;
	[sflag:s0] =	ssyncset.done @!p0 $0x0  }
0x340: {  	[sflag:s0] =	ssyncadd.s32 @!p0 s1  }
0x341: {  	[bflag:$0x3] =	sbarrier.arrive $0xFFFF  }
0x342: {  	_ =	shalt  }

</sc_bundles>
